<compile_context>
chip_gen: v7x
topology: tpu7x:2x2x1
jax: 0.10.2.dev20260603
libtpu: 0.0.44.dev20260713+nightly
codegen_flags: <defaults>
</compile_context>

<pallas_src>
import functools

import jax
import jax.numpy as jnp
from jax import lax
from jax.experimental import pallas as pl
from jax.experimental.pallas import tpu as pltpu
from jax.experimental.pallas import tpu_sc as plsc

N_NODES = 50000
N_EDGES = 3200000
D_FEAT = 128
D_EDGE = 16

NC = 2
NS = 16
NW = NC * NS

SB = 128
N_ROWS = N_EDGES // SB
N_GROUPS = N_ROWS // 8
G_BASE = N_GROUPS // NW
G_EXTRA = N_GROUPS % NW
KS = 4
EDGES_SUP = KS * SB
HROWS = N_EDGES * 8 // SB
TW = 137

N_PAD = 50048
ROWS_PER_SUB = N_PAD // NS
ZROWS = 136

MAXITER = 49


def _sc_body(edge_hbm, dest_hbm, p0_hbm, p1_hbm,
             tb0, tb1, tb2, tb3, rb0, rb1, rb2, rb3, ib0, ib1, ib2, ib3,
             zbuf, acc, ls0, ls1, ls2, ls3, ss0, ss1, ss2, ss3):
    c = lax.axis_index("c")
    s = lax.axis_index("s")
    wid = s * NC + c
    tbufs = (tb0, tb1, tb2, tb3)
    rbufs = (rb0, rb1, rb2, rb3)
    ibufs = (ib0, ib1, ib2, ib3)
    lsems = (ls0, ls1, ls2, ls3)
    ssems = (ss0, ss1, ss2, ss3)

    start_row = (wid * G_BASE + jnp.minimum(wid, G_EXTRA)) * 8
    n_super = 2 * G_BASE + jnp.where(wid < G_EXTRA, 2, 0)

    def fire_loads(g, b):
        row0 = start_row + g * KS
        pltpu.async_copy(edge_hbm.at[pl.ds(row0 * 8, KS * 8), :],
                         tbufs[b].at[pl.ds(0, KS * 8), pl.ds(0, SB)], lsems[b])
        pltpu.async_copy(edge_hbm.at[pl.ds(HROWS + row0 * 8, KS * 8), :],
                         tbufs[b].at[pl.ds(KS * 8, KS * 8), pl.ds(8, SB)], lsems[b])
        pltpu.async_copy(dest_hbm.at[pl.ds(row0, KS), 1, :], ibufs[b], lsems[b])

    fire_loads(0, 0)
    fire_loads(1, 1)

    @plsc.parallel_loop(0, ZROWS, 1, unroll=4)
    def _zfill(i):
        zbuf[i, :] = jnp.zeros((16,), jnp.float32)

    for k in range(ROWS_PER_SUB // ZROWS):
        pltpu.sync_copy(zbuf, acc.at[pl.ds(s * ROWS_PER_SUB + k * ZROWS, ZROWS), :])
    plsc.subcore_barrier()

    iota = lax.iota(jnp.int32, 16)
    half = jnp.where(iota < 8, 0, 1)
    rowbase = half * (KS * 8) + lax.rem(iota, 8)
    colbase = half * 8

    def drain_loads(b):
        pltpu.make_async_copy(edge_hbm.at[pl.ds(0, 2 * KS * 8), :],
                              tbufs[b].at[:, pl.ds(0, SB)], lsems[b]).wait()
        pltpu.make_async_copy(dest_hbm.at[pl.ds(0, KS), 1, :], ibufs[b],
                              lsems[b]).wait()

    def drain_scatters(b):
        pltpu.make_async_copy(rbufs[b], acc.at[pl.ds(0, EDGES_SUP), :],
                              ssems[b]).wait()

    def outer(i, carry):
        for k in range(4):
            g = 4 * i + k

            @pl.when(g < n_super)
            def _iter():
                tbuf, rbuf, ibuf = tbufs[k], rbufs[k], ibufs[k]
                drain_loads(k)

                @pl.when(g >= 2)
                def _():
                    drain_scatters((k + 2) % 4)

                @pl.when(g + 2 < n_super)
                def _():
                    fire_loads(g + 2, (k + 2) % 4)

                @plsc.parallel_loop(0, EDGES_SUP, 1, unroll=8)
                def _trans(t):
                    j8 = lax.shift_left(lax.shift_right_logical(t, 7), 3)
                    e = lax.bitwise_and(t, SB - 1)
                    v = plsc.load_gather(
                        tbuf,
                        [rowbase + jnp.broadcast_to(j8, (16,)),
                         colbase + jnp.broadcast_to(e, (16,))])
                    rbuf[t, :] = v

                for j in range(KS):
                    pltpu.async_copy(rbuf.at[pl.ds(j * SB, SB), :],
                                     acc.at[ibuf.at[j]], ssems[k], add=True)

        return carry

    lax.fori_loop(0, MAXITER, outer, 0)

    @pl.when(wid < G_EXTRA)
    def _():
        drain_scatters(2)
        drain_scatters(3)

    @pl.when(wid >= G_EXTRA)
    def _():
        drain_scatters(0)
        drain_scatters(1)

    plsc.subcore_barrier()

    src = acc.at[pl.ds(s * ROWS_PER_SUB, ROWS_PER_SUB), :]

    @pl.when(c == 0)
    def _w0():
        pltpu.sync_copy(src, p0_hbm.at[pl.ds(s * ROWS_PER_SUB, ROWS_PER_SUB), :])

    @pl.when(c == 1)
    def _w1():
        pltpu.sync_copy(src, p1_hbm.at[pl.ds(s * ROWS_PER_SUB, ROWS_PER_SUB), :])


_sc_segsum = functools.partial(
    pl.kernel,
    out_type=(
        jax.ShapeDtypeStruct((N_PAD, D_EDGE), jnp.float32),
        jax.ShapeDtypeStruct((N_PAD, D_EDGE), jnp.float32),
    ),
    mesh=plsc.VectorSubcoreMesh(core_axis_name="c", subcore_axis_name="s"),
    compiler_params=pltpu.CompilerParams(
        use_tc_tiling_on_sc=False, needs_layout_passes=False
    ),
    scratch_types=[
        pltpu.VMEM((2 * KS * 8, TW), jnp.float32),
        pltpu.VMEM((2 * KS * 8, TW), jnp.float32),
        pltpu.VMEM((2 * KS * 8, TW), jnp.float32),
        pltpu.VMEM((2 * KS * 8, TW), jnp.float32),
        pltpu.VMEM((EDGES_SUP, D_EDGE), jnp.float32),
        pltpu.VMEM((EDGES_SUP, D_EDGE), jnp.float32),
        pltpu.VMEM((EDGES_SUP, D_EDGE), jnp.float32),
        pltpu.VMEM((EDGES_SUP, D_EDGE), jnp.float32),
        pltpu.VMEM((KS, SB), jnp.int32),
        pltpu.VMEM((KS, SB), jnp.int32),
        pltpu.VMEM((KS, SB), jnp.int32),
        pltpu.VMEM((KS, SB), jnp.int32),
        pltpu.VMEM((ZROWS, D_EDGE), jnp.float32),
        pltpu.VMEM_SHARED((N_PAD, D_EDGE), jnp.float32),
        pltpu.SemaphoreType.DMA,
        pltpu.SemaphoreType.DMA,
        pltpu.SemaphoreType.DMA,
        pltpu.SemaphoreType.DMA,
        pltpu.SemaphoreType.DMA,
        pltpu.SemaphoreType.DMA,
        pltpu.SemaphoreType.DMA,
        pltpu.SemaphoreType.DMA,
    ],
)(_sc_body)


def _tc_base_body(n_ref, w_ref, b_ref, o_ref):
    o_ref[...] = (
        jnp.dot(n_ref[...], w_ref[:D_FEAT, :], preferred_element_type=jnp.float32)
        + b_ref[...]
    )


def _tc_add_body(base_ref, p0_ref, p1_ref, w_ref, o_ref):
    psum = p0_ref[...] + p1_ref[...]
    w2 = w_ref[D_FEAT:, :]
    ys = [
        jnp.dot(psum[:, q * D_EDGE:(q + 1) * D_EDGE], w2,
                preferred_element_type=jnp.float32)
        for q in range(8)
    ]
    y = jnp.stack(ys, axis=1).reshape(BR, D_FEAT)
    o_ref[...] = base_ref[...] + y


BR = 2048


def _tc_linear(node_attr, p0, p1, W, b2):
    grid = (N_NODES + BR - 1) // BR
    base = pl.pallas_call(
        _tc_base_body,
        grid=(grid,),
        in_specs=[
            pl.BlockSpec((BR, D_FEAT), lambda i: (i, 0)),
            pl.BlockSpec((D_FEAT + D_EDGE, D_FEAT), lambda i: (0, 0)),
            pl.BlockSpec((1, D_FEAT), lambda i: (0, 0)),
        ],
        out_specs=pl.BlockSpec((BR, D_FEAT), lambda i: (i, 0)),
        out_shape=jax.ShapeDtypeStruct((N_NODES, D_FEAT), jnp.float32),
    )(node_attr, W, b2)
    return pl.pallas_call(
        _tc_add_body,
        grid=(grid,),
        in_specs=[
            pl.BlockSpec((BR, D_FEAT), lambda i: (i, 0)),
            pl.BlockSpec((BR // 8, D_FEAT), lambda i: (i, 0)),
            pl.BlockSpec((BR // 8, D_FEAT), lambda i: (i, 0)),
            pl.BlockSpec((D_FEAT + D_EDGE, D_FEAT), lambda i: (0, 0)),
        ],
        out_specs=pl.BlockSpec((BR, D_FEAT), lambda i: (i, 0)),
        out_shape=jax.ShapeDtypeStruct((N_NODES, D_FEAT), jnp.float32),
    )(base, p0, p1, W)


def kernel(node_attr, edge_attr, edge_index, W, b):
    edge2d = (
        edge_attr.reshape(N_ROWS, SB, 2, 8)
        .transpose(2, 0, 3, 1)
        .reshape(2 * HROWS, SB)
    )
    dest = (
        edge_index.astype(jnp.int32).reshape(2, N_ROWS, SB).transpose(1, 0, 2)
    )
    p0, p1 = _sc_segsum(edge2d, dest)
    p0p = p0.reshape(N_PAD // 8, D_FEAT)
    p1p = p1.reshape(N_PAD // 8, D_FEAT)
    return _tc_linear(node_attr, p0p, p1p, W, b.reshape(1, D_FEAT))

# --- scband reference (transcript-rebuilt; emitter-appended) ---
"""Pipeline reference for scband-node-model-22728966930794 (READ-ONLY COPY).

The authoritative reference and input builder live on the scoring server;
editing this copy changes nothing except your own understanding.
"""

import jax, jax.numpy as jnp
import numpy as np

N_NODES = 50000
N_EDGES = 3200000
D_FEAT = 128
D_EDGE = 16


def setup_inputs(seed: int = 0) -> dict:
    key = jax.random.key(seed)
    k1, k2, k3, k4, k5 = jax.random.split(key, 5)
    node_attr = jax.random.normal(k1, (N_NODES, D_FEAT), dtype=jnp.float32)
    edge_attr = jax.random.normal(k2, (N_EDGES, D_EDGE), dtype=jnp.float32)
    edge_index = jax.random.randint(k3, (2, N_EDGES), 0, N_NODES, dtype=jnp.int64)
    # Learned params for self.net = Linear(D_FEAT + D_EDGE, D_FEAT)
    fan_in = D_FEAT + D_EDGE
    bound = 1.0 / np.sqrt(fan_in)
    W = jax.random.uniform(k4, (fan_in, D_FEAT), dtype=jnp.float32, minval=-bound, maxval=bound)
    b = jax.random.uniform(k5, (D_FEAT,), dtype=jnp.float32, minval=-bound, maxval=bound)
    return {"node_attr": node_attr, "edge_attr": edge_attr, "edge_index": edge_index, "W": W, "b": b}


def reference(node_attr, edge_attr, edge_index, W, b):
    dest = edge_index[1]
    num_nodes = node_attr.shape[0]
    # scatter_add(edge_attr, dest, dim=0, dim_size=num_nodes)
    agg_received_edges = jax.ops.segment_sum(edge_attr, dest, num_segments=num_nodes)
    collected_nodes = jnp.concatenate([node_attr, agg_received_edges], axis=-1)
    x = collected_nodes @ W + b
    return x

if __name__ == "__main__":
    import jax
    _d = setup_inputs()
    print(jax.jit(kernel)(*tuple(_d.values())))

</pallas_src>

<mosaic_0001>
#map = affine_map<(d0, d1) -> (0, 0)>
#map1 = affine_map<(d0, d1) -> (0, 0, 0)>
module attributes {stable_mosaic.version = 14 : i64} {
  func.func @_sc_body(%arg0: i32, %arg1: i32, %arg2: memref<400000x128xf32, #tpu.memory_space<hbm>>, %arg3: memref<25000x2x128xi32, #tpu.memory_space<hbm>>, %arg4: memref<50048x16xf32, #tpu.memory_space<hbm>>, %arg5: memref<50048x16xf32, #tpu.memory_space<hbm>>, %arg6: memref<64x137xf32, #tpu.memory_space<vmem>>, %arg7: memref<64x137xf32, #tpu.memory_space<vmem>>, %arg8: memref<64x137xf32, #tpu.memory_space<vmem>>, %arg9: memref<64x137xf32, #tpu.memory_space<vmem>>, %arg10: memref<512x16xf32, #tpu.memory_space<vmem>>, %arg11: memref<512x16xf32, #tpu.memory_space<vmem>>, %arg12: memref<512x16xf32, #tpu.memory_space<vmem>>, %arg13: memref<512x16xf32, #tpu.memory_space<vmem>>, %arg14: memref<4x128xi32, #tpu.memory_space<vmem>>, %arg15: memref<4x128xi32, #tpu.memory_space<vmem>>, %arg16: memref<4x128xi32, #tpu.memory_space<vmem>>, %arg17: memref<4x128xi32, #tpu.memory_space<vmem>>, %arg18: memref<136x16xf32, #tpu.memory_space<vmem>>, %arg19: memref<50048x16xf32, #tpu.memory_space<vmem_shared>>, %arg20: memref<!tpu.dma_semaphore, #tpu.memory_space<semaphore_mem>>, %arg21: memref<!tpu.dma_semaphore, #tpu.memory_space<semaphore_mem>>, %arg22: memref<!tpu.dma_semaphore, #tpu.memory_space<semaphore_mem>>, %arg23: memref<!tpu.dma_semaphore, #tpu.memory_space<semaphore_mem>>, %arg24: memref<!tpu.dma_semaphore, #tpu.memory_space<semaphore_mem>>, %arg25: memref<!tpu.dma_semaphore, #tpu.memory_space<semaphore_mem>>, %arg26: memref<!tpu.dma_semaphore, #tpu.memory_space<semaphore_mem>>, %arg27: memref<!tpu.dma_semaphore, #tpu.memory_space<semaphore_mem>>) attributes {dimension_semantics = [#tpu.dimension_semantics<core_parallel>, #tpu.dimension_semantics<subcore_parallel>], iteration_bounds = array<i64: 2, 16>, scalar_prefetch = 0 : i64, scratch_operands = 22 : i64, tpu.core_type = #tpu.core_type<sc_vector_subcore>, window_params = [{transform_indices = #map}, {transform_indices = #map1}, {transform_indices = #map}, {transform_indices = #map}]} {
    %mul3A = arith.constant 2 : i32
    %mul3A_0 = arith.muli %arg1, %mul3A : i32
    %add3A = arith.addi %mul3A_0, %arg0 : i32
    %mul3A_1 = arith.constant 97 : i32
    %mul3A_2 = arith.muli %add3A, %mul3A_1 : i32
    %min3A = arith.constant 21 : i32
    %min3A_3 = arith.minsi %add3A, %min3A : i32
    %add3A_4 = arith.addi %mul3A_2, %min3A_3 : i32
    %mul3A_5 = arith.constant 8 : i32
    %mul3A_6 = arith.muli %add3A_4, %mul3A_5 : i32
    %lt3A = arith.constant 21 : i32
    %lt3A_7 = arith.cmpi slt, %add3A, %lt3A : i32
    %jit3A = arith.constant 2 : i32
    %jit3A_8 = arith.constant 0 : i32
    %select_n3A = arith.select %lt3A_7, %jit3A, %jit3A_8 : i32
    %add3A_9 = arith.constant 194 : i32
    %add3A_10 = arith.addi %add3A_9, %select_n3A : i32
    %add3A_11 = arith.constant 0 : i32
    %add3A_12 = arith.addi %mul3A_6, %add3A_11 : i32
    %mul3A_13 = arith.constant 8 : i32
    %mul3A_14 = arith.muli %add3A_12, %mul3A_13 : i32
    %dma_start3A = arith.constant 0 : i32
    %dma_start3A_15 = arith.constant 0 : i32
    %dma_start3A_16 = tpu.memref_slice %arg6[%dma_start3A, %dma_start3A_15] : memref<64x137xf32, #tpu.memory_space<vmem>> -> memref<32x128xf32, #tpu.memory_space<vmem>>
    %dma_start3A_17 = arith.constant 0 : i32
    %dma_start3A_18 = tpu.memref_slice %arg2[%mul3A_14, %dma_start3A_17] : memref<400000x128xf32, #tpu.memory_space<hbm>> -> memref<32x128xf32, #tpu.memory_space<hbm>>
    %dma_start3A_19 = arith.constant 0 : i32
    %dma_start3A_20 = arith.constant 0 : i32
    %dma_start3A_21 = tpu.memref_slice %arg6[%dma_start3A_19, %dma_start3A_20] : memref<64x137xf32, #tpu.memory_space<vmem>> -> memref<32x128xf32, #tpu.memory_space<vmem>>
    %dma_start3A_22 = arith.constant 0 : i32
    %dma_start3A_23 = tpu.memref_slice %arg2[%mul3A_14, %dma_start3A_22] : memref<400000x128xf32, #tpu.memory_space<hbm>> -> memref<32x128xf32, #tpu.memory_space<hbm>>
    tpu.enqueue_dma source(%dma_start3A_23 : memref<32x128xf32, #tpu.memory_space<hbm>>) target(%dma_start3A_21 : memref<32x128xf32, #tpu.memory_space<vmem>>) target_semaphore(%arg20 : memref<!tpu.dma_semaphore, #tpu.memory_space<semaphore_mem>>)
    %mul3A_24 = arith.constant 8 : i32
    %mul3A_25 = arith.muli %add3A_12, %mul3A_24 : i32
    %add3A_26 = arith.constant 200000 : i32
    %add3A_27 = arith.addi %add3A_26, %mul3A_25 : i32
    %dma_start3A_28 = arith.constant 32 : i32
    %dma_start3A_29 = arith.constant 8 : i32
    %dma_start3A_30 = tpu.memref_slice %arg6[%dma_start3A_28, %dma_start3A_29] : memref<64x137xf32, #tpu.memory_space<vmem>> -> memref<32x128xf32, #tpu.memory_space<vmem>>
    %dma_start3A_31 = arith.constant 0 : i32
    %dma_start3A_32 = tpu.memref_slice %arg2[%add3A_27, %dma_start3A_31] : memref<400000x128xf32, #tpu.memory_space<hbm>> -> memref<32x128xf32, #tpu.memory_space<hbm>>
    %dma_start3A_33 = arith.constant 32 : i32
    %dma_start3A_34 = arith.constant 8 : i32
    %dma_start3A_35 = tpu.memref_slice %arg6[%dma_start3A_33, %dma_start3A_34] : memref<64x137xf32, #tpu.memory_space<vmem>> -> memref<32x128xf32, #tpu.memory_space<vmem>>
    %dma_start3A_36 = arith.constant 0 : i32
    %dma_start3A_37 = tpu.memref_slice %arg2[%add3A_27, %dma_start3A_36] : memref<400000x128xf32, #tpu.memory_space<hbm>> -> memref<32x128xf32, #tpu.memory_space<hbm>>
    tpu.enqueue_dma source(%dma_start3A_37 : memref<32x128xf32, #tpu.memory_space<hbm>>) target(%dma_start3A_35 : memref<32x128xf32, #tpu.memory_space<vmem>>) target_semaphore(%arg20 : memref<!tpu.dma_semaphore, #tpu.memory_space<semaphore_mem>>)
    %dma_start3A_38 = arith.constant 1 : i32
    %dma_start3A_39 = arith.constant 0 : i32
    %dma_start3A_40 = tpu.memref_slice %arg3[%add3A_12, %dma_start3A_38, %dma_start3A_39] : memref<25000x2x128xi32, #tpu.memory_space<hbm>> -> memref<4x1x128xi32, #tpu.memory_space<hbm>>
    %dma_start3A_41 = tpu.memref_squeeze %dma_start3A_40 : memref<4x1x128xi32, #tpu.memory_space<hbm>> -> memref<4x128xi32, #tpu.memory_space<hbm>>
    %dma_start3A_42 = arith.constant 0 : i32
    %dma_start3A_43 = tpu.memref_slice %arg3[%add3A_12, %dma_start3A_38, %dma_start3A_42] : memref<25000x2x128xi32, #tpu.memory_space<hbm>> -> memref<4x1x128xi32, #tpu.memory_space<hbm>>
    %dma_start3A_44 = tpu.memref_squeeze %dma_start3A_43 : memref<4x1x128xi32, #tpu.memory_space<hbm>> -> memref<4x128xi32, #tpu.memory_space<hbm>>
    tpu.enqueue_dma source(%dma_start3A_44 : memref<4x128xi32, #tpu.memory_space<hbm>>) target(%arg14 : memref<4x128xi32, #tpu.memory_space<vmem>>) target_semaphore(%arg20 : memref<!tpu.dma_semaphore, #tpu.memory_space<semaphore_mem>>)
    %add3A_45 = arith.constant 4 : i32
    %add3A_46 = arith.addi %mul3A_6, %add3A_45 : i32
    %mul3A_47 = arith.constant 8 : i32
    %mul3A_48 = arith.muli %add3A_46, %mul3A_47 : i32
    %dma_start3A_49 = arith.constant 0 : i32
    %dma_start3A_50 = arith.constant 0 : i32
    %dma_start3A_51 = tpu.memref_slice %arg7[%dma_start3A_49, %dma_start3A_50] : memref<64x137xf32, #tpu.memory_space<vmem>> -> memref<32x128xf32, #tpu.memory_space<vmem>>
    %dma_start3A_52 = arith.constant 0 : i32
    %dma_start3A_53 = tpu.memref_slice %arg2[%mul3A_48, %dma_start3A_52] : memref<400000x128xf32, #tpu.memory_space<hbm>> -> memref<32x128xf32, #tpu.memory_space<hbm>>
    %dma_start3A_54 = arith.constant 0 : i32
    %dma_start3A_55 = arith.constant 0 : i32
    %dma_start3A_56 = tpu.memref_slice %arg7[%dma_start3A_54, %dma_start3A_55] : memref<64x137xf32, #tpu.memory_space<vmem>> -> memref<32x128xf32, #tpu.memory_space<vmem>>
    %dma_start3A_57 = arith.constant 0 : i32
    %dma_start3A_58 = tpu.memref_slice %arg2[%mul3A_48, %dma_start3A_57] : memref<400000x128xf32, #tpu.memory_space<hbm>> -> memref<32x128xf32, #tpu.memory_space<hbm>>
    tpu.enqueue_dma source(%dma_start3A_58 : memref<32x128xf32, #tpu.memory_space<hbm>>) target(%dma_start3A_56 : memref<32x128xf32, #tpu.memory_space<vmem>>) target_semaphore(%arg21 : memref<!tpu.dma_semaphore, #tpu.memory_space<semaphore_mem>>)
    %mul3A_59 = arith.constant 8 : i32
    %mul3A_60 = arith.muli %add3A_46, %mul3A_59 : i32
    %add3A_61 = arith.constant 200000 : i32
    %add3A_62 = arith.addi %add3A_61, %mul3A_60 : i32
    %dma_start3A_63 = arith.constant 32 : i32
    %dma_start3A_64 = arith.constant 8 : i32
    %dma_start3A_65 = tpu.memref_slice %arg7[%dma_start3A_63, %dma_start3A_64] : memref<64x137xf32, #tpu.memory_space<vmem>> -> memref<32x128xf32, #tpu.memory_space<vmem>>
    %dma_start3A_66 = arith.constant 0 : i32
    %dma_start3A_67 = tpu.memref_slice %arg2[%add3A_62, %dma_start3A_66] : memref<400000x128xf32, #tpu.memory_space<hbm>> -> memref<32x128xf32, #tpu.memory_space<hbm>>
    %dma_start3A_68 = arith.constant 32 : i32
    %dma_start3A_69 = arith.constant 8 : i32
    %dma_start3A_70 = tpu.memref_slice %arg7[%dma_start3A_68, %dma_start3A_69] : memref<64x137xf32, #tpu.memory_space<vmem>> -> memref<32x128xf32, #tpu.memory_space<vmem>>
    %dma_start3A_71 = arith.constant 0 : i32
    %dma_start3A_72 = tpu.memref_slice %arg2[%add3A_62, %dma_start3A_71] : memref<400000x128xf32, #tpu.memory_space<hbm>> -> memref<32x128xf32, #tpu.memory_space<hbm>>
    tpu.enqueue_dma source(%dma_start3A_72 : memref<32x128xf32, #tpu.memory_space<hbm>>) target(%dma_start3A_70 : memref<32x128xf32, #tpu.memory_space<vmem>>) target_semaphore(%arg21 : memref<!tpu.dma_semaphore, #tpu.memory_space<semaphore_mem>>)
    %dma_start3A_73 = arith.constant 1 : i32
    %dma_start3A_74 = arith.constant 0 : i32
    %dma_start3A_75 = tpu.memref_slice %arg3[%add3A_46, %dma_start3A_73, %dma_start3A_74] : memref<25000x2x128xi32, #tpu.memory_space<hbm>> -> memref<4x1x128xi32, #tpu.memory_space<hbm>>
    %dma_start3A_76 = tpu.memref_squeeze %dma_start3A_75 : memref<4x1x128xi32, #tpu.memory_space<hbm>> -> memref<4x128xi32, #tpu.memory_space<hbm>>
    %dma_start3A_77 = arith.constant 0 : i32
    %dma_start3A_78 = tpu.memref_slice %arg3[%add3A_46, %dma_start3A_73, %dma_start3A_77] : memref<25000x2x128xi32, #tpu.memory_space<hbm>> -> memref<4x1x128xi32, #tpu.memory_space<hbm>>
    %dma_start3A_79 = tpu.memref_squeeze %dma_start3A_78 : memref<4x1x128xi32, #tpu.memory_space<hbm>> -> memref<4x128xi32, #tpu.memory_space<hbm>>
    tpu.enqueue_dma source(%dma_start3A_79 : memref<4x128xi32, #tpu.memory_space<hbm>>) target(%arg15 : memref<4x128xi32, #tpu.memory_space<vmem>>) target_semaphore(%arg21 : memref<!tpu.dma_semaphore, #tpu.memory_space<semaphore_mem>>)
    %parallel_loop3A = arith.constant 0 : i32
    %parallel_loop3A_80 = arith.constant 136 : i32
    %parallel_loop3A_81 = arith.constant 1 : i32
    scf.for %parallel_loop3A_214 = %parallel_loop3A to %parallel_loop3A_80 step %parallel_loop3A_81  : i32 {
      %parallel_loop3A_215 = arith.constant 0.000000e+00 : f32
      %parallel_loop3A_216 = vector.broadcast %parallel_loop3A_215 : f32 to vector<16xf32>
      %parallel_loop3A_217 = arith.index_cast %parallel_loop3A_214 : i32 to index
      %parallel_loop3A_218 = arith.constant 0 : index
      %parallel_loop3A_219 = tpu.vector_load %arg18[%parallel_loop3A_217, %parallel_loop3A_218] {strides = array<i32>} : memref<136x16xf32, #tpu.memory_space<vmem>>, vector<16xf32>,
      tpu.vector_store %arg18[%parallel_loop3A_217, %parallel_loop3A_218], %parallel_loop3A_216 {strides = array<i32>} : memref<136x16xf32, #tpu.memory_space<vmem>>, vector<16xf32>,
    } {sc.loop_unroll_factor = 4 : i64, sc.parallel_access}
    %mul3A_82 = arith.constant 3128 : i32
    %mul3A_83 = arith.muli %arg1, %mul3A_82 : i32
    %add3A_84 = arith.constant 0 : i32
    %add3A_85 = arith.addi %mul3A_83, %add3A_84 : i32
    "tpu.region"() ({
      %run_scoped3A = tpu.sem_alloc : memref<!tpu.dma_semaphore, #tpu.memory_space<semaphore_mem>>
      %dma_start3A_214 = arith.constant 0 : i32
      %dma_start3A_215 = tpu.memref_slice %arg19[%add3A_85, %dma_start3A_214] : memref<50048x16xf32, #tpu.memory_space<vmem_shared>> -> memref<136x16xf32, #tpu.memory_space<vmem_shared>>
      %dma_start3A_216 = arith.constant 0 : i32
      %dma_start3A_217 = tpu.memref_slice %arg19[%add3A_85, %dma_start3A_216] : memref<50048x16xf32, #tpu.memory_space<vmem_shared>> -> memref<136x16xf32, #tpu.memory_space<vmem_shared>>
      tpu.enqueue_dma source(%arg18 : memref<136x16xf32, #tpu.memory_space<vmem>>) target(%dma_start3A_217 : memref<136x16xf32, #tpu.memory_space<vmem_shared>>) target_semaphore(%run_scoped3A : memref<!tpu.dma_semaphore, #tpu.memory_space<semaphore_mem>>)
      %dma_wait3A = arith.constant 0 : i32
      %dma_wait3A_218 = tpu.memref_slice %arg19[%add3A_85, %dma_wait3A] : memref<50048x16xf32, #tpu.memory_space<vmem_shared>> -> memref<136x16xf32, #tpu.memory_space<vmem_shared>>
      %dma_wait3A_219 = arith.constant 0 : i32
      %dma_wait3A_220 = tpu.memref_slice %arg19[%add3A_85, %dma_wait3A_219] : memref<50048x16xf32, #tpu.memory_space<vmem_shared>> -> memref<136x16xf32, #tpu.memory_space<vmem_shared>>
      tpu.wait_dma2 semaphore(%run_scoped3A : memref<!tpu.dma_semaphore, #tpu.memory_space<semaphore_mem>>) src(%arg18 : memref<136x16xf32, #tpu.memory_space<vmem>>) dst(%dma_wait3A_220 : memref<136x16xf32, #tpu.memory_space<vmem_shared>>)
      tpu.yield
    }) : () -> ()
    %mul3A_86 = arith.constant 3128 : i32
    %mul3A_87 = arith.muli %arg1, %mul3A_86 : i32
    %add3A_88 = arith.constant 136 : i32
    %add3A_89 = arith.addi %mul3A_87, %add3A_88 : i32
    "tpu.region"() ({
      %run_scoped3A = tpu.sem_alloc : memref<!tpu.dma_semaphore, #tpu.memory_space<semaphore_mem>>
      %dma_start3A_214 = arith.constant 0 : i32
      %dma_start3A_215 = tpu.memref_slice %arg19[%add3A_89, %dma_start3A_214] : memref<50048x16xf32, #tpu.memory_space<vmem_shared>> -> memref<136x16xf32, #tpu.memory_space<vmem_shared>>
      %dma_start3A_216 = arith.constant 0 : i32
      %dma_start3A_217 = tpu.memref_slice %arg19[%add3A_89, %dma_start3A_216] : memref<50048x16xf32, #tpu.memory_space<vmem_shared>> -> memref<136x16xf32, #tpu.memory_space<vmem_shared>>
      tpu.enqueue_dma source(%arg18 : memref<136x16xf32, #tpu.memory_space<vmem>>) target(%dma_start3A_217 : memref<136x16xf32, #tpu.memory_space<vmem_shared>>) target_semaphore(%run_scoped3A : memref<!tpu.dma_semaphore, #tpu.memory_space<semaphore_mem>>)
      %dma_wait3A = arith.constant 0 : i32
      %dma_wait3A_218 = tpu.memref_slice %arg19[%add3A_89, %dma_wait3A] : memref<50048x16xf32, #tpu.memory_space<vmem_shared>> -> memref<136x16xf32, #tpu.memory_space<vmem_shared>>
      %dma_wait3A_219 = arith.constant 0 : i32
      %dma_wait3A_220 = tpu.memref_slice %arg19[%add3A_89, %dma_wait3A_219] : memref<50048x16xf32, #tpu.memory_space<vmem_shared>> -> memref<136x16xf32, #tpu.memory_space<vmem_shared>>
      tpu.wait_dma2 semaphore(%run_scoped3A : memref<!tpu.dma_semaphore, #tpu.memory_space<semaphore_mem>>) src(%arg18 : memref<136x16xf32, #tpu.memory_space<vmem>>) dst(%dma_wait3A_220 : memref<136x16xf32, #tpu.memory_space<vmem_shared>>)
      tpu.yield
    }) : () -> ()
    %mul3A_90 = arith.constant 3128 : i32
    %mul3A_91 = arith.muli %arg1, %mul3A_90 : i32
    %add3A_92 = arith.constant 272 : i32
    %add3A_93 = arith.addi %mul3A_91, %add3A_92 : i32
    "tpu.region"() ({
      %run_scoped3A = tpu.sem_alloc : memref<!tpu.dma_semaphore, #tpu.memory_space<semaphore_mem>>
      %dma_start3A_214 = arith.constant 0 : i32
      %dma_start3A_215 = tpu.memref_slice %arg19[%add3A_93, %dma_start3A_214] : memref<50048x16xf32, #tpu.memory_space<vmem_shared>> -> memref<136x16xf32, #tpu.memory_space<vmem_shared>>
      %dma_start3A_216 = arith.constant 0 : i32
      %dma_start3A_217 = tpu.memref_slice %arg19[%add3A_93, %dma_start3A_216] : memref<50048x16xf32, #tpu.memory_space<vmem_shared>> -> memref<136x16xf32, #tpu.memory_space<vmem_shared>>
      tpu.enqueue_dma source(%arg18 : memref<136x16xf32, #tpu.memory_space<vmem>>) target(%dma_start3A_217 : memref<136x16xf32, #tpu.memory_space<vmem_shared>>) target_semaphore(%run_scoped3A : memref<!tpu.dma_semaphore, #tpu.memory_space<semaphore_mem>>)
      %dma_wait3A = arith.constant 0 : i32
      %dma_wait3A_218 = tpu.memref_slice %arg19[%add3A_93, %dma_wait3A] : memref<50048x16xf32, #tpu.memory_space<vmem_shared>> -> memref<136x16xf32, #tpu.memory_space<vmem_shared>>
      %dma_wait3A_219 = arith.constant 0 : i32
      %dma_wait3A_220 = tpu.memref_slice %arg19[%add3A_93, %dma_wait3A_219] : memref<50048x16xf32, #tpu.memory_space<vmem_shared>> -> memref<136x16xf32, #tpu.memory_space<vmem_shared>>
      tpu.wait_dma2 semaphore(%run_scoped3A : memref<!tpu.dma_semaphore, #tpu.memory_space<semaphore_mem>>) src(%arg18 : memref<136x16xf32, #tpu.memory_space<vmem>>) dst(%dma_wait3A_220 : memref<136x16xf32, #tpu.memory_space<vmem_shared>>)
      tpu.yield
    }) : () -> ()
    %mul3A_94 = arith.constant 3128 : i32
    %mul3A_95 = arith.muli %arg1, %mul3A_94 : i32
    %add3A_96 = arith.constant 408 : i32
    %add3A_97 = arith.addi %mul3A_95, %add3A_96 : i32
    "tpu.region"() ({
      %run_scoped3A = tpu.sem_alloc : memref<!tpu.dma_semaphore, #tpu.memory_space<semaphore_mem>>
      %dma_start3A_214 = arith.constant 0 : i32
      %dma_start3A_215 = tpu.memref_slice %arg19[%add3A_97, %dma_start3A_214] : memref<50048x16xf32, #tpu.memory_space<vmem_shared>> -> memref<136x16xf32, #tpu.memory_space<vmem_shared>>
      %dma_start3A_216 = arith.constant 0 : i32
      %dma_start3A_217 = tpu.memref_slice %arg19[%add3A_97, %dma_start3A_216] : memref<50048x16xf32, #tpu.memory_space<vmem_shared>> -> memref<136x16xf32, #tpu.memory_space<vmem_shared>>
      tpu.enqueue_dma source(%arg18 : memref<136x16xf32, #tpu.memory_space<vmem>>) target(%dma_start3A_217 : memref<136x16xf32, #tpu.memory_space<vmem_shared>>) target_semaphore(%run_scoped3A : memref<!tpu.dma_semaphore, #tpu.memory_space<semaphore_mem>>)
      %dma_wait3A = arith.constant 0 : i32
      %dma_wait3A_218 = tpu.memref_slice %arg19[%add3A_97, %dma_wait3A] : memref<50048x16xf32, #tpu.memory_space<vmem_shared>> -> memref<136x16xf32, #tpu.memory_space<vmem_shared>>
      %dma_wait3A_219 = arith.constant 0 : i32
      %dma_wait3A_220 = tpu.memref_slice %arg19[%add3A_97, %dma_wait3A_219] : memref<50048x16xf32, #tpu.memory_space<vmem_shared>> -> memref<136x16xf32, #tpu.memory_space<vmem_shared>>
      tpu.wait_dma2 semaphore(%run_scoped3A : memref<!tpu.dma_semaphore, #tpu.memory_space<semaphore_mem>>) src(%arg18 : memref<136x16xf32, #tpu.memory_space<vmem>>) dst(%dma_wait3A_220 : memref<136x16xf32, #tpu.memory_space<vmem_shared>>)
      tpu.yield
    }) : () -> ()
    %mul3A_98 = arith.constant 3128 : i32
    %mul3A_99 = arith.muli %arg1, %mul3A_98 : i32
    %add3A_100 = arith.constant 544 : i32
    %add3A_101 = arith.addi %mul3A_99, %add3A_100 : i32
    "tpu.region"() ({
      %run_scoped3A = tpu.sem_alloc : memref<!tpu.dma_semaphore, #tpu.memory_space<semaphore_mem>>
      %dma_start3A_214 = arith.constant 0 : i32
      %dma_start3A_215 = tpu.memref_slice %arg19[%add3A_101, %dma_start3A_214] : memref<50048x16xf32, #tpu.memory_space<vmem_shared>> -> memref<136x16xf32, #tpu.memory_space<vmem_shared>>
      %dma_start3A_216 = arith.constant 0 : i32
      %dma_start3A_217 = tpu.memref_slice %arg19[%add3A_101, %dma_start3A_216] : memref<50048x16xf32, #tpu.memory_space<vmem_shared>> -> memref<136x16xf32, #tpu.memory_space<vmem_shared>>
      tpu.enqueue_dma source(%arg18 : memref<136x16xf32, #tpu.memory_space<vmem>>) target(%dma_start3A_217 : memref<136x16xf32, #tpu.memory_space<vmem_shared>>) target_semaphore(%run_scoped3A : memref<!tpu.dma_semaphore, #tpu.memory_space<semaphore_mem>>)
      %dma_wait3A = arith.constant 0 : i32
      %dma_wait3A_218 = tpu.memref_slice %arg19[%add3A_101, %dma_wait3A] : memref<50048x16xf32, #tpu.memory_space<vmem_shared>> -> memref<136x16xf32, #tpu.memory_space<vmem_shared>>
      %dma_wait3A_219 = arith.constant 0 : i32
      %dma_wait3A_220 = tpu.memref_slice %arg19[%add3A_101, %dma_wait3A_219] : memref<50048x16xf32, #tpu.memory_space<vmem_shared>> -> memref<136x16xf32, #tpu.memory_space<vmem_shared>>
      tpu.wait_dma2 semaphore(%run_scoped3A : memref<!tpu.dma_semaphore, #tpu.memory_space<semaphore_mem>>) src(%arg18 : memref<136x16xf32, #tpu.memory_space<vmem>>) dst(%dma_wait3A_220 : memref<136x16xf32, #tpu.memory_space<vmem_shared>>)
      tpu.yield
    }) : () -> ()
    %mul3A_102 = arith.constant 3128 : i32
    %mul3A_103 = arith.muli %arg1, %mul3A_102 : i32
    %add3A_104 = arith.constant 680 : i32
    %add3A_105 = arith.addi %mul3A_103, %add3A_104 : i32
    "tpu.region"() ({
      %run_scoped3A = tpu.sem_alloc : memref<!tpu.dma_semaphore, #tpu.memory_space<semaphore_mem>>
      %dma_start3A_214 = arith.constant 0 : i32
      %dma_start3A_215 = tpu.memref_slice %arg19[%add3A_105, %dma_start3A_214] : memref<50048x16xf32, #tpu.memory_space<vmem_shared>> -> memref<136x16xf32, #tpu.memory_space<vmem_shared>>
      %dma_start3A_216 = arith.constant 0 : i32
      %dma_start3A_217 = tpu.memref_slice %arg19[%add3A_105, %dma_start3A_216] : memref<50048x16xf32, #tpu.memory_space<vmem_shared>> -> memref<136x16xf32, #tpu.memory_space<vmem_shared>>
      tpu.enqueue_dma source(%arg18 : memref<136x16xf32, #tpu.memory_space<vmem>>) target(%dma_start3A_217 : memref<136x16xf32, #tpu.memory_space<vmem_shared>>) target_semaphore(%run_scoped3A : memref<!tpu.dma_semaphore, #tpu.memory_space<semaphore_mem>>)
      %dma_wait3A = arith.constant 0 : i32
      %dma_wait3A_218 = tpu.memref_slice %arg19[%add3A_105, %dma_wait3A] : memref<50048x16xf32, #tpu.memory_space<vmem_shared>> -> memref<136x16xf32, #tpu.memory_space<vmem_shared>>
      %dma_wait3A_219 = arith.constant 0 : i32
      %dma_wait3A_220 = tpu.memref_slice %arg19[%add3A_105, %dma_wait3A_219] : memref<50048x16xf32, #tpu.memory_space<vmem_shared>> -> memref<136x16xf32, #tpu.memory_space<vmem_shared>>
      tpu.wait_dma2 semaphore(%run_scoped3A : memref<!tpu.dma_semaphore, #tpu.memory_space<semaphore_mem>>) src(%arg18 : memref<136x16xf32, #tpu.memory_space<vmem>>) dst(%dma_wait3A_220 : memref<136x16xf32, #tpu.memory_space<vmem_shared>>)
      tpu.yield
    }) : () -> ()
    %mul3A_106 = arith.constant 3128 : i32
    %mul3A_107 = arith.muli %arg1, %mul3A_106 : i32
    %add3A_108 = arith.constant 816 : i32
    %add3A_109 = arith.addi %mul3A_107, %add3A_108 : i32
    "tpu.region"() ({
      %run_scoped3A = tpu.sem_alloc : memref<!tpu.dma_semaphore, #tpu.memory_space<semaphore_mem>>
      %dma_start3A_214 = arith.constant 0 : i32
      %dma_start3A_215 = tpu.memref_slice %arg19[%add3A_109, %dma_start3A_214] : memref<50048x16xf32, #tpu.memory_space<vmem_shared>> -> memref<136x16xf32, #tpu.memory_space<vmem_shared>>
      %dma_start3A_216 = arith.constant 0 : i32
      %dma_start3A_217 = tpu.memref_slice %arg19[%add3A_109, %dma_start3A_216] : memref<50048x16xf32, #tpu.memory_space<vmem_shared>> -> memref<136x16xf32, #tpu.memory_space<vmem_shared>>
      tpu.enqueue_dma source(%arg18 : memref<136x16xf32, #tpu.memory_space<vmem>>) target(%dma_start3A_217 : memref<136x16xf32, #tpu.memory_space<vmem_shared>>) target_semaphore(%run_scoped3A : memref<!tpu.dma_semaphore, #tpu.memory_space<semaphore_mem>>)
      %dma_wait3A = arith.constant 0 : i32
      %dma_wait3A_218 = tpu.memref_slice %arg19[%add3A_109, %dma_wait3A] : memref<50048x16xf32, #tpu.memory_space<vmem_shared>> -> memref<136x16xf32, #tpu.memory_space<vmem_shared>>
      %dma_wait3A_219 = arith.constant 0 : i32
      %dma_wait3A_220 = tpu.memref_slice %arg19[%add3A_109, %dma_wait3A_219] : memref<50048x16xf32, #tpu.memory_space<vmem_shared>> -> memref<136x16xf32, #tpu.memory_space<vmem_shared>>
      tpu.wait_dma2 semaphore(%run_scoped3A : memref<!tpu.dma_semaphore, #tpu.memory_space<semaphore_mem>>) src(%arg18 : memref<136x16xf32, #tpu.memory_space<vmem>>) dst(%dma_wait3A_220 : memref<136x16xf32, #tpu.memory_space<vmem_shared>>)
      tpu.yield
    }) : () -> ()
    %mul3A_110 = arith.constant 3128 : i32
    %mul3A_111 = arith.muli %arg1, %mul3A_110 : i32
    %add3A_112 = arith.constant 952 : i32
    %add3A_113 = arith.addi %mul3A_111, %add3A_112 : i32
    "tpu.region"() ({
      %run_scoped3A = tpu.sem_alloc : memref<!tpu.dma_semaphore, #tpu.memory_space<semaphore_mem>>
      %dma_start3A_214 = arith.constant 0 : i32
      %dma_start3A_215 = tpu.memref_slice %arg19[%add3A_113, %dma_start3A_214] : memref<50048x16xf32, #tpu.memory_space<vmem_shared>> -> memref<136x16xf32, #tpu.memory_space<vmem_shared>>
      %dma_start3A_216 = arith.constant 0 : i32
      %dma_start3A_217 = tpu.memref_slice %arg19[%add3A_113, %dma_start3A_216] : memref<50048x16xf32, #tpu.memory_space<vmem_shared>> -> memref<136x16xf32, #tpu.memory_space<vmem_shared>>
      tpu.enqueue_dma source(%arg18 : memref<136x16xf32, #tpu.memory_space<vmem>>) target(%dma_start3A_217 : memref<136x16xf32, #tpu.memory_space<vmem_shared>>) target_semaphore(%run_scoped3A : memref<!tpu.dma_semaphore, #tpu.memory_space<semaphore_mem>>)
      %dma_wait3A = arith.constant 0 : i32
      %dma_wait3A_218 = tpu.memref_slice %arg19[%add3A_113, %dma_wait3A] : memref<50048x16xf32, #tpu.memory_space<vmem_shared>> -> memref<136x16xf32, #tpu.memory_space<vmem_shared>>
      %dma_wait3A_219 = arith.constant 0 : i32
      %dma_wait3A_220 = tpu.memref_slice %arg19[%add3A_113, %dma_wait3A_219] : memref<50048x16xf32, #tpu.memory_space<vmem_shared>> -> memref<136x16xf32, #tpu.memory_space<vmem_shared>>
      tpu.wait_dma2 semaphore(%run_scoped3A : memref<!tpu.dma_semaphore, #tpu.memory_space<semaphore_mem>>) src(%arg18 : memref<136x16xf32, #tpu.memory_space<vmem>>) dst(%dma_wait3A_220 : memref<136x16xf32, #tpu.memory_space<vmem_shared>>)
      tpu.yield
    }) : () -> ()
    %mul3A_114 = arith.constant 3128 : i32
    %mul3A_115 = arith.muli %arg1, %mul3A_114 : i32
    %add3A_116 = arith.constant 1088 : i32
    %add3A_117 = arith.addi %mul3A_115, %add3A_116 : i32
    "tpu.region"() ({
      %run_scoped3A = tpu.sem_alloc : memref<!tpu.dma_semaphore, #tpu.memory_space<semaphore_mem>>
      %dma_start3A_214 = arith.constant 0 : i32
      %dma_start3A_215 = tpu.memref_slice %arg19[%add3A_117, %dma_start3A_214] : memref<50048x16xf32, #tpu.memory_space<vmem_shared>> -> memref<136x16xf32, #tpu.memory_space<vmem_shared>>
      %dma_start3A_216 = arith.constant 0 : i32
      %dma_start3A_217 = tpu.memref_slice %arg19[%add3A_117, %dma_start3A_216] : memref<50048x16xf32, #tpu.memory_space<vmem_shared>> -> memref<136x16xf32, #tpu.memory_space<vmem_shared>>
      tpu.enqueue_dma source(%arg18 : memref<136x16xf32, #tpu.memory_space<vmem>>) target(%dma_start3A_217 : memref<136x16xf32, #tpu.memory_space<vmem_shared>>) target_semaphore(%run_scoped3A : memref<!tpu.dma_semaphore, #tpu.memory_space<semaphore_mem>>)
      %dma_wait3A = arith.constant 0 : i32
      %dma_wait3A_218 = tpu.memref_slice %arg19[%add3A_117, %dma_wait3A] : memref<50048x16xf32, #tpu.memory_space<vmem_shared>> -> memref<136x16xf32, #tpu.memory_space<vmem_shared>>
      %dma_wait3A_219 = arith.constant 0 : i32
      %dma_wait3A_220 = tpu.memref_slice %arg19[%add3A_117, %dma_wait3A_219] : memref<50048x16xf32, #tpu.memory_space<vmem_shared>> -> memref<136x16xf32, #tpu.memory_space<vmem_shared>>
      tpu.wait_dma2 semaphore(%run_scoped3A : memref<!tpu.dma_semaphore, #tpu.memory_space<semaphore_mem>>) src(%arg18 : memref<136x16xf32, #tpu.memory_space<vmem>>) dst(%dma_wait3A_220 : memref<136x16xf32, #tpu.memory_space<vmem_shared>>)
      tpu.yield
    }) : () -> ()
    %mul3A_118 = arith.constant 3128 : i32
    %mul3A_119 = arith.muli %arg1, %mul3A_118 : i32
    %add3A_120 = arith.constant 1224 : i32
    %add3A_121 = arith.addi %mul3A_119, %add3A_120 : i32
    "tpu.region"() ({
      %run_scoped3A = tpu.sem_alloc : memref<!tpu.dma_semaphore, #tpu.memory_space<semaphore_mem>>
      %dma_start3A_214 = arith.constant 0 : i32
      %dma_start3A_215 = tpu.memref_slice %arg19[%add3A_121, %dma_start3A_214] : memref<50048x16xf32, #tpu.memory_space<vmem_shared>> -> memref<136x16xf32, #tpu.memory_space<vmem_shared>>
      %dma_start3A_216 = arith.constant 0 : i32
      %dma_start3A_217 = tpu.memref_slice %arg19[%add3A_121, %dma_start3A_216] : memref<50048x16xf32, #tpu.memory_space<vmem_shared>> -> memref<136x16xf32, #tpu.memory_space<vmem_shared>>
      tpu.enqueue_dma source(%arg18 : memref<136x16xf32, #tpu.memory_space<vmem>>) target(%dma_start3A_217 : memref<136x16xf32, #tpu.memory_space<vmem_shared>>) target_semaphore(%run_scoped3A : memref<!tpu.dma_semaphore, #tpu.memory_space<semaphore_mem>>)
      %dma_wait3A = arith.constant 0 : i32
      %dma_wait3A_218 = tpu.memref_slice %arg19[%add3A_121, %dma_wait3A] : memref<50048x16xf32, #tpu.memory_space<vmem_shared>> -> memref<136x16xf32, #tpu.memory_space<vmem_shared>>
      %dma_wait3A_219 = arith.constant 0 : i32
      %dma_wait3A_220 = tpu.memref_slice %arg19[%add3A_121, %dma_wait3A_219] : memref<50048x16xf32, #tpu.memory_space<vmem_shared>> -> memref<136x16xf32, #tpu.memory_space<vmem_shared>>
      tpu.wait_dma2 semaphore(%run_scoped3A : memref<!tpu.dma_semaphore, #tpu.memory_space<semaphore_mem>>) src(%arg18 : memref<136x16xf32, #tpu.memory_space<vmem>>) dst(%dma_wait3A_220 : memref<136x16xf32, #tpu.memory_space<vmem_shared>>)
      tpu.yield
    }) : () -> ()
    %mul3A_122 = arith.constant 3128 : i32
    %mul3A_123 = arith.muli %arg1, %mul3A_122 : i32
    %add3A_124 = arith.constant 1360 : i32
    %add3A_125 = arith.addi %mul3A_123, %add3A_124 : i32
    "tpu.region"() ({
      %run_scoped3A = tpu.sem_alloc : memref<!tpu.dma_semaphore, #tpu.memory_space<semaphore_mem>>
      %dma_start3A_214 = arith.constant 0 : i32
      %dma_start3A_215 = tpu.memref_slice %arg19[%add3A_125, %dma_start3A_214] : memref<50048x16xf32, #tpu.memory_space<vmem_shared>> -> memref<136x16xf32, #tpu.memory_space<vmem_shared>>
      %dma_start3A_216 = arith.constant 0 : i32
      %dma_start3A_217 = tpu.memref_slice %arg19[%add3A_125, %dma_start3A_216] : memref<50048x16xf32, #tpu.memory_space<vmem_shared>> -> memref<136x16xf32, #tpu.memory_space<vmem_shared>>
      tpu.enqueue_dma source(%arg18 : memref<136x16xf32, #tpu.memory_space<vmem>>) target(%dma_start3A_217 : memref<136x16xf32, #tpu.memory_space<vmem_shared>>) target_semaphore(%run_scoped3A : memref<!tpu.dma_semaphore, #tpu.memory_space<semaphore_mem>>)
      %dma_wait3A = arith.constant 0 : i32
      %dma_wait3A_218 = tpu.memref_slice %arg19[%add3A_125, %dma_wait3A] : memref<50048x16xf32, #tpu.memory_space<vmem_shared>> -> memref<136x16xf32, #tpu.memory_space<vmem_shared>>
      %dma_wait3A_219 = arith.constant 0 : i32
      %dma_wait3A_220 = tpu.memref_slice %arg19[%add3A_125, %dma_wait3A_219] : memref<50048x16xf32, #tpu.memory_space<vmem_shared>> -> memref<136x16xf32, #tpu.memory_space<vmem_shared>>
      tpu.wait_dma2 semaphore(%run_scoped3A : memref<!tpu.dma_semaphore, #tpu.memory_space<semaphore_mem>>) src(%arg18 : memref<136x16xf32, #tpu.memory_space<vmem>>) dst(%dma_wait3A_220 : memref<136x16xf32, #tpu.memory_space<vmem_shared>>)
      tpu.yield
    }) : () -> ()
    %mul3A_126 = arith.constant 3128 : i32
    %mul3A_127 = arith.muli %arg1, %mul3A_126 : i32
    %add3A_128 = arith.constant 1496 : i32
    %add3A_129 = arith.addi %mul3A_127, %add3A_128 : i32
    "tpu.region"() ({
      %run_scoped3A = tpu.sem_alloc : memref<!tpu.dma_semaphore, #tpu.memory_space<semaphore_mem>>
      %dma_start3A_214 = arith.constant 0 : i32
      %dma_start3A_215 = tpu.memref_slice %arg19[%add3A_129, %dma_start3A_214] : memref<50048x16xf32, #tpu.memory_space<vmem_shared>> -> memref<136x16xf32, #tpu.memory_space<vmem_shared>>
      %dma_start3A_216 = arith.constant 0 : i32
      %dma_start3A_217 = tpu.memref_slice %arg19[%add3A_129, %dma_start3A_216] : memref<50048x16xf32, #tpu.memory_space<vmem_shared>> -> memref<136x16xf32, #tpu.memory_space<vmem_shared>>
      tpu.enqueue_dma source(%arg18 : memref<136x16xf32, #tpu.memory_space<vmem>>) target(%dma_start3A_217 : memref<136x16xf32, #tpu.memory_space<vmem_shared>>) target_semaphore(%run_scoped3A : memref<!tpu.dma_semaphore, #tpu.memory_space<semaphore_mem>>)
      %dma_wait3A = arith.constant 0 : i32
      %dma_wait3A_218 = tpu.memref_slice %arg19[%add3A_129, %dma_wait3A] : memref<50048x16xf32, #tpu.memory_space<vmem_shared>> -> memref<136x16xf32, #tpu.memory_space<vmem_shared>>
      %dma_wait3A_219 = arith.constant 0 : i32
      %dma_wait3A_220 = tpu.memref_slice %arg19[%add3A_129, %dma_wait3A_219] : memref<50048x16xf32, #tpu.memory_space<vmem_shared>> -> memref<136x16xf32, #tpu.memory_space<vmem_shared>>
      tpu.wait_dma2 semaphore(%run_scoped3A : memref<!tpu.dma_semaphore, #tpu.memory_space<semaphore_mem>>) src(%arg18 : memref<136x16xf32, #tpu.memory_space<vmem>>) dst(%dma_wait3A_220 : memref<136x16xf32, #tpu.memory_space<vmem_shared>>)
      tpu.yield
    }) : () -> ()
    %mul3A_130 = arith.constant 3128 : i32
    %mul3A_131 = arith.muli %arg1, %mul3A_130 : i32
    %add3A_132 = arith.constant 1632 : i32
    %add3A_133 = arith.addi %mul3A_131, %add3A_132 : i32
    "tpu.region"() ({
      %run_scoped3A = tpu.sem_alloc : memref<!tpu.dma_semaphore, #tpu.memory_space<semaphore_mem>>
      %dma_start3A_214 = arith.constant 0 : i32
      %dma_start3A_215 = tpu.memref_slice %arg19[%add3A_133, %dma_start3A_214] : memref<50048x16xf32, #tpu.memory_space<vmem_shared>> -> memref<136x16xf32, #tpu.memory_space<vmem_shared>>
      %dma_start3A_216 = arith.constant 0 : i32
      %dma_start3A_217 = tpu.memref_slice %arg19[%add3A_133, %dma_start3A_216] : memref<50048x16xf32, #tpu.memory_space<vmem_shared>> -> memref<136x16xf32, #tpu.memory_space<vmem_shared>>
      tpu.enqueue_dma source(%arg18 : memref<136x16xf32, #tpu.memory_space<vmem>>) target(%dma_start3A_217 : memref<136x16xf32, #tpu.memory_space<vmem_shared>>) target_semaphore(%run_scoped3A : memref<!tpu.dma_semaphore, #tpu.memory_space<semaphore_mem>>)
      %dma_wait3A = arith.constant 0 : i32
      %dma_wait3A_218 = tpu.memref_slice %arg19[%add3A_133, %dma_wait3A] : memref<50048x16xf32, #tpu.memory_space<vmem_shared>> -> memref<136x16xf32, #tpu.memory_space<vmem_shared>>
      %dma_wait3A_219 = arith.constant 0 : i32
      %dma_wait3A_220 = tpu.memref_slice %arg19[%add3A_133, %dma_wait3A_219] : memref<50048x16xf32, #tpu.memory_space<vmem_shared>> -> memref<136x16xf32, #tpu.memory_space<vmem_shared>>
      tpu.wait_dma2 semaphore(%run_scoped3A : memref<!tpu.dma_semaphore, #tpu.memory_space<semaphore_mem>>) src(%arg18 : memref<136x16xf32, #tpu.memory_space<vmem>>) dst(%dma_wait3A_220 : memref<136x16xf32, #tpu.memory_space<vmem_shared>>)
      tpu.yield
    }) : () -> ()
    %mul3A_134 = arith.constant 3128 : i32
    %mul3A_135 = arith.muli %arg1, %mul3A_134 : i32
    %add3A_136 = arith.constant 1768 : i32
    %add3A_137 = arith.addi %mul3A_135, %add3A_136 : i32
    "tpu.region"() ({
      %run_scoped3A = tpu.sem_alloc : memref<!tpu.dma_semaphore, #tpu.memory_space<semaphore_mem>>
      %dma_start3A_214 = arith.constant 0 : i32
      %dma_start3A_215 = tpu.memref_slice %arg19[%add3A_137, %dma_start3A_214] : memref<50048x16xf32, #tpu.memory_space<vmem_shared>> -> memref<136x16xf32, #tpu.memory_space<vmem_shared>>
      %dma_start3A_216 = arith.constant 0 : i32
      %dma_start3A_217 = tpu.memref_slice %arg19[%add3A_137, %dma_start3A_216] : memref<50048x16xf32, #tpu.memory_space<vmem_shared>> -> memref<136x16xf32, #tpu.memory_space<vmem_shared>>
      tpu.enqueue_dma source(%arg18 : memref<136x16xf32, #tpu.memory_space<vmem>>) target(%dma_start3A_217 : memref<136x16xf32, #tpu.memory_space<vmem_shared>>) target_semaphore(%run_scoped3A : memref<!tpu.dma_semaphore, #tpu.memory_space<semaphore_mem>>)
      %dma_wait3A = arith.constant 0 : i32
      %dma_wait3A_218 = tpu.memref_slice %arg19[%add3A_137, %dma_wait3A] : memref<50048x16xf32, #tpu.memory_space<vmem_shared>> -> memref<136x16xf32, #tpu.memory_space<vmem_shared>>
      %dma_wait3A_219 = arith.constant 0 : i32
      %dma_wait3A_220 = tpu.memref_slice %arg19[%add3A_137, %dma_wait3A_219] : memref<50048x16xf32, #tpu.memory_space<vmem_shared>> -> memref<136x16xf32, #tpu.memory_space<vmem_shared>>
      tpu.wait_dma2 semaphore(%run_scoped3A : memref<!tpu.dma_semaphore, #tpu.memory_space<semaphore_mem>>) src(%arg18 : memref<136x16xf32, #tpu.memory_space<vmem>>) dst(%dma_wait3A_220 : memref<136x16xf32, #tpu.memory_space<vmem_shared>>)
      tpu.yield
    }) : () -> ()
    %mul3A_138 = arith.constant 3128 : i32
    %mul3A_139 = arith.muli %arg1, %mul3A_138 : i32
    %add3A_140 = arith.constant 1904 : i32
    %add3A_141 = arith.addi %mul3A_139, %add3A_140 : i32
    "tpu.region"() ({
      %run_scoped3A = tpu.sem_alloc : memref<!tpu.dma_semaphore, #tpu.memory_space<semaphore_mem>>
      %dma_start3A_214 = arith.constant 0 : i32
      %dma_start3A_215 = tpu.memref_slice %arg19[%add3A_141, %dma_start3A_214] : memref<50048x16xf32, #tpu.memory_space<vmem_shared>> -> memref<136x16xf32, #tpu.memory_space<vmem_shared>>
      %dma_start3A_216 = arith.constant 0 : i32
      %dma_start3A_217 = tpu.memref_slice %arg19[%add3A_141, %dma_start3A_216] : memref<50048x16xf32, #tpu.memory_space<vmem_shared>> -> memref<136x16xf32, #tpu.memory_space<vmem_shared>>
      tpu.enqueue_dma source(%arg18 : memref<136x16xf32, #tpu.memory_space<vmem>>) target(%dma_start3A_217 : memref<136x16xf32, #tpu.memory_space<vmem_shared>>) target_semaphore(%run_scoped3A : memref<!tpu.dma_semaphore, #tpu.memory_space<semaphore_mem>>)
      %dma_wait3A = arith.constant 0 : i32
      %dma_wait3A_218 = tpu.memref_slice %arg19[%add3A_141, %dma_wait3A] : memref<50048x16xf32, #tpu.memory_space<vmem_shared>> -> memref<136x16xf32, #tpu.memory_space<vmem_shared>>
      %dma_wait3A_219 = arith.constant 0 : i32
      %dma_wait3A_220 = tpu.memref_slice %arg19[%add3A_141, %dma_wait3A_219] : memref<50048x16xf32, #tpu.memory_space<vmem_shared>> -> memref<136x16xf32, #tpu.memory_space<vmem_shared>>
      tpu.wait_dma2 semaphore(%run_scoped3A : memref<!tpu.dma_semaphore, #tpu.memory_space<semaphore_mem>>) src(%arg18 : memref<136x16xf32, #tpu.memory_space<vmem>>) dst(%dma_wait3A_220 : memref<136x16xf32, #tpu.memory_space<vmem_shared>>)
      tpu.yield
    }) : () -> ()
    %mul3A_142 = arith.constant 3128 : i32
    %mul3A_143 = arith.muli %arg1, %mul3A_142 : i32
    %add3A_144 = arith.constant 2040 : i32
    %add3A_145 = arith.addi %mul3A_143, %add3A_144 : i32
    "tpu.region"() ({
      %run_scoped3A = tpu.sem_alloc : memref<!tpu.dma_semaphore, #tpu.memory_space<semaphore_mem>>
      %dma_start3A_214 = arith.constant 0 : i32
      %dma_start3A_215 = tpu.memref_slice %arg19[%add3A_145, %dma_start3A_214] : memref<50048x16xf32, #tpu.memory_space<vmem_shared>> -> memref<136x16xf32, #tpu.memory_space<vmem_shared>>
      %dma_start3A_216 = arith.constant 0 : i32
      %dma_start3A_217 = tpu.memref_slice %arg19[%add3A_145, %dma_start3A_216] : memref<50048x16xf32, #tpu.memory_space<vmem_shared>> -> memref<136x16xf32, #tpu.memory_space<vmem_shared>>
      tpu.enqueue_dma source(%arg18 : memref<136x16xf32, #tpu.memory_space<vmem>>) target(%dma_start3A_217 : memref<136x16xf32, #tpu.memory_space<vmem_shared>>) target_semaphore(%run_scoped3A : memref<!tpu.dma_semaphore, #tpu.memory_space<semaphore_mem>>)
      %dma_wait3A = arith.constant 0 : i32
      %dma_wait3A_218 = tpu.memref_slice %arg19[%add3A_145, %dma_wait3A] : memref<50048x16xf32, #tpu.memory_space<vmem_shared>> -> memref<136x16xf32, #tpu.memory_space<vmem_shared>>
      %dma_wait3A_219 = arith.constant 0 : i32
      %dma_wait3A_220 = tpu.memref_slice %arg19[%add3A_145, %dma_wait3A_219] : memref<50048x16xf32, #tpu.memory_space<vmem_shared>> -> memref<136x16xf32, #tpu.memory_space<vmem_shared>>
      tpu.wait_dma2 semaphore(%run_scoped3A : memref<!tpu.dma_semaphore, #tpu.memory_space<semaphore_mem>>) src(%arg18 : memref<136x16xf32, #tpu.memory_space<vmem>>) dst(%dma_wait3A_220 : memref<136x16xf32, #tpu.memory_space<vmem_shared>>)
      tpu.yield
    }) : () -> ()
    %mul3A_146 = arith.constant 3128 : i32
    %mul3A_147 = arith.muli %arg1, %mul3A_146 : i32
    %add3A_148 = arith.constant 2176 : i32
    %add3A_149 = arith.addi %mul3A_147, %add3A_148 : i32
    "tpu.region"() ({
      %run_scoped3A = tpu.sem_alloc : memref<!tpu.dma_semaphore, #tpu.memory_space<semaphore_mem>>
      %dma_start3A_214 = arith.constant 0 : i32
      %dma_start3A_215 = tpu.memref_slice %arg19[%add3A_149, %dma_start3A_214] : memref<50048x16xf32, #tpu.memory_space<vmem_shared>> -> memref<136x16xf32, #tpu.memory_space<vmem_shared>>
      %dma_start3A_216 = arith.constant 0 : i32
      %dma_start3A_217 = tpu.memref_slice %arg19[%add3A_149, %dma_start3A_216] : memref<50048x16xf32, #tpu.memory_space<vmem_shared>> -> memref<136x16xf32, #tpu.memory_space<vmem_shared>>
      tpu.enqueue_dma source(%arg18 : memref<136x16xf32, #tpu.memory_space<vmem>>) target(%dma_start3A_217 : memref<136x16xf32, #tpu.memory_space<vmem_shared>>) target_semaphore(%run_scoped3A : memref<!tpu.dma_semaphore, #tpu.memory_space<semaphore_mem>>)
      %dma_wait3A = arith.constant 0 : i32
      %dma_wait3A_218 = tpu.memref_slice %arg19[%add3A_149, %dma_wait3A] : memref<50048x16xf32, #tpu.memory_space<vmem_shared>> -> memref<136x16xf32, #tpu.memory_space<vmem_shared>>
      %dma_wait3A_219 = arith.constant 0 : i32
      %dma_wait3A_220 = tpu.memref_slice %arg19[%add3A_149, %dma_wait3A_219] : memref<50048x16xf32, #tpu.memory_space<vmem_shared>> -> memref<136x16xf32, #tpu.memory_space<vmem_shared>>
      tpu.wait_dma2 semaphore(%run_scoped3A : memref<!tpu.dma_semaphore, #tpu.memory_space<semaphore_mem>>) src(%arg18 : memref<136x16xf32, #tpu.memory_space<vmem>>) dst(%dma_wait3A_220 : memref<136x16xf32, #tpu.memory_space<vmem_shared>>)
      tpu.yield
    }) : () -> ()
    %mul3A_150 = arith.constant 3128 : i32
    %mul3A_151 = arith.muli %arg1, %mul3A_150 : i32
    %add3A_152 = arith.constant 2312 : i32
    %add3A_153 = arith.addi %mul3A_151, %add3A_152 : i32
    "tpu.region"() ({
      %run_scoped3A = tpu.sem_alloc : memref<!tpu.dma_semaphore, #tpu.memory_space<semaphore_mem>>
      %dma_start3A_214 = arith.constant 0 : i32
      %dma_start3A_215 = tpu.memref_slice %arg19[%add3A_153, %dma_start3A_214] : memref<50048x16xf32, #tpu.memory_space<vmem_shared>> -> memref<136x16xf32, #tpu.memory_space<vmem_shared>>
      %dma_start3A_216 = arith.constant 0 : i32
      %dma_start3A_217 = tpu.memref_slice %arg19[%add3A_153, %dma_start3A_216] : memref<50048x16xf32, #tpu.memory_space<vmem_shared>> -> memref<136x16xf32, #tpu.memory_space<vmem_shared>>
      tpu.enqueue_dma source(%arg18 : memref<136x16xf32, #tpu.memory_space<vmem>>) target(%dma_start3A_217 : memref<136x16xf32, #tpu.memory_space<vmem_shared>>) target_semaphore(%run_scoped3A : memref<!tpu.dma_semaphore, #tpu.memory_space<semaphore_mem>>)
      %dma_wait3A = arith.constant 0 : i32
      %dma_wait3A_218 = tpu.memref_slice %arg19[%add3A_153, %dma_wait3A] : memref<50048x16xf32, #tpu.memory_space<vmem_shared>> -> memref<136x16xf32, #tpu.memory_space<vmem_shared>>
      %dma_wait3A_219 = arith.constant 0 : i32
      %dma_wait3A_220 = tpu.memref_slice %arg19[%add3A_153, %dma_wait3A_219] : memref<50048x16xf32, #tpu.memory_space<vmem_shared>> -> memref<136x16xf32, #tpu.memory_space<vmem_shared>>
      tpu.wait_dma2 semaphore(%run_scoped3A : memref<!tpu.dma_semaphore, #tpu.memory_space<semaphore_mem>>) src(%arg18 : memref<136x16xf32, #tpu.memory_space<vmem>>) dst(%dma_wait3A_220 : memref<136x16xf32, #tpu.memory_space<vmem_shared>>)
      tpu.yield
    }) : () -> ()
    %mul3A_154 = arith.constant 3128 : i32
    %mul3A_155 = arith.muli %arg1, %mul3A_154 : i32
    %add3A_156 = arith.constant 2448 : i32
    %add3A_157 = arith.addi %mul3A_155, %add3A_156 : i32
    "tpu.region"() ({
      %run_scoped3A = tpu.sem_alloc : memref<!tpu.dma_semaphore, #tpu.memory_space<semaphore_mem>>
      %dma_start3A_214 = arith.constant 0 : i32
      %dma_start3A_215 = tpu.memref_slice %arg19[%add3A_157, %dma_start3A_214] : memref<50048x16xf32, #tpu.memory_space<vmem_shared>> -> memref<136x16xf32, #tpu.memory_space<vmem_shared>>
      %dma_start3A_216 = arith.constant 0 : i32
      %dma_start3A_217 = tpu.memref_slice %arg19[%add3A_157, %dma_start3A_216] : memref<50048x16xf32, #tpu.memory_space<vmem_shared>> -> memref<136x16xf32, #tpu.memory_space<vmem_shared>>
      tpu.enqueue_dma source(%arg18 : memref<136x16xf32, #tpu.memory_space<vmem>>) target(%dma_start3A_217 : memref<136x16xf32, #tpu.memory_space<vmem_shared>>) target_semaphore(%run_scoped3A : memref<!tpu.dma_semaphore, #tpu.memory_space<semaphore_mem>>)
      %dma_wait3A = arith.constant 0 : i32
      %dma_wait3A_218 = tpu.memref_slice %arg19[%add3A_157, %dma_wait3A] : memref<50048x16xf32, #tpu.memory_space<vmem_shared>> -> memref<136x16xf32, #tpu.memory_space<vmem_shared>>
      %dma_wait3A_219 = arith.constant 0 : i32
      %dma_wait3A_220 = tpu.memref_slice %arg19[%add3A_157, %dma_wait3A_219] : memref<50048x16xf32, #tpu.memory_space<vmem_shared>> -> memref<136x16xf32, #tpu.memory_space<vmem_shared>>
      tpu.wait_dma2 semaphore(%run_scoped3A : memref<!tpu.dma_semaphore, #tpu.memory_space<semaphore_mem>>) src(%arg18 : memref<136x16xf32, #tpu.memory_space<vmem>>) dst(%dma_wait3A_220 : memref<136x16xf32, #tpu.memory_space<vmem_shared>>)
      tpu.yield
    }) : () -> ()
    %mul3A_158 = arith.constant 3128 : i32
    %mul3A_159 = arith.muli %arg1, %mul3A_158 : i32
    %add3A_160 = arith.constant 2584 : i32
    %add3A_161 = arith.addi %mul3A_159, %add3A_160 : i32
    "tpu.region"() ({
      %run_scoped3A = tpu.sem_alloc : memref<!tpu.dma_semaphore, #tpu.memory_space<semaphore_mem>>
      %dma_start3A_214 = arith.constant 0 : i32
      %dma_start3A_215 = tpu.memref_slice %arg19[%add3A_161, %dma_start3A_214] : memref<50048x16xf32, #tpu.memory_space<vmem_shared>> -> memref<136x16xf32, #tpu.memory_space<vmem_shared>>
      %dma_start3A_216 = arith.constant 0 : i32
      %dma_start3A_217 = tpu.memref_slice %arg19[%add3A_161, %dma_start3A_216] : memref<50048x16xf32, #tpu.memory_space<vmem_shared>> -> memref<136x16xf32, #tpu.memory_space<vmem_shared>>
      tpu.enqueue_dma source(%arg18 : memref<136x16xf32, #tpu.memory_space<vmem>>) target(%dma_start3A_217 : memref<136x16xf32, #tpu.memory_space<vmem_shared>>) target_semaphore(%run_scoped3A : memref<!tpu.dma_semaphore, #tpu.memory_space<semaphore_mem>>)
      %dma_wait3A = arith.constant 0 : i32
      %dma_wait3A_218 = tpu.memref_slice %arg19[%add3A_161, %dma_wait3A] : memref<50048x16xf32, #tpu.memory_space<vmem_shared>> -> memref<136x16xf32, #tpu.memory_space<vmem_shared>>
      %dma_wait3A_219 = arith.constant 0 : i32
      %dma_wait3A_220 = tpu.memref_slice %arg19[%add3A_161, %dma_wait3A_219] : memref<50048x16xf32, #tpu.memory_space<vmem_shared>> -> memref<136x16xf32, #tpu.memory_space<vmem_shared>>
      tpu.wait_dma2 semaphore(%run_scoped3A : memref<!tpu.dma_semaphore, #tpu.memory_space<semaphore_mem>>) src(%arg18 : memref<136x16xf32, #tpu.memory_space<vmem>>) dst(%dma_wait3A_220 : memref<136x16xf32, #tpu.memory_space<vmem_shared>>)
      tpu.yield
    }) : () -> ()
    %mul3A_162 = arith.constant 3128 : i32
    %mul3A_163 = arith.muli %arg1, %mul3A_162 : i32
    %add3A_164 = arith.constant 2720 : i32
    %add3A_165 = arith.addi %mul3A_163, %add3A_164 : i32
    "tpu.region"() ({
      %run_scoped3A = tpu.sem_alloc : memref<!tpu.dma_semaphore, #tpu.memory_space<semaphore_mem>>
      %dma_start3A_214 = arith.constant 0 : i32
      %dma_start3A_215 = tpu.memref_slice %arg19[%add3A_165, %dma_start3A_214] : memref<50048x16xf32, #tpu.memory_space<vmem_shared>> -> memref<136x16xf32, #tpu.memory_space<vmem_shared>>
      %dma_start3A_216 = arith.constant 0 : i32
      %dma_start3A_217 = tpu.memref_slice %arg19[%add3A_165, %dma_start3A_216] : memref<50048x16xf32, #tpu.memory_space<vmem_shared>> -> memref<136x16xf32, #tpu.memory_space<vmem_shared>>
      tpu.enqueue_dma source(%arg18 : memref<136x16xf32, #tpu.memory_space<vmem>>) target(%dma_start3A_217 : memref<136x16xf32, #tpu.memory_space<vmem_shared>>) target_semaphore(%run_scoped3A : memref<!tpu.dma_semaphore, #tpu.memory_space<semaphore_mem>>)
      %dma_wait3A = arith.constant 0 : i32
      %dma_wait3A_218 = tpu.memref_slice %arg19[%add3A_165, %dma_wait3A] : memref<50048x16xf32, #tpu.memory_space<vmem_shared>> -> memref<136x16xf32, #tpu.memory_space<vmem_shared>>
      %dma_wait3A_219 = arith.constant 0 : i32
      %dma_wait3A_220 = tpu.memref_slice %arg19[%add3A_165, %dma_wait3A_219] : memref<50048x16xf32, #tpu.memory_space<vmem_shared>> -> memref<136x16xf32, #tpu.memory_space<vmem_shared>>
      tpu.wait_dma2 semaphore(%run_scoped3A : memref<!tpu.dma_semaphore, #tpu.memory_space<semaphore_mem>>) src(%arg18 : memref<136x16xf32, #tpu.memory_space<vmem>>) dst(%dma_wait3A_220 : memref<136x16xf32, #tpu.memory_space<vmem_shared>>)
      tpu.yield
    }) : () -> ()
    %mul3A_166 = arith.constant 3128 : i32
    %mul3A_167 = arith.muli %arg1, %mul3A_166 : i32
    %add3A_168 = arith.constant 2856 : i32
    %add3A_169 = arith.addi %mul3A_167, %add3A_168 : i32
    "tpu.region"() ({
      %run_scoped3A = tpu.sem_alloc : memref<!tpu.dma_semaphore, #tpu.memory_space<semaphore_mem>>
      %dma_start3A_214 = arith.constant 0 : i32
      %dma_start3A_215 = tpu.memref_slice %arg19[%add3A_169, %dma_start3A_214] : memref<50048x16xf32, #tpu.memory_space<vmem_shared>> -> memref<136x16xf32, #tpu.memory_space<vmem_shared>>
      %dma_start3A_216 = arith.constant 0 : i32
      %dma_start3A_217 = tpu.memref_slice %arg19[%add3A_169, %dma_start3A_216] : memref<50048x16xf32, #tpu.memory_space<vmem_shared>> -> memref<136x16xf32, #tpu.memory_space<vmem_shared>>
      tpu.enqueue_dma source(%arg18 : memref<136x16xf32, #tpu.memory_space<vmem>>) target(%dma_start3A_217 : memref<136x16xf32, #tpu.memory_space<vmem_shared>>) target_semaphore(%run_scoped3A : memref<!tpu.dma_semaphore, #tpu.memory_space<semaphore_mem>>)
      %dma_wait3A = arith.constant 0 : i32
      %dma_wait3A_218 = tpu.memref_slice %arg19[%add3A_169, %dma_wait3A] : memref<50048x16xf32, #tpu.memory_space<vmem_shared>> -> memref<136x16xf32, #tpu.memory_space<vmem_shared>>
      %dma_wait3A_219 = arith.constant 0 : i32
      %dma_wait3A_220 = tpu.memref_slice %arg19[%add3A_169, %dma_wait3A_219] : memref<50048x16xf32, #tpu.memory_space<vmem_shared>> -> memref<136x16xf32, #tpu.memory_space<vmem_shared>>
      tpu.wait_dma2 semaphore(%run_scoped3A : memref<!tpu.dma_semaphore, #tpu.memory_space<semaphore_mem>>) src(%arg18 : memref<136x16xf32, #tpu.memory_space<vmem>>) dst(%dma_wait3A_220 : memref<136x16xf32, #tpu.memory_space<vmem_shared>>)
      tpu.yield
    }) : () -> ()
    %mul3A_170 = arith.constant 3128 : i32
    %mul3A_171 = arith.muli %arg1, %mul3A_170 : i32
    %add3A_172 = arith.constant 2992 : i32
    %add3A_173 = arith.addi %mul3A_171, %add3A_172 : i32
    "tpu.region"() ({
      %run_scoped3A = tpu.sem_alloc : memref<!tpu.dma_semaphore, #tpu.memory_space<semaphore_mem>>
      %dma_start3A_214 = arith.constant 0 : i32
      %dma_start3A_215 = tpu.memref_slice %arg19[%add3A_173, %dma_start3A_214] : memref<50048x16xf32, #tpu.memory_space<vmem_shared>> -> memref<136x16xf32, #tpu.memory_space<vmem_shared>>
      %dma_start3A_216 = arith.constant 0 : i32
      %dma_start3A_217 = tpu.memref_slice %arg19[%add3A_173, %dma_start3A_216] : memref<50048x16xf32, #tpu.memory_space<vmem_shared>> -> memref<136x16xf32, #tpu.memory_space<vmem_shared>>
      tpu.enqueue_dma source(%arg18 : memref<136x16xf32, #tpu.memory_space<vmem>>) target(%dma_start3A_217 : memref<136x16xf32, #tpu.memory_space<vmem_shared>>) target_semaphore(%run_scoped3A : memref<!tpu.dma_semaphore, #tpu.memory_space<semaphore_mem>>)
      %dma_wait3A = arith.constant 0 : i32
      %dma_wait3A_218 = tpu.memref_slice %arg19[%add3A_173, %dma_wait3A] : memref<50048x16xf32, #tpu.memory_space<vmem_shared>> -> memref<136x16xf32, #tpu.memory_space<vmem_shared>>
      %dma_wait3A_219 = arith.constant 0 : i32
      %dma_wait3A_220 = tpu.memref_slice %arg19[%add3A_173, %dma_wait3A_219] : memref<50048x16xf32, #tpu.memory_space<vmem_shared>> -> memref<136x16xf32, #tpu.memory_space<vmem_shared>>
      tpu.wait_dma2 semaphore(%run_scoped3A : memref<!tpu.dma_semaphore, #tpu.memory_space<semaphore_mem>>) src(%arg18 : memref<136x16xf32, #tpu.memory_space<vmem>>) dst(%dma_wait3A_220 : memref<136x16xf32, #tpu.memory_space<vmem_shared>>)
      tpu.yield
    }) : () -> ()
    %barrier3A = arith.constant 0 : index
    tpu.barrier barrier_id(%barrier3A)
    %iota3A = tpu.iota {dimensions = array<i32: 0>} : vector<16xi32>
    %lt3A_174 = arith.constant 8 : i32
    %lt3A_175 = vector.broadcast %lt3A_174 : i32 to vector<16xi32>
    %lt3A_176 = arith.cmpi slt, %iota3A, %lt3A_175 : vector<16xi32>
    %jit3A_177 = arith.constant 0 : i32
    %jit3A_178 = arith.constant 1 : i32
    %broadcast_in_dim3A = vector.broadcast %jit3A_177 : i32 to vector<16xi32>
    %broadcast_in_dim3A_179 = vector.broadcast %jit3A_178 : i32 to vector<16xi32>
    %select_n3A_180 = arith.select %lt3A_176, %broadcast_in_dim3A, %broadcast_in_dim3A_179 : vector<16xi1>, vector<16xi32>
    %mul3A_181 = arith.constant 32 : i32
    %mul3A_182 = vector.broadcast %mul3A_181 : i32 to vector<16xi32>
    %mul3A_183 = arith.muli %select_n3A_180, %mul3A_182 : vector<16xi32>
    %rem3A = arith.constant 8 : i32
    %rem3A_184 = vector.broadcast %rem3A : i32 to vector<16xi32>
    %rem3A_185 = arith.remsi %iota3A, %rem3A_184 : vector<16xi32>
    %add3A_186 = arith.addi %mul3A_183, %rem3A_185 : vector<16xi32>
    %mul3A_187 = arith.constant 8 : i32
    %mul3A_188 = vector.broadcast %mul3A_187 : i32 to vector<16xi32>
    %mul3A_189 = arith.muli %select_n3A_180, %mul3A_188 : vector<16xi32>
    %scan3A = arith.constant 0 : i32
    %scan3A_190 = arith.constant 0 : i32
    %scan3A_191 = arith.constant 49 : i32
    %scan3A_192 = arith.addi %scan3A_190, %scan3A_191 : i32
    %scan3A_193 = arith.constant 1 : i32
    scf.for %scan3A_214 = %scan3A_190 to %scan3A_192 step %scan3A_193  : i32 {
      %mul3A_215 = arith.constant 4 : i32
      %mul3A_216 = arith.muli %mul3A_215, %scan3A_214 : i32
      %add3A_217 = arith.constant 0 : i32
      %add3A_218 = arith.addi %mul3A_216, %add3A_217 : i32
      %lt3A_219 = arith.cmpi slt, %add3A_218, %add3A_10 : i32
      %convert_element_type3A_220 = arith.extui %lt3A_219 : i1 to i32
      %cond3A_221 = arith.constant 0 : i32
      %cond3A_222 = arith.cmpi ne, %convert_element_type3A_220, %cond3A_221 : i32
      scf.if %cond3A_222 {
        %dma_wait3A = arith.constant 0 : i32
        %dma_wait3A_247 = arith.constant 0 : i32
        %dma_wait3A_248 = tpu.memref_slice %arg6[%dma_wait3A, %dma_wait3A_247] : memref<64x137xf32, #tpu.memory_space<vmem>> -> memref<64x128xf32, #tpu.memory_space<vmem>>
        %dma_wait3A_249 = arith.constant 0 : i32
        %dma_wait3A_250 = arith.constant 0 : i32
        %dma_wait3A_251 = tpu.memref_slice %arg2[%dma_wait3A_249, %dma_wait3A_250] : memref<400000x128xf32, #tpu.memory_space<hbm>> -> memref<64x128xf32, #tpu.memory_space<hbm>>
        %dma_wait3A_252 = arith.constant 0 : i32
        %dma_wait3A_253 = arith.constant 0 : i32
        %dma_wait3A_254 = tpu.memref_slice %arg6[%dma_wait3A_252, %dma_wait3A_253] : memref<64x137xf32, #tpu.memory_space<vmem>> -> memref<64x128xf32, #tpu.memory_space<vmem>>
        %dma_wait3A_255 = arith.constant 0 : i32
        %dma_wait3A_256 = arith.constant 0 : i32
        %dma_wait3A_257 = tpu.memref_slice %arg2[%dma_wait3A_255, %dma_wait3A_256] : memref<400000x128xf32, #tpu.memory_space<hbm>> -> memref<64x128xf32, #tpu.memory_space<hbm>>
        tpu.wait_dma2 semaphore(%arg20 : memref<!tpu.dma_semaphore, #tpu.memory_space<semaphore_mem>>) src(%dma_wait3A_257 : memref<64x128xf32, #tpu.memory_space<hbm>>) dst(%dma_wait3A_254 : memref<64x128xf32, #tpu.memory_space<vmem>>)
        %dma_wait3A_258 = arith.constant 1 : i32
        %dma_wait3A_259 = arith.constant 0 : i32
        %dma_wait3A_260 = arith.constant 0 : i32
        %dma_wait3A_261 = tpu.memref_slice %arg3[%dma_wait3A_259, %dma_wait3A_258, %dma_wait3A_260] : memref<25000x2x128xi32, #tpu.memory_space<hbm>> -> memref<4x1x128xi32, #tpu.memory_space<hbm>>
        %dma_wait3A_262 = tpu.memref_squeeze %dma_wait3A_261 : memref<4x1x128xi32, #tpu.memory_space<hbm>> -> memref<4x128xi32, #tpu.memory_space<hbm>>
        %dma_wait3A_263 = arith.constant 0 : i32
        %dma_wait3A_264 = arith.constant 0 : i32
        %dma_wait3A_265 = tpu.memref_slice %arg3[%dma_wait3A_263, %dma_wait3A_258, %dma_wait3A_264] : memref<25000x2x128xi32, #tpu.memory_space<hbm>> -> memref<4x1x128xi32, #tpu.memory_space<hbm>>
        %dma_wait3A_266 = tpu.memref_squeeze %dma_wait3A_265 : memref<4x1x128xi32, #tpu.memory_space<hbm>> -> memref<4x128xi32, #tpu.memory_space<hbm>>
        tpu.wait_dma2 semaphore(%arg20 : memref<!tpu.dma_semaphore, #tpu.memory_space<semaphore_mem>>) src(%dma_wait3A_266 : memref<4x128xi32, #tpu.memory_space<hbm>>) dst(%arg14 : memref<4x128xi32, #tpu.memory_space<vmem>>)
        %ge3A_267 = arith.constant 2 : i32
        %ge3A_268 = arith.cmpi sge, %add3A_218, %ge3A_267 : i32
        %convert_element_type3A_269 = arith.extui %ge3A_268 : i1 to i32
        %cond3A_270 = arith.constant 0 : i32
        %cond3A_271 = arith.cmpi ne, %convert_element_type3A_269, %cond3A_270 : i32
        scf.if %cond3A_271 {
          %dma_wait3A_321 = arith.constant 0 : i32
          %dma_wait3A_322 = arith.constant 0 : i32
          %dma_wait3A_323 = tpu.memref_slice %arg19[%dma_wait3A_321, %dma_wait3A_322] : memref<50048x16xf32, #tpu.memory_space<vmem_shared>> -> memref<512x16xf32, #tpu.memory_space<vmem_shared>>
          %dma_wait3A_324 = arith.constant 0 : i32
          %dma_wait3A_325 = arith.constant 0 : i32
          %dma_wait3A_326 = tpu.memref_slice %arg19[%dma_wait3A_324, %dma_wait3A_325] : memref<50048x16xf32, #tpu.memory_space<vmem_shared>> -> memref<512x16xf32, #tpu.memory_space<vmem_shared>>
          tpu.wait_dma2 semaphore(%arg26 : memref<!tpu.dma_semaphore, #tpu.memory_space<semaphore_mem>>) src(%arg12 : memref<512x16xf32, #tpu.memory_space<vmem>>) dst(%dma_wait3A_326 : memref<512x16xf32, #tpu.memory_space<vmem_shared>>)
        } else {
        }
        %add3A_272 = arith.constant 2 : i32
        %add3A_273 = arith.addi %add3A_218, %add3A_272 : i32
        %lt3A_274 = arith.cmpi slt, %add3A_273, %add3A_10 : i32
        %convert_element_type3A_275 = arith.extui %lt3A_274 : i1 to i32
        %cond3A_276 = arith.constant 0 : i32
        %cond3A_277 = arith.cmpi ne, %convert_element_type3A_275, %cond3A_276 : i32
        scf.if %cond3A_277 {
          %add3A_321 = arith.constant 2 : i32
          %add3A_322 = arith.addi %add3A_218, %add3A_321 : i32
          %mul3A_323 = arith.constant 4 : i32
          %mul3A_324 = arith.muli %add3A_322, %mul3A_323 : i32
          %add3A_325 = arith.addi %mul3A_6, %mul3A_324 : i32
          %mul3A_326 = arith.constant 8 : i32
          %mul3A_327 = arith.muli %add3A_325, %mul3A_326 : i32
          %dma_start3A_328 = arith.constant 0 : i32
          %dma_start3A_329 = arith.constant 0 : i32
          %dma_start3A_330 = tpu.memref_slice %arg8[%dma_start3A_328, %dma_start3A_329] : memref<64x137xf32, #tpu.memory_space<vmem>> -> memref<32x128xf32, #tpu.memory_space<vmem>>
          %dma_start3A_331 = arith.constant 0 : i32
          %dma_start3A_332 = tpu.memref_slice %arg2[%mul3A_327, %dma_start3A_331] : memref<400000x128xf32, #tpu.memory_space<hbm>> -> memref<32x128xf32, #tpu.memory_space<hbm>>
          %dma_start3A_333 = arith.constant 0 : i32
          %dma_start3A_334 = arith.constant 0 : i32
          %dma_start3A_335 = tpu.memref_slice %arg8[%dma_start3A_333, %dma_start3A_334] : memref<64x137xf32, #tpu.memory_space<vmem>> -> memref<32x128xf32, #tpu.memory_space<vmem>>
          %dma_start3A_336 = arith.constant 0 : i32
          %dma_start3A_337 = tpu.memref_slice %arg2[%mul3A_327, %dma_start3A_336] : memref<400000x128xf32, #tpu.memory_space<hbm>> -> memref<32x128xf32, #tpu.memory_space<hbm>>
          tpu.enqueue_dma source(%dma_start3A_337 : memref<32x128xf32, #tpu.memory_space<hbm>>) target(%dma_start3A_335 : memref<32x128xf32, #tpu.memory_space<vmem>>) target_semaphore(%arg22 : memref<!tpu.dma_semaphore, #tpu.memory_space<semaphore_mem>>)
          %mul3A_338 = arith.constant 8 : i32
          %mul3A_339 = arith.muli %add3A_325, %mul3A_338 : i32
          %add3A_340 = arith.constant 200000 : i32
          %add3A_341 = arith.addi %add3A_340, %mul3A_339 : i32
          %dma_start3A_342 = arith.constant 32 : i32
          %dma_start3A_343 = arith.constant 8 : i32
          %dma_start3A_344 = tpu.memref_slice %arg8[%dma_start3A_342, %dma_start3A_343] : memref<64x137xf32, #tpu.memory_space<vmem>> -> memref<32x128xf32, #tpu.memory_space<vmem>>
          %dma_start3A_345 = arith.constant 0 : i32
          %dma_start3A_346 = tpu.memref_slice %arg2[%add3A_341, %dma_start3A_345] : memref<400000x128xf32, #tpu.memory_space<hbm>> -> memref<32x128xf32, #tpu.memory_space<hbm>>
          %dma_start3A_347 = arith.constant 32 : i32
          %dma_start3A_348 = arith.constant 8 : i32
          %dma_start3A_349 = tpu.memref_slice %arg8[%dma_start3A_347, %dma_start3A_348] : memref<64x137xf32, #tpu.memory_space<vmem>> -> memref<32x128xf32, #tpu.memory_space<vmem>>
          %dma_start3A_350 = arith.constant 0 : i32
          %dma_start3A_351 = tpu.memref_slice %arg2[%add3A_341, %dma_start3A_350] : memref<400000x128xf32, #tpu.memory_space<hbm>> -> memref<32x128xf32, #tpu.memory_space<hbm>>
          tpu.enqueue_dma source(%dma_start3A_351 : memref<32x128xf32, #tpu.memory_space<hbm>>) target(%dma_start3A_349 : memref<32x128xf32, #tpu.memory_space<vmem>>) target_semaphore(%arg22 : memref<!tpu.dma_semaphore, #tpu.memory_space<semaphore_mem>>)
          %dma_start3A_352 = arith.constant 1 : i32
          %dma_start3A_353 = arith.constant 0 : i32
          %dma_start3A_354 = tpu.memref_slice %arg3[%add3A_325, %dma_start3A_352, %dma_start3A_353] : memref<25000x2x128xi32, #tpu.memory_space<hbm>> -> memref<4x1x128xi32, #tpu.memory_space<hbm>>
          %dma_start3A_355 = tpu.memref_squeeze %dma_start3A_354 : memref<4x1x128xi32, #tpu.memory_space<hbm>> -> memref<4x128xi32, #tpu.memory_space<hbm>>
          %dma_start3A_356 = arith.constant 0 : i32
          %dma_start3A_357 = tpu.memref_slice %arg3[%add3A_325, %dma_start3A_352, %dma_start3A_356] : memref<25000x2x128xi32, #tpu.memory_space<hbm>> -> memref<4x1x128xi32, #tpu.memory_space<hbm>>
          %dma_start3A_358 = tpu.memref_squeeze %dma_start3A_357 : memref<4x1x128xi32, #tpu.memory_space<hbm>> -> memref<4x128xi32, #tpu.memory_space<hbm>>
          tpu.enqueue_dma source(%dma_start3A_358 : memref<4x128xi32, #tpu.memory_space<hbm>>) target(%arg16 : memref<4x128xi32, #tpu.memory_space<vmem>>) target_semaphore(%arg22 : memref<!tpu.dma_semaphore, #tpu.memory_space<semaphore_mem>>)
        } else {
        }
        %parallel_loop3A_278 = arith.constant 0 : i32
        %parallel_loop3A_279 = arith.constant 512 : i32
        %parallel_loop3A_280 = arith.constant 1 : i32
        scf.for %parallel_loop3A_321 = %parallel_loop3A_278 to %parallel_loop3A_279 step %parallel_loop3A_280  : i32 {
          %parallel_loop3A_322 = arith.constant 7 : i32
          %parallel_loop3A_323 = arith.shrui %parallel_loop3A_321, %parallel_loop3A_322 : i32
          %parallel_loop3A_324 = arith.constant 3 : i32
          %parallel_loop3A_325 = arith.shli %parallel_loop3A_323, %parallel_loop3A_324 : i32
          %parallel_loop3A_326 = arith.constant 127 : i32
          %parallel_loop3A_327 = arith.andi %parallel_loop3A_321, %parallel_loop3A_326 : i32
          %parallel_loop3A_328 = vector.broadcast %parallel_loop3A_325 : i32 to vector<16xi32>
          %parallel_loop3A_329 = arith.addi %add3A_186, %parallel_loop3A_328 : vector<16xi32>
          %parallel_loop3A_330 = vector.broadcast %parallel_loop3A_327 : i32 to vector<16xi32>
          %parallel_loop3A_331 = arith.addi %mul3A_189, %parallel_loop3A_330 : vector<16xi32>
          %parallel_loop3A_332 = tpu.vector_load_idx %arg6[%parallel_loop3A_329, %parallel_loop3A_331] : memref<64x137xf32, #tpu.memory_space<vmem>>[vector<16xi32>, vector<16xi32>], vector<16xf32>,
          %parallel_loop3A_333 = arith.index_cast %parallel_loop3A_321 : i32 to index
          %parallel_loop3A_334 = arith.constant 0 : index
          %parallel_loop3A_335 = tpu.vector_load %arg10[%parallel_loop3A_333, %parallel_loop3A_334] {strides = array<i32>} : memref<512x16xf32, #tpu.memory_space<vmem>>, vector<16xf32>,
          tpu.vector_store %arg10[%parallel_loop3A_333, %parallel_loop3A_334], %parallel_loop3A_332 {strides = array<i32>} : memref<512x16xf32, #tpu.memory_space<vmem>>, vector<16xf32>,
        } {sc.loop_unroll_factor = 8 : i64, sc.parallel_access}
        %dma_start3A_281 = arith.constant 0 : i32
        %dma_start3A_282 = arith.constant 0 : i32
        %dma_start3A_283 = arith.constant 0 : i32
        %dma_start3A_284 = tpu.memref_slice %arg10[%dma_start3A_282, %dma_start3A_283] : memref<512x16xf32, #tpu.memory_space<vmem>> -> memref<128x16xf32, #tpu.memory_space<vmem>>
        %dma_start3A_285 = arith.constant 0 : i32
        %dma_start3A_286 = tpu.memref_slice %arg14[%dma_start3A_281, %dma_start3A_285] : memref<4x128xi32, #tpu.memory_space<vmem>> -> memref<1x128xi32, #tpu.memory_space<vmem>>
        %dma_start3A_287 = tpu.memref_squeeze %dma_start3A_286 : memref<1x128xi32, #tpu.memory_space<vmem>> -> memref<128xi32, #tpu.memory_space<vmem>>
        %dma_start3A_288 = arith.constant 0 : i32
        %dma_start3A_289 = arith.constant 0 : i32
        %dma_start3A_290 = tpu.memref_slice %arg19[%dma_start3A_288, %dma_start3A_289] : memref<50048x16xf32, #tpu.memory_space<vmem_shared>> -> memref<50048x16xf32, #tpu.memory_space<vmem_shared>>
        tpu.enqueue_indirect_dma source(%dma_start3A_284 : memref<128x16xf32, #tpu.memory_space<vmem>>) target(%dma_start3A_290 : memref<50048x16xf32, #tpu.memory_space<vmem_shared>>) offsets(%dma_start3A_287 : memref<128xi32, #tpu.memory_space<vmem>>) semaphore(%arg24 : memref<!tpu.dma_semaphore, #tpu.memory_space<semaphore_mem>>) {add = true}
        %dma_start3A_291 = arith.constant 1 : i32
        %dma_start3A_292 = arith.constant 128 : i32
        %dma_start3A_293 = arith.constant 0 : i32
        %dma_start3A_294 = tpu.memref_slice %arg10[%dma_start3A_292, %dma_start3A_293] : memref<512x16xf32, #tpu.memory_space<vmem>> -> memref<128x16xf32, #tpu.memory_space<vmem>>
        %dma_start3A_295 = arith.constant 0 : i32
        %dma_start3A_296 = tpu.memref_slice %arg14[%dma_start3A_291, %dma_start3A_295] : memref<4x128xi32, #tpu.memory_space<vmem>> -> memref<1x128xi32, #tpu.memory_space<vmem>>
        %dma_start3A_297 = tpu.memref_squeeze %dma_start3A_296 : memref<1x128xi32, #tpu.memory_space<vmem>> -> memref<128xi32, #tpu.memory_space<vmem>>
        %dma_start3A_298 = arith.constant 0 : i32
        %dma_start3A_299 = arith.constant 0 : i32
        %dma_start3A_300 = tpu.memref_slice %arg19[%dma_start3A_298, %dma_start3A_299] : memref<50048x16xf32, #tpu.memory_space<vmem_shared>> -> memref<50048x16xf32, #tpu.memory_space<vmem_shared>>
        tpu.enqueue_indirect_dma source(%dma_start3A_294 : memref<128x16xf32, #tpu.memory_space<vmem>>) target(%dma_start3A_300 : memref<50048x16xf32, #tpu.memory_space<vmem_shared>>) offsets(%dma_start3A_297 : memref<128xi32, #tpu.memory_space<vmem>>) semaphore(%arg24 : memref<!tpu.dma_semaphore, #tpu.memory_space<semaphore_mem>>) {add = true}
        %dma_start3A_301 = arith.constant 2 : i32
        %dma_start3A_302 = arith.constant 256 : i32
        %dma_start3A_303 = arith.constant 0 : i32
        %dma_start3A_304 = tpu.memref_slice %arg10[%dma_start3A_302, %dma_start3A_303] : memref<512x16xf32, #tpu.memory_space<vmem>> -> memref<128x16xf32, #tpu.memory_space<vmem>>
        %dma_start3A_305 = arith.constant 0 : i32
        %dma_start3A_306 = tpu.memref_slice %arg14[%dma_start3A_301, %dma_start3A_305] : memref<4x128xi32, #tpu.memory_space<vmem>> -> memref<1x128xi32, #tpu.memory_space<vmem>>
        %dma_start3A_307 = tpu.memref_squeeze %dma_start3A_306 : memref<1x128xi32, #tpu.memory_space<vmem>> -> memref<128xi32, #tpu.memory_space<vmem>>
        %dma_start3A_308 = arith.constant 0 : i32
        %dma_start3A_309 = arith.constant 0 : i32
        %dma_start3A_310 = tpu.memref_slice %arg19[%dma_start3A_308, %dma_start3A_309] : memref<50048x16xf32, #tpu.memory_space<vmem_shared>> -> memref<50048x16xf32, #tpu.memory_space<vmem_shared>>
        tpu.enqueue_indirect_dma source(%dma_start3A_304 : memref<128x16xf32, #tpu.memory_space<vmem>>) target(%dma_start3A_310 : memref<50048x16xf32, #tpu.memory_space<vmem_shared>>) offsets(%dma_start3A_307 : memref<128xi32, #tpu.memory_space<vmem>>) semaphore(%arg24 : memref<!tpu.dma_semaphore, #tpu.memory_space<semaphore_mem>>) {add = true}
        %dma_start3A_311 = arith.constant 3 : i32
        %dma_start3A_312 = arith.constant 384 : i32
        %dma_start3A_313 = arith.constant 0 : i32
        %dma_start3A_314 = tpu.memref_slice %arg10[%dma_start3A_312, %dma_start3A_313] : memref<512x16xf32, #tpu.memory_space<vmem>> -> memref<128x16xf32, #tpu.memory_space<vmem>>
        %dma_start3A_315 = arith.constant 0 : i32
        %dma_start3A_316 = tpu.memref_slice %arg14[%dma_start3A_311, %dma_start3A_315] : memref<4x128xi32, #tpu.memory_space<vmem>> -> memref<1x128xi32, #tpu.memory_space<vmem>>
        %dma_start3A_317 = tpu.memref_squeeze %dma_start3A_316 : memref<1x128xi32, #tpu.memory_space<vmem>> -> memref<128xi32, #tpu.memory_space<vmem>>
        %dma_start3A_318 = arith.constant 0 : i32
        %dma_start3A_319 = arith.constant 0 : i32
        %dma_start3A_320 = tpu.memref_slice %arg19[%dma_start3A_318, %dma_start3A_319] : memref<50048x16xf32, #tpu.memory_space<vmem_shared>> -> memref<50048x16xf32, #tpu.memory_space<vmem_shared>>
        tpu.enqueue_indirect_dma source(%dma_start3A_314 : memref<128x16xf32, #tpu.memory_space<vmem>>) target(%dma_start3A_320 : memref<50048x16xf32, #tpu.memory_space<vmem_shared>>) offsets(%dma_start3A_317 : memref<128xi32, #tpu.memory_space<vmem>>) semaphore(%arg24 : memref<!tpu.dma_semaphore, #tpu.memory_space<semaphore_mem>>) {add = true}
      } else {
      }
      %mul3A_223 = arith.constant 4 : i32
      %mul3A_224 = arith.muli %mul3A_223, %scan3A_214 : i32
      %add3A_225 = arith.constant 1 : i32
      %add3A_226 = arith.addi %mul3A_224, %add3A_225 : i32
      %lt3A_227 = arith.cmpi slt, %add3A_226, %add3A_10 : i32
      %convert_element_type3A_228 = arith.extui %lt3A_227 : i1 to i32
      %cond3A_229 = arith.constant 0 : i32
      %cond3A_230 = arith.cmpi ne, %convert_element_type3A_228, %cond3A_229 : i32
      scf.if %cond3A_230 {
        %dma_wait3A = arith.constant 0 : i32
        %dma_wait3A_247 = arith.constant 0 : i32
        %dma_wait3A_248 = tpu.memref_slice %arg7[%dma_wait3A, %dma_wait3A_247] : memref<64x137xf32, #tpu.memory_space<vmem>> -> memref<64x128xf32, #tpu.memory_space<vmem>>
        %dma_wait3A_249 = arith.constant 0 : i32
        %dma_wait3A_250 = arith.constant 0 : i32
        %dma_wait3A_251 = tpu.memref_slice %arg2[%dma_wait3A_249, %dma_wait3A_250] : memref<400000x128xf32, #tpu.memory_space<hbm>> -> memref<64x128xf32, #tpu.memory_space<hbm>>
        %dma_wait3A_252 = arith.constant 0 : i32
        %dma_wait3A_253 = arith.constant 0 : i32
        %dma_wait3A_254 = tpu.memref_slice %arg7[%dma_wait3A_252, %dma_wait3A_253] : memref<64x137xf32, #tpu.memory_space<vmem>> -> memref<64x128xf32, #tpu.memory_space<vmem>>
        %dma_wait3A_255 = arith.constant 0 : i32
        %dma_wait3A_256 = arith.constant 0 : i32
        %dma_wait3A_257 = tpu.memref_slice %arg2[%dma_wait3A_255, %dma_wait3A_256] : memref<400000x128xf32, #tpu.memory_space<hbm>> -> memref<64x128xf32, #tpu.memory_space<hbm>>
        tpu.wait_dma2 semaphore(%arg21 : memref<!tpu.dma_semaphore, #tpu.memory_space<semaphore_mem>>) src(%dma_wait3A_257 : memref<64x128xf32, #tpu.memory_space<hbm>>) dst(%dma_wait3A_254 : memref<64x128xf32, #tpu.memory_space<vmem>>)
        %dma_wait3A_258 = arith.constant 1 : i32
        %dma_wait3A_259 = arith.constant 0 : i32
        %dma_wait3A_260 = arith.constant 0 : i32
        %dma_wait3A_261 = tpu.memref_slice %arg3[%dma_wait3A_259, %dma_wait3A_258, %dma_wait3A_260] : memref<25000x2x128xi32, #tpu.memory_space<hbm>> -> memref<4x1x128xi32, #tpu.memory_space<hbm>>
        %dma_wait3A_262 = tpu.memref_squeeze %dma_wait3A_261 : memref<4x1x128xi32, #tpu.memory_space<hbm>> -> memref<4x128xi32, #tpu.memory_space<hbm>>
        %dma_wait3A_263 = arith.constant 0 : i32
        %dma_wait3A_264 = arith.constant 0 : i32
        %dma_wait3A_265 = tpu.memref_slice %arg3[%dma_wait3A_263, %dma_wait3A_258, %dma_wait3A_264] : memref<25000x2x128xi32, #tpu.memory_space<hbm>> -> memref<4x1x128xi32, #tpu.memory_space<hbm>>
        %dma_wait3A_266 = tpu.memref_squeeze %dma_wait3A_265 : memref<4x1x128xi32, #tpu.memory_space<hbm>> -> memref<4x128xi32, #tpu.memory_space<hbm>>
        tpu.wait_dma2 semaphore(%arg21 : memref<!tpu.dma_semaphore, #tpu.memory_space<semaphore_mem>>) src(%dma_wait3A_266 : memref<4x128xi32, #tpu.memory_space<hbm>>) dst(%arg15 : memref<4x128xi32, #tpu.memory_space<vmem>>)
        %ge3A_267 = arith.constant 2 : i32
        %ge3A_268 = arith.cmpi sge, %add3A_226, %ge3A_267 : i32
        %convert_element_type3A_269 = arith.extui %ge3A_268 : i1 to i32
        %cond3A_270 = arith.constant 0 : i32
        %cond3A_271 = arith.cmpi ne, %convert_element_type3A_269, %cond3A_270 : i32
        scf.if %cond3A_271 {
          %dma_wait3A_321 = arith.constant 0 : i32
          %dma_wait3A_322 = arith.constant 0 : i32
          %dma_wait3A_323 = tpu.memref_slice %arg19[%dma_wait3A_321, %dma_wait3A_322] : memref<50048x16xf32, #tpu.memory_space<vmem_shared>> -> memref<512x16xf32, #tpu.memory_space<vmem_shared>>
          %dma_wait3A_324 = arith.constant 0 : i32
          %dma_wait3A_325 = arith.constant 0 : i32
          %dma_wait3A_326 = tpu.memref_slice %arg19[%dma_wait3A_324, %dma_wait3A_325] : memref<50048x16xf32, #tpu.memory_space<vmem_shared>> -> memref<512x16xf32, #tpu.memory_space<vmem_shared>>
          tpu.wait_dma2 semaphore(%arg27 : memref<!tpu.dma_semaphore, #tpu.memory_space<semaphore_mem>>) src(%arg13 : memref<512x16xf32, #tpu.memory_space<vmem>>) dst(%dma_wait3A_326 : memref<512x16xf32, #tpu.memory_space<vmem_shared>>)
        } else {
        }
        %add3A_272 = arith.constant 2 : i32
        %add3A_273 = arith.addi %add3A_226, %add3A_272 : i32
        %lt3A_274 = arith.cmpi slt, %add3A_273, %add3A_10 : i32
        %convert_element_type3A_275 = arith.extui %lt3A_274 : i1 to i32
        %cond3A_276 = arith.constant 0 : i32
        %cond3A_277 = arith.cmpi ne, %convert_element_type3A_275, %cond3A_276 : i32
        scf.if %cond3A_277 {
          %add3A_321 = arith.constant 2 : i32
          %add3A_322 = arith.addi %add3A_226, %add3A_321 : i32
          %mul3A_323 = arith.constant 4 : i32
          %mul3A_324 = arith.muli %add3A_322, %mul3A_323 : i32
          %add3A_325 = arith.addi %mul3A_6, %mul3A_324 : i32
          %mul3A_326 = arith.constant 8 : i32
          %mul3A_327 = arith.muli %add3A_325, %mul3A_326 : i32
          %dma_start3A_328 = arith.constant 0 : i32
          %dma_start3A_329 = arith.constant 0 : i32
          %dma_start3A_330 = tpu.memref_slice %arg9[%dma_start3A_328, %dma_start3A_329] : memref<64x137xf32, #tpu.memory_space<vmem>> -> memref<32x128xf32, #tpu.memory_space<vmem>>
          %dma_start3A_331 = arith.constant 0 : i32
          %dma_start3A_332 = tpu.memref_slice %arg2[%mul3A_327, %dma_start3A_331] : memref<400000x128xf32, #tpu.memory_space<hbm>> -> memref<32x128xf32, #tpu.memory_space<hbm>>
          %dma_start3A_333 = arith.constant 0 : i32
          %dma_start3A_334 = arith.constant 0 : i32
          %dma_start3A_335 = tpu.memref_slice %arg9[%dma_start3A_333, %dma_start3A_334] : memref<64x137xf32, #tpu.memory_space<vmem>> -> memref<32x128xf32, #tpu.memory_space<vmem>>
          %dma_start3A_336 = arith.constant 0 : i32
          %dma_start3A_337 = tpu.memref_slice %arg2[%mul3A_327, %dma_start3A_336] : memref<400000x128xf32, #tpu.memory_space<hbm>> -> memref<32x128xf32, #tpu.memory_space<hbm>>
          tpu.enqueue_dma source(%dma_start3A_337 : memref<32x128xf32, #tpu.memory_space<hbm>>) target(%dma_start3A_335 : memref<32x128xf32, #tpu.memory_space<vmem>>) target_semaphore(%arg23 : memref<!tpu.dma_semaphore, #tpu.memory_space<semaphore_mem>>)
          %mul3A_338 = arith.constant 8 : i32
          %mul3A_339 = arith.muli %add3A_325, %mul3A_338 : i32
          %add3A_340 = arith.constant 200000 : i32
          %add3A_341 = arith.addi %add3A_340, %mul3A_339 : i32
          %dma_start3A_342 = arith.constant 32 : i32
          %dma_start3A_343 = arith.constant 8 : i32
          %dma_start3A_344 = tpu.memref_slice %arg9[%dma_start3A_342, %dma_start3A_343] : memref<64x137xf32, #tpu.memory_space<vmem>> -> memref<32x128xf32, #tpu.memory_space<vmem>>
          %dma_start3A_345 = arith.constant 0 : i32
          %dma_start3A_346 = tpu.memref_slice %arg2[%add3A_341, %dma_start3A_345] : memref<400000x128xf32, #tpu.memory_space<hbm>> -> memref<32x128xf32, #tpu.memory_space<hbm>>
          %dma_start3A_347 = arith.constant 32 : i32
          %dma_start3A_348 = arith.constant 8 : i32
          %dma_start3A_349 = tpu.memref_slice %arg9[%dma_start3A_347, %dma_start3A_348] : memref<64x137xf32, #tpu.memory_space<vmem>> -> memref<32x128xf32, #tpu.memory_space<vmem>>
          %dma_start3A_350 = arith.constant 0 : i32
          %dma_start3A_351 = tpu.memref_slice %arg2[%add3A_341, %dma_start3A_350] : memref<400000x128xf32, #tpu.memory_space<hbm>> -> memref<32x128xf32, #tpu.memory_space<hbm>>
          tpu.enqueue_dma source(%dma_start3A_351 : memref<32x128xf32, #tpu.memory_space<hbm>>) target(%dma_start3A_349 : memref<32x128xf32, #tpu.memory_space<vmem>>) target_semaphore(%arg23 : memref<!tpu.dma_semaphore, #tpu.memory_space<semaphore_mem>>)
          %dma_start3A_352 = arith.constant 1 : i32
          %dma_start3A_353 = arith.constant 0 : i32
          %dma_start3A_354 = tpu.memref_slice %arg3[%add3A_325, %dma_start3A_352, %dma_start3A_353] : memref<25000x2x128xi32, #tpu.memory_space<hbm>> -> memref<4x1x128xi32, #tpu.memory_space<hbm>>
          %dma_start3A_355 = tpu.memref_squeeze %dma_start3A_354 : memref<4x1x128xi32, #tpu.memory_space<hbm>> -> memref<4x128xi32, #tpu.memory_space<hbm>>
          %dma_start3A_356 = arith.constant 0 : i32
          %dma_start3A_357 = tpu.memref_slice %arg3[%add3A_325, %dma_start3A_352, %dma_start3A_356] : memref<25000x2x128xi32, #tpu.memory_space<hbm>> -> memref<4x1x128xi32, #tpu.memory_space<hbm>>
          %dma_start3A_358 = tpu.memref_squeeze %dma_start3A_357 : memref<4x1x128xi32, #tpu.memory_space<hbm>> -> memref<4x128xi32, #tpu.memory_space<hbm>>
          tpu.enqueue_dma source(%dma_start3A_358 : memref<4x128xi32, #tpu.memory_space<hbm>>) target(%arg17 : memref<4x128xi32, #tpu.memory_space<vmem>>) target_semaphore(%arg23 : memref<!tpu.dma_semaphore, #tpu.memory_space<semaphore_mem>>)
        } else {
        }
        %parallel_loop3A_278 = arith.constant 0 : i32
        %parallel_loop3A_279 = arith.constant 512 : i32
        %parallel_loop3A_280 = arith.constant 1 : i32
        scf.for %parallel_loop3A_321 = %parallel_loop3A_278 to %parallel_loop3A_279 step %parallel_loop3A_280  : i32 {
          %parallel_loop3A_322 = arith.constant 7 : i32
          %parallel_loop3A_323 = arith.shrui %parallel_loop3A_321, %parallel_loop3A_322 : i32
          %parallel_loop3A_324 = arith.constant 3 : i32
          %parallel_loop3A_325 = arith.shli %parallel_loop3A_323, %parallel_loop3A_324 : i32
          %parallel_loop3A_326 = arith.constant 127 : i32
          %parallel_loop3A_327 = arith.andi %parallel_loop3A_321, %parallel_loop3A_326 : i32
          %parallel_loop3A_328 = vector.broadcast %parallel_loop3A_325 : i32 to vector<16xi32>
          %parallel_loop3A_329 = arith.addi %add3A_186, %parallel_loop3A_328 : vector<16xi32>
          %parallel_loop3A_330 = vector.broadcast %parallel_loop3A_327 : i32 to vector<16xi32>
          %parallel_loop3A_331 = arith.addi %mul3A_189, %parallel_loop3A_330 : vector<16xi32>
          %parallel_loop3A_332 = tpu.vector_load_idx %arg7[%parallel_loop3A_329, %parallel_loop3A_331] : memref<64x137xf32, #tpu.memory_space<vmem>>[vector<16xi32>, vector<16xi32>], vector<16xf32>,
          %parallel_loop3A_333 = arith.index_cast %parallel_loop3A_321 : i32 to index
          %parallel_loop3A_334 = arith.constant 0 : index
          %parallel_loop3A_335 = tpu.vector_load %arg11[%parallel_loop3A_333, %parallel_loop3A_334] {strides = array<i32>} : memref<512x16xf32, #tpu.memory_space<vmem>>, vector<16xf32>,
          tpu.vector_store %arg11[%parallel_loop3A_333, %parallel_loop3A_334], %parallel_loop3A_332 {strides = array<i32>} : memref<512x16xf32, #tpu.memory_space<vmem>>, vector<16xf32>,
        } {sc.loop_unroll_factor = 8 : i64, sc.parallel_access}
        %dma_start3A_281 = arith.constant 0 : i32
        %dma_start3A_282 = arith.constant 0 : i32
        %dma_start3A_283 = arith.constant 0 : i32
        %dma_start3A_284 = tpu.memref_slice %arg11[%dma_start3A_282, %dma_start3A_283] : memref<512x16xf32, #tpu.memory_space<vmem>> -> memref<128x16xf32, #tpu.memory_space<vmem>>
        %dma_start3A_285 = arith.constant 0 : i32
        %dma_start3A_286 = tpu.memref_slice %arg15[%dma_start3A_281, %dma_start3A_285] : memref<4x128xi32, #tpu.memory_space<vmem>> -> memref<1x128xi32, #tpu.memory_space<vmem>>
        %dma_start3A_287 = tpu.memref_squeeze %dma_start3A_286 : memref<1x128xi32, #tpu.memory_space<vmem>> -> memref<128xi32, #tpu.memory_space<vmem>>
        %dma_start3A_288 = arith.constant 0 : i32
        %dma_start3A_289 = arith.constant 0 : i32
        %dma_start3A_290 = tpu.memref_slice %arg19[%dma_start3A_288, %dma_start3A_289] : memref<50048x16xf32, #tpu.memory_space<vmem_shared>> -> memref<50048x16xf32, #tpu.memory_space<vmem_shared>>
        tpu.enqueue_indirect_dma source(%dma_start3A_284 : memref<128x16xf32, #tpu.memory_space<vmem>>) target(%dma_start3A_290 : memref<50048x16xf32, #tpu.memory_space<vmem_shared>>) offsets(%dma_start3A_287 : memref<128xi32, #tpu.memory_space<vmem>>) semaphore(%arg25 : memref<!tpu.dma_semaphore, #tpu.memory_space<semaphore_mem>>) {add = true}
        %dma_start3A_291 = arith.constant 1 : i32
        %dma_start3A_292 = arith.constant 128 : i32
        %dma_start3A_293 = arith.constant 0 : i32
        %dma_start3A_294 = tpu.memref_slice %arg11[%dma_start3A_292, %dma_start3A_293] : memref<512x16xf32, #tpu.memory_space<vmem>> -> memref<128x16xf32, #tpu.memory_space<vmem>>
        %dma_start3A_295 = arith.constant 0 : i32
        %dma_start3A_296 = tpu.memref_slice %arg15[%dma_start3A_291, %dma_start3A_295] : memref<4x128xi32, #tpu.memory_space<vmem>> -> memref<1x128xi32, #tpu.memory_space<vmem>>
        %dma_start3A_297 = tpu.memref_squeeze %dma_start3A_296 : memref<1x128xi32, #tpu.memory_space<vmem>> -> memref<128xi32, #tpu.memory_space<vmem>>
        %dma_start3A_298 = arith.constant 0 : i32
        %dma_start3A_299 = arith.constant 0 : i32
        %dma_start3A_300 = tpu.memref_slice %arg19[%dma_start3A_298, %dma_start3A_299] : memref<50048x16xf32, #tpu.memory_space<vmem_shared>> -> memref<50048x16xf32, #tpu.memory_space<vmem_shared>>
        tpu.enqueue_indirect_dma source(%dma_start3A_294 : memref<128x16xf32, #tpu.memory_space<vmem>>) target(%dma_start3A_300 : memref<50048x16xf32, #tpu.memory_space<vmem_shared>>) offsets(%dma_start3A_297 : memref<128xi32, #tpu.memory_space<vmem>>) semaphore(%arg25 : memref<!tpu.dma_semaphore, #tpu.memory_space<semaphore_mem>>) {add = true}
        %dma_start3A_301 = arith.constant 2 : i32
        %dma_start3A_302 = arith.constant 256 : i32
        %dma_start3A_303 = arith.constant 0 : i32
        %dma_start3A_304 = tpu.memref_slice %arg11[%dma_start3A_302, %dma_start3A_303] : memref<512x16xf32, #tpu.memory_space<vmem>> -> memref<128x16xf32, #tpu.memory_space<vmem>>
        %dma_start3A_305 = arith.constant 0 : i32
        %dma_start3A_306 = tpu.memref_slice %arg15[%dma_start3A_301, %dma_start3A_305] : memref<4x128xi32, #tpu.memory_space<vmem>> -> memref<1x128xi32, #tpu.memory_space<vmem>>
        %dma_start3A_307 = tpu.memref_squeeze %dma_start3A_306 : memref<1x128xi32, #tpu.memory_space<vmem>> -> memref<128xi32, #tpu.memory_space<vmem>>
        %dma_start3A_308 = arith.constant 0 : i32
        %dma_start3A_309 = arith.constant 0 : i32
        %dma_start3A_310 = tpu.memref_slice %arg19[%dma_start3A_308, %dma_start3A_309] : memref<50048x16xf32, #tpu.memory_space<vmem_shared>> -> memref<50048x16xf32, #tpu.memory_space<vmem_shared>>
        tpu.enqueue_indirect_dma source(%dma_start3A_304 : memref<128x16xf32, #tpu.memory_space<vmem>>) target(%dma_start3A_310 : memref<50048x16xf32, #tpu.memory_space<vmem_shared>>) offsets(%dma_start3A_307 : memref<128xi32, #tpu.memory_space<vmem>>) semaphore(%arg25 : memref<!tpu.dma_semaphore, #tpu.memory_space<semaphore_mem>>) {add = true}
        %dma_start3A_311 = arith.constant 3 : i32
        %dma_start3A_312 = arith.constant 384 : i32
        %dma_start3A_313 = arith.constant 0 : i32
        %dma_start3A_314 = tpu.memref_slice %arg11[%dma_start3A_312, %dma_start3A_313] : memref<512x16xf32, #tpu.memory_space<vmem>> -> memref<128x16xf32, #tpu.memory_space<vmem>>
        %dma_start3A_315 = arith.constant 0 : i32
        %dma_start3A_316 = tpu.memref_slice %arg15[%dma_start3A_311, %dma_start3A_315] : memref<4x128xi32, #tpu.memory_space<vmem>> -> memref<1x128xi32, #tpu.memory_space<vmem>>
        %dma_start3A_317 = tpu.memref_squeeze %dma_start3A_316 : memref<1x128xi32, #tpu.memory_space<vmem>> -> memref<128xi32, #tpu.memory_space<vmem>>
        %dma_start3A_318 = arith.constant 0 : i32
        %dma_start3A_319 = arith.constant 0 : i32
        %dma_start3A_320 = tpu.memref_slice %arg19[%dma_start3A_318, %dma_start3A_319] : memref<50048x16xf32, #tpu.memory_space<vmem_shared>> -> memref<50048x16xf32, #tpu.memory_space<vmem_shared>>
        tpu.enqueue_indirect_dma source(%dma_start3A_314 : memref<128x16xf32, #tpu.memory_space<vmem>>) target(%dma_start3A_320 : memref<50048x16xf32, #tpu.memory_space<vmem_shared>>) offsets(%dma_start3A_317 : memref<128xi32, #tpu.memory_space<vmem>>) semaphore(%arg25 : memref<!tpu.dma_semaphore, #tpu.memory_space<semaphore_mem>>) {add = true}
      } else {
      }
      %mul3A_231 = arith.constant 4 : i32
      %mul3A_232 = arith.muli %mul3A_231, %scan3A_214 : i32
      %add3A_233 = arith.constant 2 : i32
      %add3A_234 = arith.addi %mul3A_232, %add3A_233 : i32
      %lt3A_235 = arith.cmpi slt, %add3A_234, %add3A_10 : i32
      %convert_element_type3A_236 = arith.extui %lt3A_235 : i1 to i32
      %cond3A_237 = arith.constant 0 : i32
      %cond3A_238 = arith.cmpi ne, %convert_element_type3A_236, %cond3A_237 : i32
      scf.if %cond3A_238 {
        %dma_wait3A = arith.constant 0 : i32
        %dma_wait3A_247 = arith.constant 0 : i32
        %dma_wait3A_248 = tpu.memref_slice %arg8[%dma_wait3A, %dma_wait3A_247] : memref<64x137xf32, #tpu.memory_space<vmem>> -> memref<64x128xf32, #tpu.memory_space<vmem>>
        %dma_wait3A_249 = arith.constant 0 : i32
        %dma_wait3A_250 = arith.constant 0 : i32
        %dma_wait3A_251 = tpu.memref_slice %arg2[%dma_wait3A_249, %dma_wait3A_250] : memref<400000x128xf32, #tpu.memory_space<hbm>> -> memref<64x128xf32, #tpu.memory_space<hbm>>
        %dma_wait3A_252 = arith.constant 0 : i32
        %dma_wait3A_253 = arith.constant 0 : i32
        %dma_wait3A_254 = tpu.memref_slice %arg8[%dma_wait3A_252, %dma_wait3A_253] : memref<64x137xf32, #tpu.memory_space<vmem>> -> memref<64x128xf32, #tpu.memory_space<vmem>>
        %dma_wait3A_255 = arith.constant 0 : i32
        %dma_wait3A_256 = arith.constant 0 : i32
        %dma_wait3A_257 = tpu.memref_slice %arg2[%dma_wait3A_255, %dma_wait3A_256] : memref<400000x128xf32, #tpu.memory_space<hbm>> -> memref<64x128xf32, #tpu.memory_space<hbm>>
        tpu.wait_dma2 semaphore(%arg22 : memref<!tpu.dma_semaphore, #tpu.memory_space<semaphore_mem>>) src(%dma_wait3A_257 : memref<64x128xf32, #tpu.memory_space<hbm>>) dst(%dma_wait3A_254 : memref<64x128xf32, #tpu.memory_space<vmem>>)
        %dma_wait3A_258 = arith.constant 1 : i32
        %dma_wait3A_259 = arith.constant 0 : i32
        %dma_wait3A_260 = arith.constant 0 : i32
        %dma_wait3A_261 = tpu.memref_slice %arg3[%dma_wait3A_259, %dma_wait3A_258, %dma_wait3A_260] : memref<25000x2x128xi32, #tpu.memory_space<hbm>> -> memref<4x1x128xi32, #tpu.memory_space<hbm>>
        %dma_wait3A_262 = tpu.memref_squeeze %dma_wait3A_261 : memref<4x1x128xi32, #tpu.memory_space<hbm>> -> memref<4x128xi32, #tpu.memory_space<hbm>>
        %dma_wait3A_263 = arith.constant 0 : i32
        %dma_wait3A_264 = arith.constant 0 : i32
        %dma_wait3A_265 = tpu.memref_slice %arg3[%dma_wait3A_263, %dma_wait3A_258, %dma_wait3A_264] : memref<25000x2x128xi32, #tpu.memory_space<hbm>> -> memref<4x1x128xi32, #tpu.memory_space<hbm>>
        %dma_wait3A_266 = tpu.memref_squeeze %dma_wait3A_265 : memref<4x1x128xi32, #tpu.memory_space<hbm>> -> memref<4x128xi32, #tpu.memory_space<hbm>>
        tpu.wait_dma2 semaphore(%arg22 : memref<!tpu.dma_semaphore, #tpu.memory_space<semaphore_mem>>) src(%dma_wait3A_266 : memref<4x128xi32, #tpu.memory_space<hbm>>) dst(%arg16 : memref<4x128xi32, #tpu.memory_space<vmem>>)
        %ge3A_267 = arith.constant 2 : i32
        %ge3A_268 = arith.cmpi sge, %add3A_234, %ge3A_267 : i32
        %convert_element_type3A_269 = arith.extui %ge3A_268 : i1 to i32
        %cond3A_270 = arith.constant 0 : i32
        %cond3A_271 = arith.cmpi ne, %convert_element_type3A_269, %cond3A_270 : i32
        scf.if %cond3A_271 {
          %dma_wait3A_321 = arith.constant 0 : i32
          %dma_wait3A_322 = arith.constant 0 : i32
          %dma_wait3A_323 = tpu.memref_slice %arg19[%dma_wait3A_321, %dma_wait3A_322] : memref<50048x16xf32, #tpu.memory_space<vmem_shared>> -> memref<512x16xf32, #tpu.memory_space<vmem_shared>>
          %dma_wait3A_324 = arith.constant 0 : i32
          %dma_wait3A_325 = arith.constant 0 : i32
          %dma_wait3A_326 = tpu.memref_slice %arg19[%dma_wait3A_324, %dma_wait3A_325] : memref<50048x16xf32, #tpu.memory_space<vmem_shared>> -> memref<512x16xf32, #tpu.memory_space<vmem_shared>>
          tpu.wait_dma2 semaphore(%arg24 : memref<!tpu.dma_semaphore, #tpu.memory_space<semaphore_mem>>) src(%arg10 : memref<512x16xf32, #tpu.memory_space<vmem>>) dst(%dma_wait3A_326 : memref<512x16xf32, #tpu.memory_space<vmem_shared>>)
        } else {
        }
        %add3A_272 = arith.constant 2 : i32
        %add3A_273 = arith.addi %add3A_234, %add3A_272 : i32
        %lt3A_274 = arith.cmpi slt, %add3A_273, %add3A_10 : i32
        %convert_element_type3A_275 = arith.extui %lt3A_274 : i1 to i32
        %cond3A_276 = arith.constant 0 : i32
        %cond3A_277 = arith.cmpi ne, %convert_element_type3A_275, %cond3A_276 : i32
        scf.if %cond3A_277 {
          %add3A_321 = arith.constant 2 : i32
          %add3A_322 = arith.addi %add3A_234, %add3A_321 : i32
          %mul3A_323 = arith.constant 4 : i32
          %mul3A_324 = arith.muli %add3A_322, %mul3A_323 : i32
          %add3A_325 = arith.addi %mul3A_6, %mul3A_324 : i32
          %mul3A_326 = arith.constant 8 : i32
          %mul3A_327 = arith.muli %add3A_325, %mul3A_326 : i32
          %dma_start3A_328 = arith.constant 0 : i32
          %dma_start3A_329 = arith.constant 0 : i32
          %dma_start3A_330 = tpu.memref_slice %arg6[%dma_start3A_328, %dma_start3A_329] : memref<64x137xf32, #tpu.memory_space<vmem>> -> memref<32x128xf32, #tpu.memory_space<vmem>>
          %dma_start3A_331 = arith.constant 0 : i32
          %dma_start3A_332 = tpu.memref_slice %arg2[%mul3A_327, %dma_start3A_331] : memref<400000x128xf32, #tpu.memory_space<hbm>> -> memref<32x128xf32, #tpu.memory_space<hbm>>
          %dma_start3A_333 = arith.constant 0 : i32
          %dma_start3A_334 = arith.constant 0 : i32
          %dma_start3A_335 = tpu.memref_slice %arg6[%dma_start3A_333, %dma_start3A_334] : memref<64x137xf32, #tpu.memory_space<vmem>> -> memref<32x128xf32, #tpu.memory_space<vmem>>
          %dma_start3A_336 = arith.constant 0 : i32
          %dma_start3A_337 = tpu.memref_slice %arg2[%mul3A_327, %dma_start3A_336] : memref<400000x128xf32, #tpu.memory_space<hbm>> -> memref<32x128xf32, #tpu.memory_space<hbm>>
          tpu.enqueue_dma source(%dma_start3A_337 : memref<32x128xf32, #tpu.memory_space<hbm>>) target(%dma_start3A_335 : memref<32x128xf32, #tpu.memory_space<vmem>>) target_semaphore(%arg20 : memref<!tpu.dma_semaphore, #tpu.memory_space<semaphore_mem>>)
          %mul3A_338 = arith.constant 8 : i32
          %mul3A_339 = arith.muli %add3A_325, %mul3A_338 : i32
          %add3A_340 = arith.constant 200000 : i32
          %add3A_341 = arith.addi %add3A_340, %mul3A_339 : i32
          %dma_start3A_342 = arith.constant 32 : i32
          %dma_start3A_343 = arith.constant 8 : i32
          %dma_start3A_344 = tpu.memref_slice %arg6[%dma_start3A_342, %dma_start3A_343] : memref<64x137xf32, #tpu.memory_space<vmem>> -> memref<32x128xf32, #tpu.memory_space<vmem>>
          %dma_start3A_345 = arith.constant 0 : i32
          %dma_start3A_346 = tpu.memref_slice %arg2[%add3A_341, %dma_start3A_345] : memref<400000x128xf32, #tpu.memory_space<hbm>> -> memref<32x128xf32, #tpu.memory_space<hbm>>
          %dma_start3A_347 = arith.constant 32 : i32
          %dma_start3A_348 = arith.constant 8 : i32
          %dma_start3A_349 = tpu.memref_slice %arg6[%dma_start3A_347, %dma_start3A_348] : memref<64x137xf32, #tpu.memory_space<vmem>> -> memref<32x128xf32, #tpu.memory_space<vmem>>
          %dma_start3A_350 = arith.constant 0 : i32
          %dma_start3A_351 = tpu.memref_slice %arg2[%add3A_341, %dma_start3A_350] : memref<400000x128xf32, #tpu.memory_space<hbm>> -> memref<32x128xf32, #tpu.memory_space<hbm>>
          tpu.enqueue_dma source(%dma_start3A_351 : memref<32x128xf32, #tpu.memory_space<hbm>>) target(%dma_start3A_349 : memref<32x128xf32, #tpu.memory_space<vmem>>) target_semaphore(%arg20 : memref<!tpu.dma_semaphore, #tpu.memory_space<semaphore_mem>>)
          %dma_start3A_352 = arith.constant 1 : i32
          %dma_start3A_353 = arith.constant 0 : i32
          %dma_start3A_354 = tpu.memref_slice %arg3[%add3A_325, %dma_start3A_352, %dma_start3A_353] : memref<25000x2x128xi32, #tpu.memory_space<hbm>> -> memref<4x1x128xi32, #tpu.memory_space<hbm>>
          %dma_start3A_355 = tpu.memref_squeeze %dma_start3A_354 : memref<4x1x128xi32, #tpu.memory_space<hbm>> -> memref<4x128xi32, #tpu.memory_space<hbm>>
          %dma_start3A_356 = arith.constant 0 : i32
          %dma_start3A_357 = tpu.memref_slice %arg3[%add3A_325, %dma_start3A_352, %dma_start3A_356] : memref<25000x2x128xi32, #tpu.memory_space<hbm>> -> memref<4x1x128xi32, #tpu.memory_space<hbm>>
          %dma_start3A_358 = tpu.memref_squeeze %dma_start3A_357 : memref<4x1x128xi32, #tpu.memory_space<hbm>> -> memref<4x128xi32, #tpu.memory_space<hbm>>
          tpu.enqueue_dma source(%dma_start3A_358 : memref<4x128xi32, #tpu.memory_space<hbm>>) target(%arg14 : memref<4x128xi32, #tpu.memory_space<vmem>>) target_semaphore(%arg20 : memref<!tpu.dma_semaphore, #tpu.memory_space<semaphore_mem>>)
        } else {
        }
        %parallel_loop3A_278 = arith.constant 0 : i32
        %parallel_loop3A_279 = arith.constant 512 : i32
        %parallel_loop3A_280 = arith.constant 1 : i32
        scf.for %parallel_loop3A_321 = %parallel_loop3A_278 to %parallel_loop3A_279 step %parallel_loop3A_280  : i32 {
          %parallel_loop3A_322 = arith.constant 7 : i32
          %parallel_loop3A_323 = arith.shrui %parallel_loop3A_321, %parallel_loop3A_322 : i32
          %parallel_loop3A_324 = arith.constant 3 : i32
          %parallel_loop3A_325 = arith.shli %parallel_loop3A_323, %parallel_loop3A_324 : i32
          %parallel_loop3A_326 = arith.constant 127 : i32
          %parallel_loop3A_327 = arith.andi %parallel_loop3A_321, %parallel_loop3A_326 : i32
          %parallel_loop3A_328 = vector.broadcast %parallel_loop3A_325 : i32 to vector<16xi32>
          %parallel_loop3A_329 = arith.addi %add3A_186, %parallel_loop3A_328 : vector<16xi32>
          %parallel_loop3A_330 = vector.broadcast %parallel_loop3A_327 : i32 to vector<16xi32>
          %parallel_loop3A_331 = arith.addi %mul3A_189, %parallel_loop3A_330 : vector<16xi32>
          %parallel_loop3A_332 = tpu.vector_load_idx %arg8[%parallel_loop3A_329, %parallel_loop3A_331] : memref<64x137xf32, #tpu.memory_space<vmem>>[vector<16xi32>, vector<16xi32>], vector<16xf32>,
          %parallel_loop3A_333 = arith.index_cast %parallel_loop3A_321 : i32 to index
          %parallel_loop3A_334 = arith.constant 0 : index
          %parallel_loop3A_335 = tpu.vector_load %arg12[%parallel_loop3A_333, %parallel_loop3A_334] {strides = array<i32>} : memref<512x16xf32, #tpu.memory_space<vmem>>, vector<16xf32>,
          tpu.vector_store %arg12[%parallel_loop3A_333, %parallel_loop3A_334], %parallel_loop3A_332 {strides = array<i32>} : memref<512x16xf32, #tpu.memory_space<vmem>>, vector<16xf32>,
        } {sc.loop_unroll_factor = 8 : i64, sc.parallel_access}
        %dma_start3A_281 = arith.constant 0 : i32
        %dma_start3A_282 = arith.constant 0 : i32
        %dma_start3A_283 = arith.constant 0 : i32
        %dma_start3A_284 = tpu.memref_slice %arg12[%dma_start3A_282, %dma_start3A_283] : memref<512x16xf32, #tpu.memory_space<vmem>> -> memref<128x16xf32, #tpu.memory_space<vmem>>
        %dma_start3A_285 = arith.constant 0 : i32
        %dma_start3A_286 = tpu.memref_slice %arg16[%dma_start3A_281, %dma_start3A_285] : memref<4x128xi32, #tpu.memory_space<vmem>> -> memref<1x128xi32, #tpu.memory_space<vmem>>
        %dma_start3A_287 = tpu.memref_squeeze %dma_start3A_286 : memref<1x128xi32, #tpu.memory_space<vmem>> -> memref<128xi32, #tpu.memory_space<vmem>>
        %dma_start3A_288 = arith.constant 0 : i32
        %dma_start3A_289 = arith.constant 0 : i32
        %dma_start3A_290 = tpu.memref_slice %arg19[%dma_start3A_288, %dma_start3A_289] : memref<50048x16xf32, #tpu.memory_space<vmem_shared>> -> memref<50048x16xf32, #tpu.memory_space<vmem_shared>>
        tpu.enqueue_indirect_dma source(%dma_start3A_284 : memref<128x16xf32, #tpu.memory_space<vmem>>) target(%dma_start3A_290 : memref<50048x16xf32, #tpu.memory_space<vmem_shared>>) offsets(%dma_start3A_287 : memref<128xi32, #tpu.memory_space<vmem>>) semaphore(%arg26 : memref<!tpu.dma_semaphore, #tpu.memory_space<semaphore_mem>>) {add = true}
        %dma_start3A_291 = arith.constant 1 : i32
        %dma_start3A_292 = arith.constant 128 : i32
        %dma_start3A_293 = arith.constant 0 : i32
        %dma_start3A_294 = tpu.memref_slice %arg12[%dma_start3A_292, %dma_start3A_293] : memref<512x16xf32, #tpu.memory_space<vmem>> -> memref<128x16xf32, #tpu.memory_space<vmem>>
        %dma_start3A_295 = arith.constant 0 : i32
        %dma_start3A_296 = tpu.memref_slice %arg16[%dma_start3A_291, %dma_start3A_295] : memref<4x128xi32, #tpu.memory_space<vmem>> -> memref<1x128xi32, #tpu.memory_space<vmem>>
        %dma_start3A_297 = tpu.memref_squeeze %dma_start3A_296 : memref<1x128xi32, #tpu.memory_space<vmem>> -> memref<128xi32, #tpu.memory_space<vmem>>
        %dma_start3A_298 = arith.constant 0 : i32
        %dma_start3A_299 = arith.constant 0 : i32
        %dma_start3A_300 = tpu.memref_slice %arg19[%dma_start3A_298, %dma_start3A_299] : memref<50048x16xf32, #tpu.memory_space<vmem_shared>> -> memref<50048x16xf32, #tpu.memory_space<vmem_shared>>
        tpu.enqueue_indirect_dma source(%dma_start3A_294 : memref<128x16xf32, #tpu.memory_space<vmem>>) target(%dma_start3A_300 : memref<50048x16xf32, #tpu.memory_space<vmem_shared>>) offsets(%dma_start3A_297 : memref<128xi32, #tpu.memory_space<vmem>>) semaphore(%arg26 : memref<!tpu.dma_semaphore, #tpu.memory_space<semaphore_mem>>) {add = true}
        %dma_start3A_301 = arith.constant 2 : i32
        %dma_start3A_302 = arith.constant 256 : i32
        %dma_start3A_303 = arith.constant 0 : i32
        %dma_start3A_304 = tpu.memref_slice %arg12[%dma_start3A_302, %dma_start3A_303] : memref<512x16xf32, #tpu.memory_space<vmem>> -> memref<128x16xf32, #tpu.memory_space<vmem>>
        %dma_start3A_305 = arith.constant 0 : i32
        %dma_start3A_306 = tpu.memref_slice %arg16[%dma_start3A_301, %dma_start3A_305] : memref<4x128xi32, #tpu.memory_space<vmem>> -> memref<1x128xi32, #tpu.memory_space<vmem>>
        %dma_start3A_307 = tpu.memref_squeeze %dma_start3A_306 : memref<1x128xi32, #tpu.memory_space<vmem>> -> memref<128xi32, #tpu.memory_space<vmem>>
        %dma_start3A_308 = arith.constant 0 : i32
        %dma_start3A_309 = arith.constant 0 : i32
        %dma_start3A_310 = tpu.memref_slice %arg19[%dma_start3A_308, %dma_start3A_309] : memref<50048x16xf32, #tpu.memory_space<vmem_shared>> -> memref<50048x16xf32, #tpu.memory_space<vmem_shared>>
        tpu.enqueue_indirect_dma source(%dma_start3A_304 : memref<128x16xf32, #tpu.memory_space<vmem>>) target(%dma_start3A_310 : memref<50048x16xf32, #tpu.memory_space<vmem_shared>>) offsets(%dma_start3A_307 : memref<128xi32, #tpu.memory_space<vmem>>) semaphore(%arg26 : memref<!tpu.dma_semaphore, #tpu.memory_space<semaphore_mem>>) {add = true}
        %dma_start3A_311 = arith.constant 3 : i32
        %dma_start3A_312 = arith.constant 384 : i32
        %dma_start3A_313 = arith.constant 0 : i32
        %dma_start3A_314 = tpu.memref_slice %arg12[%dma_start3A_312, %dma_start3A_313] : memref<512x16xf32, #tpu.memory_space<vmem>> -> memref<128x16xf32, #tpu.memory_space<vmem>>
        %dma_start3A_315 = arith.constant 0 : i32
        %dma_start3A_316 = tpu.memref_slice %arg16[%dma_start3A_311, %dma_start3A_315] : memref<4x128xi32, #tpu.memory_space<vmem>> -> memref<1x128xi32, #tpu.memory_space<vmem>>
        %dma_start3A_317 = tpu.memref_squeeze %dma_start3A_316 : memref<1x128xi32, #tpu.memory_space<vmem>> -> memref<128xi32, #tpu.memory_space<vmem>>
        %dma_start3A_318 = arith.constant 0 : i32
        %dma_start3A_319 = arith.constant 0 : i32
        %dma_start3A_320 = tpu.memref_slice %arg19[%dma_start3A_318, %dma_start3A_319] : memref<50048x16xf32, #tpu.memory_space<vmem_shared>> -> memref<50048x16xf32, #tpu.memory_space<vmem_shared>>
        tpu.enqueue_indirect_dma source(%dma_start3A_314 : memref<128x16xf32, #tpu.memory_space<vmem>>) target(%dma_start3A_320 : memref<50048x16xf32, #tpu.memory_space<vmem_shared>>) offsets(%dma_start3A_317 : memref<128xi32, #tpu.memory_space<vmem>>) semaphore(%arg26 : memref<!tpu.dma_semaphore, #tpu.memory_space<semaphore_mem>>) {add = true}
      } else {
      }
      %mul3A_239 = arith.constant 4 : i32
      %mul3A_240 = arith.muli %mul3A_239, %scan3A_214 : i32
      %add3A_241 = arith.constant 3 : i32
      %add3A_242 = arith.addi %mul3A_240, %add3A_241 : i32
      %lt3A_243 = arith.cmpi slt, %add3A_242, %add3A_10 : i32
      %convert_element_type3A_244 = arith.extui %lt3A_243 : i1 to i32
      %cond3A_245 = arith.constant 0 : i32
      %cond3A_246 = arith.cmpi ne, %convert_element_type3A_244, %cond3A_245 : i32
      scf.if %cond3A_246 {
        %dma_wait3A = arith.constant 0 : i32
        %dma_wait3A_247 = arith.constant 0 : i32
        %dma_wait3A_248 = tpu.memref_slice %arg9[%dma_wait3A, %dma_wait3A_247] : memref<64x137xf32, #tpu.memory_space<vmem>> -> memref<64x128xf32, #tpu.memory_space<vmem>>
        %dma_wait3A_249 = arith.constant 0 : i32
        %dma_wait3A_250 = arith.constant 0 : i32
        %dma_wait3A_251 = tpu.memref_slice %arg2[%dma_wait3A_249, %dma_wait3A_250] : memref<400000x128xf32, #tpu.memory_space<hbm>> -> memref<64x128xf32, #tpu.memory_space<hbm>>
        %dma_wait3A_252 = arith.constant 0 : i32
        %dma_wait3A_253 = arith.constant 0 : i32
        %dma_wait3A_254 = tpu.memref_slice %arg9[%dma_wait3A_252, %dma_wait3A_253] : memref<64x137xf32, #tpu.memory_space<vmem>> -> memref<64x128xf32, #tpu.memory_space<vmem>>
        %dma_wait3A_255 = arith.constant 0 : i32
        %dma_wait3A_256 = arith.constant 0 : i32
        %dma_wait3A_257 = tpu.memref_slice %arg2[%dma_wait3A_255, %dma_wait3A_256] : memref<400000x128xf32, #tpu.memory_space<hbm>> -> memref<64x128xf32, #tpu.memory_space<hbm>>
        tpu.wait_dma2 semaphore(%arg23 : memref<!tpu.dma_semaphore, #tpu.memory_space<semaphore_mem>>) src(%dma_wait3A_257 : memref<64x128xf32, #tpu.memory_space<hbm>>) dst(%dma_wait3A_254 : memref<64x128xf32, #tpu.memory_space<vmem>>)
        %dma_wait3A_258 = arith.constant 1 : i32
        %dma_wait3A_259 = arith.constant 0 : i32
        %dma_wait3A_260 = arith.constant 0 : i32
        %dma_wait3A_261 = tpu.memref_slice %arg3[%dma_wait3A_259, %dma_wait3A_258, %dma_wait3A_260] : memref<25000x2x128xi32, #tpu.memory_space<hbm>> -> memref<4x1x128xi32, #tpu.memory_space<hbm>>
        %dma_wait3A_262 = tpu.memref_squeeze %dma_wait3A_261 : memref<4x1x128xi32, #tpu.memory_space<hbm>> -> memref<4x128xi32, #tpu.memory_space<hbm>>
        %dma_wait3A_263 = arith.constant 0 : i32
        %dma_wait3A_264 = arith.constant 0 : i32
        %dma_wait3A_265 = tpu.memref_slice %arg3[%dma_wait3A_263, %dma_wait3A_258, %dma_wait3A_264] : memref<25000x2x128xi32, #tpu.memory_space<hbm>> -> memref<4x1x128xi32, #tpu.memory_space<hbm>>
        %dma_wait3A_266 = tpu.memref_squeeze %dma_wait3A_265 : memref<4x1x128xi32, #tpu.memory_space<hbm>> -> memref<4x128xi32, #tpu.memory_space<hbm>>
        tpu.wait_dma2 semaphore(%arg23 : memref<!tpu.dma_semaphore, #tpu.memory_space<semaphore_mem>>) src(%dma_wait3A_266 : memref<4x128xi32, #tpu.memory_space<hbm>>) dst(%arg17 : memref<4x128xi32, #tpu.memory_space<vmem>>)
        %ge3A_267 = arith.constant 2 : i32
        %ge3A_268 = arith.cmpi sge, %add3A_242, %ge3A_267 : i32
        %convert_element_type3A_269 = arith.extui %ge3A_268 : i1 to i32
        %cond3A_270 = arith.constant 0 : i32
        %cond3A_271 = arith.cmpi ne, %convert_element_type3A_269, %cond3A_270 : i32
        scf.if %cond3A_271 {
          %dma_wait3A_321 = arith.constant 0 : i32
          %dma_wait3A_322 = arith.constant 0 : i32
          %dma_wait3A_323 = tpu.memref_slice %arg19[%dma_wait3A_321, %dma_wait3A_322] : memref<50048x16xf32, #tpu.memory_space<vmem_shared>> -> memref<512x16xf32, #tpu.memory_space<vmem_shared>>
          %dma_wait3A_324 = arith.constant 0 : i32
          %dma_wait3A_325 = arith.constant 0 : i32
          %dma_wait3A_326 = tpu.memref_slice %arg19[%dma_wait3A_324, %dma_wait3A_325] : memref<50048x16xf32, #tpu.memory_space<vmem_shared>> -> memref<512x16xf32, #tpu.memory_space<vmem_shared>>
          tpu.wait_dma2 semaphore(%arg25 : memref<!tpu.dma_semaphore, #tpu.memory_space<semaphore_mem>>) src(%arg11 : memref<512x16xf32, #tpu.memory_space<vmem>>) dst(%dma_wait3A_326 : memref<512x16xf32, #tpu.memory_space<vmem_shared>>)
        } else {
        }
        %add3A_272 = arith.constant 2 : i32
        %add3A_273 = arith.addi %add3A_242, %add3A_272 : i32
        %lt3A_274 = arith.cmpi slt, %add3A_273, %add3A_10 : i32
        %convert_element_type3A_275 = arith.extui %lt3A_274 : i1 to i32
        %cond3A_276 = arith.constant 0 : i32
        %cond3A_277 = arith.cmpi ne, %convert_element_type3A_275, %cond3A_276 : i32
        scf.if %cond3A_277 {
          %add3A_321 = arith.constant 2 : i32
          %add3A_322 = arith.addi %add3A_242, %add3A_321 : i32
          %mul3A_323 = arith.constant 4 : i32
          %mul3A_324 = arith.muli %add3A_322, %mul3A_323 : i32
          %add3A_325 = arith.addi %mul3A_6, %mul3A_324 : i32
          %mul3A_326 = arith.constant 8 : i32
          %mul3A_327 = arith.muli %add3A_325, %mul3A_326 : i32
          %dma_start3A_328 = arith.constant 0 : i32
          %dma_start3A_329 = arith.constant 0 : i32
          %dma_start3A_330 = tpu.memref_slice %arg7[%dma_start3A_328, %dma_start3A_329] : memref<64x137xf32, #tpu.memory_space<vmem>> -> memref<32x128xf32, #tpu.memory_space<vmem>>
          %dma_start3A_331 = arith.constant 0 : i32
          %dma_start3A_332 = tpu.memref_slice %arg2[%mul3A_327, %dma_start3A_331] : memref<400000x128xf32, #tpu.memory_space<hbm>> -> memref<32x128xf32, #tpu.memory_space<hbm>>
          %dma_start3A_333 = arith.constant 0 : i32
          %dma_start3A_334 = arith.constant 0 : i32
          %dma_start3A_335 = tpu.memref_slice %arg7[%dma_start3A_333, %dma_start3A_334] : memref<64x137xf32, #tpu.memory_space<vmem>> -> memref<32x128xf32, #tpu.memory_space<vmem>>
          %dma_start3A_336 = arith.constant 0 : i32
          %dma_start3A_337 = tpu.memref_slice %arg2[%mul3A_327, %dma_start3A_336] : memref<400000x128xf32, #tpu.memory_space<hbm>> -> memref<32x128xf32, #tpu.memory_space<hbm>>
          tpu.enqueue_dma source(%dma_start3A_337 : memref<32x128xf32, #tpu.memory_space<hbm>>) target(%dma_start3A_335 : memref<32x128xf32, #tpu.memory_space<vmem>>) target_semaphore(%arg21 : memref<!tpu.dma_semaphore, #tpu.memory_space<semaphore_mem>>)
          %mul3A_338 = arith.constant 8 : i32
          %mul3A_339 = arith.muli %add3A_325, %mul3A_338 : i32
          %add3A_340 = arith.constant 200000 : i32
          %add3A_341 = arith.addi %add3A_340, %mul3A_339 : i32
          %dma_start3A_342 = arith.constant 32 : i32
          %dma_start3A_343 = arith.constant 8 : i32
          %dma_start3A_344 = tpu.memref_slice %arg7[%dma_start3A_342, %dma_start3A_343] : memref<64x137xf32, #tpu.memory_space<vmem>> -> memref<32x128xf32, #tpu.memory_space<vmem>>
          %dma_start3A_345 = arith.constant 0 : i32
          %dma_start3A_346 = tpu.memref_slice %arg2[%add3A_341, %dma_start3A_345] : memref<400000x128xf32, #tpu.memory_space<hbm>> -> memref<32x128xf32, #tpu.memory_space<hbm>>
          %dma_start3A_347 = arith.constant 32 : i32
          %dma_start3A_348 = arith.constant 8 : i32
          %dma_start3A_349 = tpu.memref_slice %arg7[%dma_start3A_347, %dma_start3A_348] : memref<64x137xf32, #tpu.memory_space<vmem>> -> memref<32x128xf32, #tpu.memory_space<vmem>>
          %dma_start3A_350 = arith.constant 0 : i32
          %dma_start3A_351 = tpu.memref_slice %arg2[%add3A_341, %dma_start3A_350] : memref<400000x128xf32, #tpu.memory_space<hbm>> -> memref<32x128xf32, #tpu.memory_space<hbm>>
          tpu.enqueue_dma source(%dma_start3A_351 : memref<32x128xf32, #tpu.memory_space<hbm>>) target(%dma_start3A_349 : memref<32x128xf32, #tpu.memory_space<vmem>>) target_semaphore(%arg21 : memref<!tpu.dma_semaphore, #tpu.memory_space<semaphore_mem>>)
          %dma_start3A_352 = arith.constant 1 : i32
          %dma_start3A_353 = arith.constant 0 : i32
          %dma_start3A_354 = tpu.memref_slice %arg3[%add3A_325, %dma_start3A_352, %dma_start3A_353] : memref<25000x2x128xi32, #tpu.memory_space<hbm>> -> memref<4x1x128xi32, #tpu.memory_space<hbm>>
          %dma_start3A_355 = tpu.memref_squeeze %dma_start3A_354 : memref<4x1x128xi32, #tpu.memory_space<hbm>> -> memref<4x128xi32, #tpu.memory_space<hbm>>
          %dma_start3A_356 = arith.constant 0 : i32
          %dma_start3A_357 = tpu.memref_slice %arg3[%add3A_325, %dma_start3A_352, %dma_start3A_356] : memref<25000x2x128xi32, #tpu.memory_space<hbm>> -> memref<4x1x128xi32, #tpu.memory_space<hbm>>
          %dma_start3A_358 = tpu.memref_squeeze %dma_start3A_357 : memref<4x1x128xi32, #tpu.memory_space<hbm>> -> memref<4x128xi32, #tpu.memory_space<hbm>>
          tpu.enqueue_dma source(%dma_start3A_358 : memref<4x128xi32, #tpu.memory_space<hbm>>) target(%arg15 : memref<4x128xi32, #tpu.memory_space<vmem>>) target_semaphore(%arg21 : memref<!tpu.dma_semaphore, #tpu.memory_space<semaphore_mem>>)
        } else {
        }
        %parallel_loop3A_278 = arith.constant 0 : i32
        %parallel_loop3A_279 = arith.constant 512 : i32
        %parallel_loop3A_280 = arith.constant 1 : i32
        scf.for %parallel_loop3A_321 = %parallel_loop3A_278 to %parallel_loop3A_279 step %parallel_loop3A_280  : i32 {
          %parallel_loop3A_322 = arith.constant 7 : i32
          %parallel_loop3A_323 = arith.shrui %parallel_loop3A_321, %parallel_loop3A_322 : i32
          %parallel_loop3A_324 = arith.constant 3 : i32
          %parallel_loop3A_325 = arith.shli %parallel_loop3A_323, %parallel_loop3A_324 : i32
          %parallel_loop3A_326 = arith.constant 127 : i32
          %parallel_loop3A_327 = arith.andi %parallel_loop3A_321, %parallel_loop3A_326 : i32
          %parallel_loop3A_328 = vector.broadcast %parallel_loop3A_325 : i32 to vector<16xi32>
          %parallel_loop3A_329 = arith.addi %add3A_186, %parallel_loop3A_328 : vector<16xi32>
          %parallel_loop3A_330 = vector.broadcast %parallel_loop3A_327 : i32 to vector<16xi32>
          %parallel_loop3A_331 = arith.addi %mul3A_189, %parallel_loop3A_330 : vector<16xi32>
          %parallel_loop3A_332 = tpu.vector_load_idx %arg9[%parallel_loop3A_329, %parallel_loop3A_331] : memref<64x137xf32, #tpu.memory_space<vmem>>[vector<16xi32>, vector<16xi32>], vector<16xf32>,
          %parallel_loop3A_333 = arith.index_cast %parallel_loop3A_321 : i32 to index
          %parallel_loop3A_334 = arith.constant 0 : index
          %parallel_loop3A_335 = tpu.vector_load %arg13[%parallel_loop3A_333, %parallel_loop3A_334] {strides = array<i32>} : memref<512x16xf32, #tpu.memory_space<vmem>>, vector<16xf32>,
          tpu.vector_store %arg13[%parallel_loop3A_333, %parallel_loop3A_334], %parallel_loop3A_332 {strides = array<i32>} : memref<512x16xf32, #tpu.memory_space<vmem>>, vector<16xf32>,
        } {sc.loop_unroll_factor = 8 : i64, sc.parallel_access}
        %dma_start3A_281 = arith.constant 0 : i32
        %dma_start3A_282 = arith.constant 0 : i32
        %dma_start3A_283 = arith.constant 0 : i32
        %dma_start3A_284 = tpu.memref_slice %arg13[%dma_start3A_282, %dma_start3A_283] : memref<512x16xf32, #tpu.memory_space<vmem>> -> memref<128x16xf32, #tpu.memory_space<vmem>>
        %dma_start3A_285 = arith.constant 0 : i32
        %dma_start3A_286 = tpu.memref_slice %arg17[%dma_start3A_281, %dma_start3A_285] : memref<4x128xi32, #tpu.memory_space<vmem>> -> memref<1x128xi32, #tpu.memory_space<vmem>>
        %dma_start3A_287 = tpu.memref_squeeze %dma_start3A_286 : memref<1x128xi32, #tpu.memory_space<vmem>> -> memref<128xi32, #tpu.memory_space<vmem>>
        %dma_start3A_288 = arith.constant 0 : i32
        %dma_start3A_289 = arith.constant 0 : i32
        %dma_start3A_290 = tpu.memref_slice %arg19[%dma_start3A_288, %dma_start3A_289] : memref<50048x16xf32, #tpu.memory_space<vmem_shared>> -> memref<50048x16xf32, #tpu.memory_space<vmem_shared>>
        tpu.enqueue_indirect_dma source(%dma_start3A_284 : memref<128x16xf32, #tpu.memory_space<vmem>>) target(%dma_start3A_290 : memref<50048x16xf32, #tpu.memory_space<vmem_shared>>) offsets(%dma_start3A_287 : memref<128xi32, #tpu.memory_space<vmem>>) semaphore(%arg27 : memref<!tpu.dma_semaphore, #tpu.memory_space<semaphore_mem>>) {add = true}
        %dma_start3A_291 = arith.constant 1 : i32
        %dma_start3A_292 = arith.constant 128 : i32
        %dma_start3A_293 = arith.constant 0 : i32
        %dma_start3A_294 = tpu.memref_slice %arg13[%dma_start3A_292, %dma_start3A_293] : memref<512x16xf32, #tpu.memory_space<vmem>> -> memref<128x16xf32, #tpu.memory_space<vmem>>
        %dma_start3A_295 = arith.constant 0 : i32
        %dma_start3A_296 = tpu.memref_slice %arg17[%dma_start3A_291, %dma_start3A_295] : memref<4x128xi32, #tpu.memory_space<vmem>> -> memref<1x128xi32, #tpu.memory_space<vmem>>
        %dma_start3A_297 = tpu.memref_squeeze %dma_start3A_296 : memref<1x128xi32, #tpu.memory_space<vmem>> -> memref<128xi32, #tpu.memory_space<vmem>>
        %dma_start3A_298 = arith.constant 0 : i32
        %dma_start3A_299 = arith.constant 0 : i32
        %dma_start3A_300 = tpu.memref_slice %arg19[%dma_start3A_298, %dma_start3A_299] : memref<50048x16xf32, #tpu.memory_space<vmem_shared>> -> memref<50048x16xf32, #tpu.memory_space<vmem_shared>>
        tpu.enqueue_indirect_dma source(%dma_start3A_294 : memref<128x16xf32, #tpu.memory_space<vmem>>) target(%dma_start3A_300 : memref<50048x16xf32, #tpu.memory_space<vmem_shared>>) offsets(%dma_start3A_297 : memref<128xi32, #tpu.memory_space<vmem>>) semaphore(%arg27 : memref<!tpu.dma_semaphore, #tpu.memory_space<semaphore_mem>>) {add = true}
        %dma_start3A_301 = arith.constant 2 : i32
        %dma_start3A_302 = arith.constant 256 : i32
        %dma_start3A_303 = arith.constant 0 : i32
        %dma_start3A_304 = tpu.memref_slice %arg13[%dma_start3A_302, %dma_start3A_303] : memref<512x16xf32, #tpu.memory_space<vmem>> -> memref<128x16xf32, #tpu.memory_space<vmem>>
        %dma_start3A_305 = arith.constant 0 : i32
        %dma_start3A_306 = tpu.memref_slice %arg17[%dma_start3A_301, %dma_start3A_305] : memref<4x128xi32, #tpu.memory_space<vmem>> -> memref<1x128xi32, #tpu.memory_space<vmem>>
        %dma_start3A_307 = tpu.memref_squeeze %dma_start3A_306 : memref<1x128xi32, #tpu.memory_space<vmem>> -> memref<128xi32, #tpu.memory_space<vmem>>
        %dma_start3A_308 = arith.constant 0 : i32
        %dma_start3A_309 = arith.constant 0 : i32
        %dma_start3A_310 = tpu.memref_slice %arg19[%dma_start3A_308, %dma_start3A_309] : memref<50048x16xf32, #tpu.memory_space<vmem_shared>> -> memref<50048x16xf32, #tpu.memory_space<vmem_shared>>
        tpu.enqueue_indirect_dma source(%dma_start3A_304 : memref<128x16xf32, #tpu.memory_space<vmem>>) target(%dma_start3A_310 : memref<50048x16xf32, #tpu.memory_space<vmem_shared>>) offsets(%dma_start3A_307 : memref<128xi32, #tpu.memory_space<vmem>>) semaphore(%arg27 : memref<!tpu.dma_semaphore, #tpu.memory_space<semaphore_mem>>) {add = true}
        %dma_start3A_311 = arith.constant 3 : i32
        %dma_start3A_312 = arith.constant 384 : i32
        %dma_start3A_313 = arith.constant 0 : i32
        %dma_start3A_314 = tpu.memref_slice %arg13[%dma_start3A_312, %dma_start3A_313] : memref<512x16xf32, #tpu.memory_space<vmem>> -> memref<128x16xf32, #tpu.memory_space<vmem>>
        %dma_start3A_315 = arith.constant 0 : i32
        %dma_start3A_316 = tpu.memref_slice %arg17[%dma_start3A_311, %dma_start3A_315] : memref<4x128xi32, #tpu.memory_space<vmem>> -> memref<1x128xi32, #tpu.memory_space<vmem>>
        %dma_start3A_317 = tpu.memref_squeeze %dma_start3A_316 : memref<1x128xi32, #tpu.memory_space<vmem>> -> memref<128xi32, #tpu.memory_space<vmem>>
        %dma_start3A_318 = arith.constant 0 : i32
        %dma_start3A_319 = arith.constant 0 : i32
        %dma_start3A_320 = tpu.memref_slice %arg19[%dma_start3A_318, %dma_start3A_319] : memref<50048x16xf32, #tpu.memory_space<vmem_shared>> -> memref<50048x16xf32, #tpu.memory_space<vmem_shared>>
        tpu.enqueue_indirect_dma source(%dma_start3A_314 : memref<128x16xf32, #tpu.memory_space<vmem>>) target(%dma_start3A_320 : memref<50048x16xf32, #tpu.memory_space<vmem_shared>>) offsets(%dma_start3A_317 : memref<128xi32, #tpu.memory_space<vmem>>) semaphore(%arg27 : memref<!tpu.dma_semaphore, #tpu.memory_space<semaphore_mem>>) {add = true}
      } else {
      }
    }
    %scan3A_194 = arith.constant 49 : i32
    %lt3A_195 = arith.constant 21 : i32
    %lt3A_196 = arith.cmpi slt, %add3A, %lt3A_195 : i32
    %convert_element_type3A = arith.extui %lt3A_196 : i1 to i32
    %cond3A = arith.constant 0 : i32
    %cond3A_197 = arith.cmpi ne, %convert_element_type3A, %cond3A : i32
    scf.if %cond3A_197 {
      %dma_wait3A = arith.constant 0 : i32
      %dma_wait3A_214 = arith.constant 0 : i32
      %dma_wait3A_215 = tpu.memref_slice %arg19[%dma_wait3A, %dma_wait3A_214] : memref<50048x16xf32, #tpu.memory_space<vmem_shared>> -> memref<512x16xf32, #tpu.memory_space<vmem_shared>>
      %dma_wait3A_216 = arith.constant 0 : i32
      %dma_wait3A_217 = arith.constant 0 : i32
      %dma_wait3A_218 = tpu.memref_slice %arg19[%dma_wait3A_216, %dma_wait3A_217] : memref<50048x16xf32, #tpu.memory_space<vmem_shared>> -> memref<512x16xf32, #tpu.memory_space<vmem_shared>>
      tpu.wait_dma2 semaphore(%arg26 : memref<!tpu.dma_semaphore, #tpu.memory_space<semaphore_mem>>) src(%arg12 : memref<512x16xf32, #tpu.memory_space<vmem>>) dst(%dma_wait3A_218 : memref<512x16xf32, #tpu.memory_space<vmem_shared>>)
      %dma_wait3A_219 = arith.constant 0 : i32
      %dma_wait3A_220 = arith.constant 0 : i32
      %dma_wait3A_221 = tpu.memref_slice %arg19[%dma_wait3A_219, %dma_wait3A_220] : memref<50048x16xf32, #tpu.memory_space<vmem_shared>> -> memref<512x16xf32, #tpu.memory_space<vmem_shared>>
      %dma_wait3A_222 = arith.constant 0 : i32
      %dma_wait3A_223 = arith.constant 0 : i32
      %dma_wait3A_224 = tpu.memref_slice %arg19[%dma_wait3A_222, %dma_wait3A_223] : memref<50048x16xf32, #tpu.memory_space<vmem_shared>> -> memref<512x16xf32, #tpu.memory_space<vmem_shared>>
      tpu.wait_dma2 semaphore(%arg27 : memref<!tpu.dma_semaphore, #tpu.memory_space<semaphore_mem>>) src(%arg13 : memref<512x16xf32, #tpu.memory_space<vmem>>) dst(%dma_wait3A_224 : memref<512x16xf32, #tpu.memory_space<vmem_shared>>)
    } else {
    }
    %ge3A = arith.constant 21 : i32
    %ge3A_198 = arith.cmpi sge, %add3A, %ge3A : i32
    %convert_element_type3A_199 = arith.extui %ge3A_198 : i1 to i32
    %cond3A_200 = arith.constant 0 : i32
    %cond3A_201 = arith.cmpi ne, %convert_element_type3A_199, %cond3A_200 : i32
    scf.if %cond3A_201 {
      %dma_wait3A = arith.constant 0 : i32
      %dma_wait3A_214 = arith.constant 0 : i32
      %dma_wait3A_215 = tpu.memref_slice %arg19[%dma_wait3A, %dma_wait3A_214] : memref<50048x16xf32, #tpu.memory_space<vmem_shared>> -> memref<512x16xf32, #tpu.memory_space<vmem_shared>>
      %dma_wait3A_216 = arith.constant 0 : i32
      %dma_wait3A_217 = arith.constant 0 : i32
      %dma_wait3A_218 = tpu.memref_slice %arg19[%dma_wait3A_216, %dma_wait3A_217] : memref<50048x16xf32, #tpu.memory_space<vmem_shared>> -> memref<512x16xf32, #tpu.memory_space<vmem_shared>>
      tpu.wait_dma2 semaphore(%arg24 : memref<!tpu.dma_semaphore, #tpu.memory_space<semaphore_mem>>) src(%arg10 : memref<512x16xf32, #tpu.memory_space<vmem>>) dst(%dma_wait3A_218 : memref<512x16xf32, #tpu.memory_space<vmem_shared>>)
      %dma_wait3A_219 = arith.constant 0 : i32
      %dma_wait3A_220 = arith.constant 0 : i32
      %dma_wait3A_221 = tpu.memref_slice %arg19[%dma_wait3A_219, %dma_wait3A_220] : memref<50048x16xf32, #tpu.memory_space<vmem_shared>> -> memref<512x16xf32, #tpu.memory_space<vmem_shared>>
      %dma_wait3A_222 = arith.constant 0 : i32
      %dma_wait3A_223 = arith.constant 0 : i32
      %dma_wait3A_224 = tpu.memref_slice %arg19[%dma_wait3A_222, %dma_wait3A_223] : memref<50048x16xf32, #tpu.memory_space<vmem_shared>> -> memref<512x16xf32, #tpu.memory_space<vmem_shared>>
      tpu.wait_dma2 semaphore(%arg25 : memref<!tpu.dma_semaphore, #tpu.memory_space<semaphore_mem>>) src(%arg11 : memref<512x16xf32, #tpu.memory_space<vmem>>) dst(%dma_wait3A_224 : memref<512x16xf32, #tpu.memory_space<vmem_shared>>)
    } else {
    }
    %barrier3A_202 = arith.constant 0 : index
    tpu.barrier barrier_id(%barrier3A_202)
    %mul3A_203 = arith.constant 3128 : i32
    %mul3A_204 = arith.muli %arg1, %mul3A_203 : i32
    %eq3A = arith.constant 0 : i32
    %eq3A_205 = arith.cmpi eq, %arg0, %eq3A : i32
    %convert_element_type3A_206 = arith.extui %eq3A_205 : i1 to i32
    %cond3A_207 = arith.constant 0 : i32
    %cond3A_208 = arith.cmpi ne, %convert_element_type3A_206, %cond3A_207 : i32
    scf.if %cond3A_208 {
      %mul3A_214 = arith.constant 3128 : i32
      %mul3A_215 = arith.muli %arg1, %mul3A_214 : i32
      "tpu.region"() ({
        %run_scoped3A = tpu.sem_alloc : memref<!tpu.dma_semaphore, #tpu.memory_space<semaphore_mem>>
        %dma_start3A_216 = arith.constant 0 : i32
        %dma_start3A_217 = tpu.memref_slice %arg4[%mul3A_215, %dma_start3A_216] : memref<50048x16xf32, #tpu.memory_space<hbm>> -> memref<3128x16xf32, #tpu.memory_space<hbm>>
        %dma_start3A_218 = arith.constant 0 : i32
        %dma_start3A_219 = tpu.memref_slice %arg19[%mul3A_204, %dma_start3A_218] : memref<50048x16xf32, #tpu.memory_space<vmem_shared>> -> memref<3128x16xf32, #tpu.memory_space<vmem_shared>>
        tpu.enqueue_dma source(%dma_start3A_219 : memref<3128x16xf32, #tpu.memory_space<vmem_shared>>) target(%dma_start3A_217 : memref<3128x16xf32, #tpu.memory_space<hbm>>) target_semaphore(%run_scoped3A : memref<!tpu.dma_semaphore, #tpu.memory_space<semaphore_mem>>)
        %dma_wait3A = arith.constant 0 : i32
        %dma_wait3A_220 = tpu.memref_slice %arg4[%mul3A_215, %dma_wait3A] : memref<50048x16xf32, #tpu.memory_space<hbm>> -> memref<3128x16xf32, #tpu.memory_space<hbm>>
        %dma_wait3A_221 = arith.constant 0 : i32
        %dma_wait3A_222 = tpu.memref_slice %arg19[%mul3A_204, %dma_wait3A_221] : memref<50048x16xf32, #tpu.memory_space<vmem_shared>> -> memref<3128x16xf32, #tpu.memory_space<vmem_shared>>
        tpu.wait_dma2 semaphore(%run_scoped3A : memref<!tpu.dma_semaphore, #tpu.memory_space<semaphore_mem>>) src(%dma_wait3A_222 : memref<3128x16xf32, #tpu.memory_space<vmem_shared>>) dst(%dma_wait3A_220 : memref<3128x16xf32, #tpu.memory_space<hbm>>)
        tpu.yield
      }) : () -> ()
    } else {
    }
    %eq3A_209 = arith.constant 1 : i32
    %eq3A_210 = arith.cmpi eq, %arg0, %eq3A_209 : i32
    %convert_element_type3A_211 = arith.extui %eq3A_210 : i1 to i32
    %cond3A_212 = arith.constant 0 : i32
    %cond3A_213 = arith.cmpi ne, %convert_element_type3A_211, %cond3A_212 : i32
    scf.if %cond3A_213 {
      %mul3A_214 = arith.constant 3128 : i32
      %mul3A_215 = arith.muli %arg1, %mul3A_214 : i32
      "tpu.region"() ({
        %run_scoped3A = tpu.sem_alloc : memref<!tpu.dma_semaphore, #tpu.memory_space<semaphore_mem>>
        %dma_start3A_216 = arith.constant 0 : i32
        %dma_start3A_217 = tpu.memref_slice %arg5[%mul3A_215, %dma_start3A_216] : memref<50048x16xf32, #tpu.memory_space<hbm>> -> memref<3128x16xf32, #tpu.memory_space<hbm>>
        %dma_start3A_218 = arith.constant 0 : i32
        %dma_start3A_219 = tpu.memref_slice %arg19[%mul3A_204, %dma_start3A_218] : memref<50048x16xf32, #tpu.memory_space<vmem_shared>> -> memref<3128x16xf32, #tpu.memory_space<vmem_shared>>
        tpu.enqueue_dma source(%dma_start3A_219 : memref<3128x16xf32, #tpu.memory_space<vmem_shared>>) target(%dma_start3A_217 : memref<3128x16xf32, #tpu.memory_space<hbm>>) target_semaphore(%run_scoped3A : memref<!tpu.dma_semaphore, #tpu.memory_space<semaphore_mem>>)
        %dma_wait3A = arith.constant 0 : i32
        %dma_wait3A_220 = tpu.memref_slice %arg5[%mul3A_215, %dma_wait3A] : memref<50048x16xf32, #tpu.memory_space<hbm>> -> memref<3128x16xf32, #tpu.memory_space<hbm>>
        %dma_wait3A_221 = arith.constant 0 : i32
        %dma_wait3A_222 = tpu.memref_slice %arg19[%mul3A_204, %dma_wait3A_221] : memref<50048x16xf32, #tpu.memory_space<vmem_shared>> -> memref<3128x16xf32, #tpu.memory_space<vmem_shared>>
        tpu.wait_dma2 semaphore(%run_scoped3A : memref<!tpu.dma_semaphore, #tpu.memory_space<semaphore_mem>>) src(%dma_wait3A_222 : memref<3128x16xf32, #tpu.memory_space<vmem_shared>>) dst(%dma_wait3A_220 : memref<3128x16xf32, #tpu.memory_space<hbm>>)
        tpu.yield
      }) : () -> ()
    } else {
    }
    return
  }
}

module attributes {stable_mosaic.version = 14 : i64} {
  func.func @_tc_add_body(%arg0: i32, %arg1: memref<2048x128xf32, #tpu.memory_space<vmem>>, %arg2: memref<256x128xf32, #tpu.memory_space<vmem>>, %arg3: memref<256x128xf32, #tpu.memory_space<vmem>>, %arg4: memref<144x128xf32, #tpu.memory_space<vmem>>, %arg5: memref<2048x128xf32, #tpu.memory_space<vmem>>) attributes {dimension_semantics = [#tpu.dimension_semantics<arbitrary>], iteration_bounds = array<i64: 25>, scalar_prefetch = 0 : i64, scratch_operands = 0 : i64, tpu.core_type = #tpu.core_type<tc>, window_params = [{transform_indices = @transform_0, window_bounds = array<i64: 2048, 128>}, {transform_indices = @transform_1, window_bounds = array<i64: 256, 128>}, {transform_indices = @transform_2, window_bounds = array<i64: 256, 128>}, {pipeline_mode = #tpu.pipeline_mode<synchronous>, transform_indices = @transform_3, window_bounds = array<i64: 144, 128>}, {transform_indices = @transform_4, window_bounds = array<i64: 2048, 128>}]} {
    %get3A = arith.constant 0 : index
    %get3A_0 = arith.constant 0 : index
    %get3A_1 = vector.load %arg2[%get3A, %get3A_0] : memref<256x128xf32, #tpu.memory_space<vmem>>, vector<256x128xf32>
    %get3A_2 = arith.constant 0 : index
    %get3A_3 = arith.constant 0 : index
    %get3A_4 = vector.load %arg3[%get3A_2, %get3A_3] : memref<256x128xf32, #tpu.memory_space<vmem>>, vector<256x128xf32>
    %add3A = arith.addf %get3A_1, %get3A_4 : vector<256x128xf32>
    %get3A_5 = arith.constant 128 : index
    %get3A_6 = arith.constant 0 : index
    %get3A_7 = vector.load %arg4[%get3A_5, %get3A_6] : memref<144x128xf32, #tpu.memory_space<vmem>>, vector<16x128xf32>
    %slice3A = vector.extract_strided_slice %add3A {offsets = [0, 0], sizes = [256, 16], strides = [1, 1]} : vector<256x128xf32> to vector<256x16xf32>
    %dot_general3A = arith.constant dense<0.000000e+00> : vector<256x128xf32>
    %dot_general3A_8 = tpu.matmul %slice3A, %get3A_7, %dot_general3A {dimension_numbers = #tpu.dot_dimension_numbers<[1], [0], [0], [1], [0, 0, 1, 1], [], []>, transpose_lhs_hint = false} : vector<256x16xf32>, vector<16x128xf32>, vector<256x128xf32> -> vector<256x128xf32>
    %slice3A_9 = vector.extract_strided_slice %add3A {offsets = [0, 16], sizes = [256, 16], strides = [1, 1]} : vector<256x128xf32> to vector<256x16xf32>
    %dot_general3A_10 = arith.constant dense<0.000000e+00> : vector<256x128xf32>
    %dot_general3A_11 = tpu.matmul %slice3A_9, %get3A_7, %dot_general3A_10 {dimension_numbers = #tpu.dot_dimension_numbers<[1], [0], [0], [1], [0, 0, 1, 1], [], []>, transpose_lhs_hint = false} : vector<256x16xf32>, vector<16x128xf32>, vector<256x128xf32> -> vector<256x128xf32>
    %slice3A_12 = vector.extract_strided_slice %add3A {offsets = [0, 32], sizes = [256, 16], strides = [1, 1]} : vector<256x128xf32> to vector<256x16xf32>
    %dot_general3A_13 = arith.constant dense<0.000000e+00> : vector<256x128xf32>
    %dot_general3A_14 = tpu.matmul %slice3A_12, %get3A_7, %dot_general3A_13 {dimension_numbers = #tpu.dot_dimension_numbers<[1], [0], [0], [1], [0, 0, 1, 1], [], []>, transpose_lhs_hint = false} : vector<256x16xf32>, vector<16x128xf32>, vector<256x128xf32> -> vector<256x128xf32>
    %slice3A_15 = vector.extract_strided_slice %add3A {offsets = [0, 48], sizes = [256, 16], strides = [1, 1]} : vector<256x128xf32> to vector<256x16xf32>
    %dot_general3A_16 = arith.constant dense<0.000000e+00> : vector<256x128xf32>
    %dot_general3A_17 = tpu.matmul %slice3A_15, %get3A_7, %dot_general3A_16 {dimension_numbers = #tpu.dot_dimension_numbers<[1], [0], [0], [1], [0, 0, 1, 1], [], []>, transpose_lhs_hint = false} : vector<256x16xf32>, vector<16x128xf32>, vector<256x128xf32> -> vector<256x128xf32>
    %slice3A_18 = vector.extract_strided_slice %add3A {offsets = [0, 64], sizes = [256, 16], strides = [1, 1]} : vector<256x128xf32> to vector<256x16xf32>
    %dot_general3A_19 = arith.constant dense<0.000000e+00> : vector<256x128xf32>
    %dot_general3A_20 = tpu.matmul %slice3A_18, %get3A_7, %dot_general3A_19 {dimension_numbers = #tpu.dot_dimension_numbers<[1], [0], [0], [1], [0, 0, 1, 1], [], []>, transpose_lhs_hint = false} : vector<256x16xf32>, vector<16x128xf32>, vector<256x128xf32> -> vector<256x128xf32>
    %slice3A_21 = vector.extract_strided_slice %add3A {offsets = [0, 80], sizes = [256, 16], strides = [1, 1]} : vector<256x128xf32> to vector<256x16xf32>
    %dot_general3A_22 = arith.constant dense<0.000000e+00> : vector<256x128xf32>
    %dot_general3A_23 = tpu.matmul %slice3A_21, %get3A_7, %dot_general3A_22 {dimension_numbers = #tpu.dot_dimension_numbers<[1], [0], [0], [1], [0, 0, 1, 1], [], []>, transpose_lhs_hint = false} : vector<256x16xf32>, vector<16x128xf32>, vector<256x128xf32> -> vector<256x128xf32>
    %slice3A_24 = vector.extract_strided_slice %add3A {offsets = [0, 96], sizes = [256, 16], strides = [1, 1]} : vector<256x128xf32> to vector<256x16xf32>
    %dot_general3A_25 = arith.constant dense<0.000000e+00> : vector<256x128xf32>
    %dot_general3A_26 = tpu.matmul %slice3A_24, %get3A_7, %dot_general3A_25 {dimension_numbers = #tpu.dot_dimension_numbers<[1], [0], [0], [1], [0, 0, 1, 1], [], []>, transpose_lhs_hint = false} : vector<256x16xf32>, vector<16x128xf32>, vector<256x128xf32> -> vector<256x128xf32>
    %slice3A_27 = vector.extract_strided_slice %add3A {offsets = [0, 112], sizes = [256, 16], strides = [1, 1]} : vector<256x128xf32> to vector<256x16xf32>
    %dot_general3A_28 = arith.constant dense<0.000000e+00> : vector<256x128xf32>
    %dot_general3A_29 = tpu.matmul %slice3A_27, %get3A_7, %dot_general3A_28 {dimension_numbers = #tpu.dot_dimension_numbers<[1], [0], [0], [1], [0, 0, 1, 1], [], []>, transpose_lhs_hint = false} : vector<256x16xf32>, vector<16x128xf32>, vector<256x128xf32> -> vector<256x128xf32>
    %stack3A = vector.shape_cast %dot_general3A_8 : vector<256x128xf32> to vector<256x1x128xf32>
    %stack3A_30 = vector.shape_cast %dot_general3A_11 : vector<256x128xf32> to vector<256x1x128xf32>
    %stack3A_31 = vector.shape_cast %dot_general3A_14 : vector<256x128xf32> to vector<256x1x128xf32>
    %stack3A_32 = vector.shape_cast %dot_general3A_17 : vector<256x128xf32> to vector<256x1x128xf32>
    %stack3A_33 = vector.shape_cast %dot_general3A_20 : vector<256x128xf32> to vector<256x1x128xf32>
    %stack3A_34 = vector.shape_cast %dot_general3A_23 : vector<256x128xf32> to vector<256x1x128xf32>
    %stack3A_35 = vector.shape_cast %dot_general3A_26 : vector<256x128xf32> to vector<256x1x128xf32>
    %stack3A_36 = vector.shape_cast %dot_general3A_29 : vector<256x128xf32> to vector<256x1x128xf32>
    %stack3A_37 = tpu.concatenate %stack3A, %stack3A_30, %stack3A_31, %stack3A_32, %stack3A_33, %stack3A_34, %stack3A_35, %stack3A_36 in 1 : vector<256x1x128xf32>, vector<256x1x128xf32>, vector<256x1x128xf32>, vector<256x1x128xf32>, vector<256x1x128xf32>, vector<256x1x128xf32>, vector<256x1x128xf32>, vector<256x1x128xf32> -> vector<256x8x128xf32>
    %reshape3A = vector.shape_cast %stack3A_37 : vector<256x8x128xf32> to vector<2048x128xf32>
    %get3A_38 = arith.constant 0 : index
    %get3A_39 = arith.constant 0 : index
    %get3A_40 = vector.load %arg1[%get3A_38, %get3A_39] : memref<2048x128xf32, #tpu.memory_space<vmem>>, vector<2048x128xf32>
    %add3A_41 = arith.addf %get3A_40, %reshape3A : vector<2048x128xf32>
    %swap3A = arith.constant 0 : index
    %swap3A_42 = arith.constant 0 : index
    %swap3A_43 = vector.load %arg5[%swap3A, %swap3A_42] : memref<2048x128xf32, #tpu.memory_space<vmem>>, vector<2048x128xf32>
    tpu.vector_store %arg5[%swap3A, %swap3A_42], %add3A_41 {strides = array<i32>} : memref<2048x128xf32, #tpu.memory_space<vmem>>, vector<2048x128xf32>,
    return
  }
  func.func @transform_0(%arg0: i32) -> (i32, i32) {
    %c0_i32 = arith.constant 0 : i32
    %c0_i32_0 = arith.constant 0 : i32
    return %arg0, %c0_i32 : i32, i32
  }
  func.func @transform_1(%arg0: i32) -> (i32, i32) {
    %c0_i32 = arith.constant 0 : i32
    %c0_i32_0 = arith.constant 0 : i32
    return %arg0, %c0_i32 : i32, i32
  }
  func.func @transform_2(%arg0: i32) -> (i32, i32) {
    %c0_i32 = arith.constant 0 : i32
    %c0_i32_0 = arith.constant 0 : i32
    return %arg0, %c0_i32 : i32, i32
  }
  func.func @transform_3(%arg0: i32) -> (i32, i32) {
    %c0_i32 = arith.constant 0 : i32
    %c0_i32_0 = arith.constant 0 : i32
    %c0_i32_1 = arith.constant 0 : i32
    return %c0_i32, %c0_i32_0 : i32, i32
  }
  func.func @transform_4(%arg0: i32) -> (i32, i32) {
    %c0_i32 = arith.constant 0 : i32
    %c0_i32_0 = arith.constant 0 : i32
    return %arg0, %c0_i32 : i32, i32
  }
}

module attributes {stable_mosaic.version = 14 : i64} {
  func.func @_tc_base_body(%arg0: i32, %arg1: memref<2048x128xf32, #tpu.memory_space<vmem>>, %arg2: memref<144x128xf32, #tpu.memory_space<vmem>>, %arg3: memref<1x128xf32, #tpu.memory_space<vmem>>, %arg4: memref<2048x128xf32, #tpu.memory_space<vmem>>) attributes {dimension_semantics = [#tpu.dimension_semantics<arbitrary>], iteration_bounds = array<i64: 25>, scalar_prefetch = 0 : i64, scratch_operands = 0 : i64, tpu.core_type = #tpu.core_type<tc>, window_params = [{transform_indices = @transform_0, window_bounds = array<i64: 2048, 128>}, {pipeline_mode = #tpu.pipeline_mode<synchronous>, transform_indices = @transform_1, window_bounds = array<i64: 144, 128>}, {pipeline_mode = #tpu.pipeline_mode<synchronous>, transform_indices = @transform_2, window_bounds = array<i64: 1, 128>}, {transform_indices = @transform_3, window_bounds = array<i64: 2048, 128>}]} {
    %get3A = arith.constant 0 : index
    %get3A_0 = arith.constant 0 : index
    %get3A_1 = vector.load %arg1[%get3A, %get3A_0] : memref<2048x128xf32, #tpu.memory_space<vmem>>, vector<2048x128xf32>
    %get3A_2 = arith.constant 0 : index
    %get3A_3 = arith.constant 0 : index
    %get3A_4 = vector.load %arg2[%get3A_2, %get3A_3] : memref<144x128xf32, #tpu.memory_space<vmem>>, vector<128x128xf32>
    %dot_general3A = arith.constant dense<0.000000e+00> : vector<2048x128xf32>
    %dot_general3A_5 = tpu.matmul %get3A_1, %get3A_4, %dot_general3A {dimension_numbers = #tpu.dot_dimension_numbers<[1], [0], [0], [1], [0, 0, 1, 1], [], []>, transpose_lhs_hint = false} : vector<2048x128xf32>, vector<128x128xf32>, vector<2048x128xf32> -> vector<2048x128xf32>
    %get3A_6 = arith.constant 0 : index
    %get3A_7 = arith.constant 0 : index
    %get3A_8 = vector.load %arg3[%get3A_6, %get3A_7] : memref<1x128xf32, #tpu.memory_space<vmem>>, vector<1x128xf32>
    %add3A = vector.broadcast %get3A_8 : vector<1x128xf32> to vector<2048x128xf32>
    %add3A_9 = arith.addf %dot_general3A_5, %add3A : vector<2048x128xf32>
    %swap3A = arith.constant 0 : index
    %swap3A_10 = arith.constant 0 : index
    %swap3A_11 = vector.load %arg4[%swap3A, %swap3A_10] : memref<2048x128xf32, #tpu.memory_space<vmem>>, vector<2048x128xf32>
    tpu.vector_store %arg4[%swap3A, %swap3A_10], %add3A_9 {strides = array<i32>} : memref<2048x128xf32, #tpu.memory_space<vmem>>, vector<2048x128xf32>,
    return
  }
  func.func @transform_0(%arg0: i32) -> (i32, i32) {
    %c0_i32 = arith.constant 0 : i32
    %c0_i32_0 = arith.constant 0 : i32
    return %arg0, %c0_i32 : i32, i32
  }
  func.func @transform_1(%arg0: i32) -> (i32, i32) {
    %c0_i32 = arith.constant 0 : i32
    %c0_i32_0 = arith.constant 0 : i32
    %c0_i32_1 = arith.constant 0 : i32
    return %c0_i32, %c0_i32_0 : i32, i32
  }
  func.func @transform_2(%arg0: i32) -> (i32, i32) {
    %c0_i32 = arith.constant 0 : i32
    %c0_i32_0 = arith.constant 0 : i32
    %c0_i32_1 = arith.constant 0 : i32
    return %c0_i32, %c0_i32_0 : i32, i32
  }
  func.func @transform_3(%arg0: i32) -> (i32, i32) {
    %c0_i32 = arith.constant 0 : i32
    %c0_i32_0 = arith.constant 0 : i32
    return %arg0, %c0_i32 : i32, i32
  }
}

</mosaic_0001>

<sc_bundles>
// kernel: kernel.5.cloned.1.call-start
scs
__scs_entry_jumppad:
0x0: {  	(pc) =	sbr.rel $0x88, $3  }
0x1: {  	(tag) =	ssettag $0x0;
	lr =	simm.s32 $0x1  }
0x2: {  	[smem:$0x3F9C] =	sst lr;
	_ =	strace $0xD0000000  }
0x3: {  	_ = 	snop  }
0x4: {  	_ = 	snop  }
0x5: {  	_ = 	snop  }
0x6: {  	_ = 	snop  }
0x7: {  	_ = 	snop  }
__scs_overlays_trampoline_lowered:
0x8: {  	[smem:$0x3FAB] =	sst s0  }
0x9: {  	[smem:$0x3FAC] =	sst s1  }
0xa: {  	[smem:$0x3FAD] =	sst s2  }
0xb: {  	[smem:$0x3FAE] =	sst s3  }
0xc: {  	[smem:$0x3FAF] =	sst s4  }
0xd: {  	[smem:$0x3FB0] =	sst s5  }
0xe: {  	[smem:$0x3FB1] =	sst s6  }
0xf: {  	[smem:$0x3FB2] =	sst s7  }
0x10: {  	[smem:$0x3FB3] =	sst s8  }
0x11: {  	[smem:$0x3FB4] =	sst s9;
	s0 =	simm.s32 @!p0 $0x0  }
0x12: {  	s1 =	sld [smem:$0x3F9A];
	s0 =	simm.s32 @p0 $0x1  }
0x13: {  	[smem:$0x3FB5] =	sst s0;
	s0 =	simm.s32 @!p1 $0x0  }
0x14: {  	s2 =	sld [smem:$0x3F99];
	s0 =	simm.s32 @p1 $0x1  }
0x15: {  	[smem:$0x3FB6] =	sst s0;
	s0 =	simm.s32 @!p2 $0x0  }
0x16: {  	s3 =	sld [smem:$0x3FDB];
	s0 =	simm.s32 @p2 $0x1  }
0x17: {  	s4 =	simm.s32 $0x1BF5;
	[smem:$0x3FB8] =	sst s0  }
0x18: {  	s0 =	sld [smem:$0x3F9B];
	_ =	swait.ge [sflag:s4], $0x0  }
0x19: {  	s7 =	sld [smem:$0x3F9C]  }
0x1a: {  	s8 =	sadd.s32 $0xFFFFE003, lr  }
0x1b: {  	s9 =	sadd.s32 $0xFFFFFEF7, lr;
	s5 =	simm.s32 $0xFFFFFFFF;
	p2 =	slt.u32 s8, $0xFFFFF086  }
0x1c: {  	p1 =	slt.u32 s9, $0xF7A;
	s5 =	simm.s32 @!p2 $0x0  }
0x1d: {  	s5 =	simm.s32 @p1 $0x1;
	p0 =	seq.s32 s7, s2  }
0x1e: {  	s7 =	smul.u32 @!p0 $0xF7A, s2;
	p2 =	seq.s32 @!p0 s5, $0x0  }
0x1f: {  	s9 =	smul.u32 $0xF7A, s1;
	s8 =	simm.s32 @!p0 $0x1BF5;
	p2 =	por !p2, p0  }
0x20: {  	[sflag:s8] =	ssyncset.s32 @!p0 $0xFFFFF086;
	s6 =	sadd.s32 @!p0 s3, s7;
	s7 =	simm.s32 @!p0 $0x108  }
0x21: {  	s3 =	sadd.s32 s3, s9;
	s6 =	sadd.s32 @!p0 $0x88, s6;
	s7 =	simm.s32 @p2 $0x1082  }
0x22: {  	[simem:s7], [sflag:s8] =	dma.local @!p0 [hbm:s6], $0xF7A  }
0x23: {  	s9 =	sor.u32 $0xD0000000, s2;
	s6 =	simm.s32 $0x108;
	_ =	swait.ge @!p0 [sflag:s8], $0x0  }
0x24: {  	s3 =	sadd.s32 $0x88, s3;
	s6 =	simm.s32 @!p1 $0x1082;
	[sflag:s4] =	ssyncset.s32 $0xFFFFF086  }
0x25: {  	[simem:s6], [sflag:s4] =	dma.local [hbm:s3], $0xF7A  }
0x26: {  	[smem:$0x3F9C] =	sst s1;
	(tag) =	ssettag s2;
	_ =	strace s9  }
0x27: {  	s1 =	sld [smem:$0x3FAC]  }
0x28: {  	s2 =	sld [smem:$0x3FAD]  }
0x29: {  	s4 =	sld [smem:$0x3FAF]  }
0x2a: {  	p0 =	seq.s32 s5, $0x0;
	s5 =	sld [smem:$0x3FB0]  }
0x2b: {  	s6 =	sld [smem:$0x3FB1]  }
0x2c: {  	s7 =	sld [smem:$0x3FB2]  }
0x2d: {  	s3 =	simm.s32 $0x108;
	s8 =	sld [smem:$0x3FB3]  }
0x2e: {  	s3 =	simm.s32 @!p0 $0x1082;
	s9 =	sld [smem:$0x3FB4]  }
0x2f: {  	lr =	sadd.s32 s0, s3;
	s0 =	sld [smem:$0x3FAB]  }
0x30: {  	s3 =	sld [smem:$0x3FAE]  }
0x31: {  	[smem:$0x3FB7] =	sst s10  }
0x32: {  	s10 =	sld [smem:$0x3FB5];
	_ =	sdelay $0x3  }
0x33: {  	p0 =	seq.s32 s10, $0x1;
	s10 =	sld [smem:$0x3FB7];
	_ =	sdelay $0x3  }
0x34: {  	[smem:$0x3FB7] =	sst s10  }
0x35: {  	s10 =	sld [smem:$0x3FB6];
	_ =	sdelay $0x3  }
0x36: {  	p1 =	seq.s32 s10, $0x1;
	s10 =	sld [smem:$0x3FB7];
	_ =	sdelay $0x3  }
0x37: {  	[smem:$0x3FB7] =	sst s10  }
0x38: {  	s10 =	sld [smem:$0x3FB8]  }
0x39: {  	_ = 	snop;
	(pc) =	sbr.ind lr, $3  }
0x3a: {  	_ = 	snop  }
0x3b: {  	_ = 	snop  }
0x3c: {  	p2 =	seq.s32 s10, $0x1;
	s10 =	sld [smem:$0x3FB7]  }
0x3d: {  	_ =	shalt  }
0x3e: {  	_ =	shalt  }
0x3f: {  	_ =	shalt  }
0x40: {  	_ =	shalt  }
0x41: {  	_ =	shalt  }
0x42: {  	_ =	shalt  }
0x43: {  	_ =	shalt  }
0x44: {  	_ =	shalt  }
0x45: {  	_ =	shalt  }
0x46: {  	_ =	shalt  }
0x47: {  	_ =	shalt  }
0x48: {  	_ =	shalt  }
0x49: {  	_ =	shalt  }
0x4a: {  	_ =	shalt  }
0x4b: {  	_ =	shalt  }
0x4c: {  	_ =	shalt  }
0x4d: {  	_ =	shalt  }
0x4e: {  	_ =	shalt  }
0x4f: {  	_ =	shalt  }
0x50: {  	_ =	shalt  }
0x51: {  	_ =	shalt  }
0x52: {  	_ =	shalt  }
0x53: {  	_ =	shalt  }
0x54: {  	_ =	shalt  }
0x55: {  	_ =	shalt  }
0x56: {  	_ =	shalt  }
0x57: {  	_ =	shalt  }
0x58: {  	_ =	shalt  }
0x59: {  	_ =	shalt  }
0x5a: {  	_ =	shalt  }
0x5b: {  	_ =	shalt  }
0x5c: {  	_ =	shalt  }
0x5d: {  	_ =	shalt  }
0x5e: {  	_ =	shalt  }
0x5f: {  	_ =	shalt  }
0x60: {  	_ =	shalt  }
0x61: {  	_ =	shalt  }
0x62: {  	_ =	shalt  }
0x63: {  	_ =	shalt  }
0x64: {  	_ =	shalt  }
0x65: {  	_ =	shalt  }
0x66: {  	_ =	shalt  }
0x67: {  	_ =	shalt  }
0x68: {  	_ =	shalt  }
0x69: {  	_ =	shalt  }
0x6a: {  	_ =	shalt  }
0x6b: {  	_ =	shalt  }
0x6c: {  	_ =	shalt  }
0x6d: {  	_ =	shalt  }
0x6e: {  	_ =	shalt  }
0x6f: {  	_ =	shalt  }
0x70: {  	_ =	shalt  }
0x71: {  	_ =	shalt  }
0x72: {  	_ =	shalt  }
0x73: {  	_ =	shalt  }
0x74: {  	_ =	shalt  }
0x75: {  	_ =	shalt  }
0x76: {  	_ =	shalt  }
0x77: {  	_ =	shalt  }
0x78: {  	_ =	shalt  }
0x79: {  	_ =	shalt  }
0x7a: {  	_ =	shalt  }
0x7b: {  	_ =	shalt  }
0x7c: {  	_ =	shalt  }
0x7d: {  	_ =	shalt  }
0x7e: {  	_ =	shalt  }
0x7f: {  	_ =	shalt  }
0x80: {  	_ =	shalt  }
0x81: {  	_ =	shalt  }
0x82: {  	_ =	shalt  }
0x83: {  	_ =	shalt  }
0x84: {  	_ =	shalt  }
0x85: {  	_ =	shalt  }
0x86: {  	_ =	shalt  }
0x87: {  	_ =	shalt  }
.Lfunc_end0:
.L_simem_size_0:
called_computation_lowered:
.L_overlay_start_0:
0x88: {  	s2 =	sld [smem:$0x3FD9]  }
0x89: {  	s3 =	sld [smem:$0x3FFE];
	_ =	sdelay $0x1  }
0x8a: {  	s1 =	srdreg.scid  }
0x8b: {  	s0 =	sand.u32 $0x1, s1  }
0x8c: {  	s17 =	sshll.u32 s0, $0xA;
	s2 =	sadd.s32 s3, s2  }
0x8d: {  	s2 =	sadd.s32 s2, s17  }
0x8e: {  	[smem:$0x3FC3] =	sst s2  }
0x8f: {  	_ = 	snop  }
0x90: {  	s2 =	sld [smem:$0x3FC8]  }
0x91: {  	s18 =	sld [smem:$0x3FC7]  }
0x92: {  	s4 =	sld [smem:$0x3FD0];
	(tm) =	ssettm $0x1  }
0x93: {  	s5 =	sld [smem:$0x3FFB];
	_ =	sdelay $0x3  }
0x94: {  	_ =	strace s5  }
0x95: {  	s5 =	sld [smem:$0x3FFC];
	_ =	sdelay $0x3  }
0x96: {  	_ =	strace s5  }
0x97: {  	s5 =	sld [smem:$0x3FFD];
	_ =	sdelay $0x3  }
0x98: {  	_ =	strace s5  }
0x99: {  	_ =	strace $0x8FFFFFFF  }
0x9a: {  	s19 =	sld [smem:$0x3FDB];
	_ =	sdelay $0x1  }
0x9b: {  	s6 =	simm.s32 $_scs_section_size  }
0x9c: {  	s7 =	simm.s32 $_size__tile_overlayer_lowered;
	s8 =	simm.s32 $_tile_overlayer_lowered  }
0x9d: {  	s22 =	simm.s32 $0x1BFF;
	s21 =	sshll.u32 s8, $0x1;
	s5 =	sadd.s32 s6, s19  }
0x9e: {  	s9 =	simm.s32 $0x0;
	s20 =	sshll.u32 s7, $0x1;
	s7 =	sadd.s32 s21, s5  }
0x9f: {  	[timem:s9], [sflag:s22] =	dma.local [hbm:s7], s20  }
0xa0: {  	_ =	swait.ge [sflag:s22], s20  }
0xa1: {  	s6 =	ssub.s32 $0x0, s20;
	[sflag:s22] =	ssyncset.done $0x0  }
0xa2: {  	[sflag:s22] =	ssyncadd.s32 s6;
	_ =	sdelay $0x1  }
0xa3: {  	s23 =	simm.s32 $0x1B8B  }
0xa4: {  	_ =	swait.ge [sflag:s23], $0x1  }
0xa5: {  	[sflag:s23] =	ssyncset.done $0x0  }
0xa6: {  	s25 =	simm.s32 $0x1B8E;
	s24 =	sld [smem:$0x3FFE];
	[sflag:s23] =	ssyncadd.s32 $0xFFFFFFFF  }
0xa7: {  	s26 =	simm.s32 $execute0_lowered;
	[smem:$0x3FD2] =	sst s25  }
0xa8: {  	s7 =	sshll.u32 s26, $0x1;
	_ =	strace $0x80000046;
	[dreg:$0x1] =	wrdreg $0xFFFFFFFF  }
0xa9: {  	s28 =	simm.s32 $_size_execute0_lowered;
	s5 =	sadd.s32 s5, s7;
	[dreg:$0x0] =	wrdreg $0x0  }
0xaa: {  	s7 =	sshll.u32 s28, $0x1;
	[dreg:$0x2] =	wrdreg s5  }
0xab: {  	[dreg:$0x3] =	wrdreg s7  }
0xac: {  	[dreg:$0x4] =	wrdreg $0xC0  }
0xad: {  	_ =	task [dreg:s9], $0x5FFFF  }
0xae: {  	[dreg:$0x1] =	wrdreg $0xFFFFFFFF  }
0xaf: {  	[dreg:$0x0] =	wrdreg $0x60  }
0xb0: {  	[dreg:$0x2] =	wrdreg s2  }
0xb1: {  	[dreg:$0x3] =	wrdreg s18  }
0xb2: {  	[dreg:$0x4] =	wrdreg s4  }
0xb3: {  	[dreg:$0x5] =	wrdreg s24  }
0xb4: {  	[dreg:$0x6] =	wrdreg $0x120800  }
0xb5: {  	[dreg:$0x7] =	wrdreg $0x9  }
0xb6: {  	_ =	task.clear_ibuf [dreg:s9], $0x8FFFF;
	_ =	strace $0x90000046  }
0xb7: {  	s29 =	simm.s32 $0x9;
	_ =	strace $0x80000048  }
0xb8: {  	_ =	swait.ge [sflag:s29], $0x1  }
0xb9: {  	[sflag:s29] =	ssyncadd.s32 $0xFFFFFFFF  }
0xba: {  	_ =	strace $0x90000048  }
0xbb: {  	_ =	sfence  }
0xbc: {  	s30 =	sld [smem:$0x0];
	_ =	sdelay $0x2  }
0xbd: {  	s31 =	sshll.u32 s1, $0xD;
	s1 =	sshrl.u32 s1, $0x2  }
0xbe: {  	s3 =	sand.u32 $0x4000, s31;
	s1 =	sadd.s32 s1, s30  }
0xbf: {  	s0 =	sor.u32 s3, s0;
	s1 =	sshll.u32 s1, $0x11  }
0xc0: {  	s0 =	sor.u32 s1, s0  }
0xc1: {  	s0 =	sadd.s32 $0x8F2B, s0  }
0xc2: {  	[sflag:s0] =	ssyncadd.remote.s32 $0x1  }
0xc3: {  	_ =	sfence.sel $0xFFFF  }
0xc4: {  	[dreg:$0x0] =	wrdreg $0xFFFFFFFF;
	(pc) =	sbr.abs _section_cstart, $3  }
0xc5: {  	[dreg:$0x1] =	wrdreg $0xFFFFFFFF  }
0xc6: {  	_ =	task.clear_ibuf [dreg:s9], $0x2FFFF;
	_ =	strace $0x9FFFFFFF  }
0xc7: {  	(tm) =	ssettm $0x7FFFFFFF  }
tec
execute0_lowered:
.L_overlay_start_1:
0x0: {  	(tag) =	ssettag $0x1  }
0x1: {  	s1 =	rddreg [dreg:$0x0]  }
0x2: {  	s0 =	rddreg [dreg:$0x1]  }
0x3: {  	s2 =	rddreg [dreg:$0x2]  }
0x4: {  	s5 =	rddreg [dreg:$0x3]  }
0x5: {  	s3 =	rddreg [dreg:$0x4]  }
0x6: {  	s6 =	srdreg.scid;
	s16 =	stileid.u32;
	s4 =	simm.s32 $0x0  }
0x7: {  	s28 =	simm.s32 $0x9;
	s9 =	sand.u32 $0x1, s6;
	s22 =	sshll.u32 s16, $0x1  }
0x8: {  	s29 =	simm.s32 $0x1;
	s31 =	simm.s32 $0x3;
	s6 =	sor.u32 s9, s22  }
0x9: {  	[smem:$0x7FF] =	sst s4;
	s11 =	sadd.s32 $0x1000, s5;
	s8 =	smul.u32 $0x61, s6  }
0xa: {  	s26 =	sadd.s32 $0x10, s0;
	s18 =	smul.u32 $0xC380, s16;
	s23 =	smin.u32 s6, $0x15  }
0xb: {  	s15 =	smul.u32 $0x30E00, s16;
	_ =	strace $0x80000047;
	s8 =	sadd.s32 s23, s8  }
0xc: {  	p0 =	slt.u32 s6, $0x15;
	s6 =	sadd.s32 s18, s3;
	s13 =	sshll.u32 s8, $0x8  }
0xd: {  	s15 =	sshrl.u32 s15, $0x2;
	[dreg:$0x9] =	wrdreg s6;
	s13 =	sadd.s32 s13, s26  }
0xe: {  	s24 =	sshll.u32 s8, $0x3;
	[dreg:$0x7] =	wrdreg s13;
	s13 =	sadd.s32 s15, s3  }
0xf: {  	s7 =	ssub.s32 $0x2, s9;
	[dreg:$0x6] =	wrdreg s24;
	s20 =	sadd.s32 $0x880, s13  }
0x10: {  	p1 =	seq.s32 s9, $0x1;
	s21 =	sadd.s32 $0x1100, s13;
	[dreg:$0xa] =	wrdreg s20  }
0x11: {  	s10 =	sshrl.u32 s7, $0x1;
	s22 =	sadd.s32 $0x1980, s13;
	[dreg:$0xb] =	wrdreg s21  }
0x12: {  	s25 =	sshll.u32 s8, $0xA;
	s23 =	sadd.s32 $0x2200, s13;
	[dreg:$0xc] =	wrdreg s22  }
0x13: {  	s14 =	sor.u32 $0x4, s24;
	s24 =	sadd.s32 $0x2A80, s13;
	[dreg:$0xd] =	wrdreg s23  }
0x14: {  	s8 =	sadd.s32 s1, s25;
	s25 =	sadd.s32 $0x3300, s13;
	[dreg:$0xe] =	wrdreg s24  }
0x15: {  	s2 =	smov.u32 @p1 s11;
	s9 =	sadd.s32 $0x4400, s13;
	[dreg:$0xf] =	wrdreg s25  }
0x16: {  	s30 =	sshll.u32 s14, $0x7;
	s11 =	sadd.s32 $0x4C80, s13;
	[dreg:$0x11] =	wrdreg s9  }
0x17: {  	s17 =	sshll.u32 s14, $0x5;
	s14 =	sadd.s32 $0x5500, s13;
	[dreg:$0x12] =	wrdreg s11  }
0x18: {  	s12 =	ssub.s32 s7, s10;
	s15 =	sadd.s32 $0x5D80, s13;
	[dreg:$0x14] =	wrdreg s14  }
0x19: {  	s0 =	sand.u32 $0x1FFFFE00, s30;
	s16 =	sadd.s32 $0x6600, s13;
	[dreg:$0x15] =	wrdreg s15  }
0x1a: {  	s19 =	sand.u32 $0x1FFFFF80, s17;
	s17 =	sadd.s32 $0x6E80, s13;
	[dreg:$0x16] =	wrdreg s16  }
0x1b: {  	v0 =	vimm.f32 $0.0e+00;
	v1 =	vimm.s32 $0x15F8;
	vm0 =	vcmask $0x300;
	s30 =	sshrl.u32 s18, $0x3;
	s18 =	sadd.s32 $0x7700, s13;
	[dreg:$0x17] =	wrdreg s17  }
0x1c: {  	vm1 =	vcmask $0x704;
	v2 =	vimm.s32 $0x15F0;
	vm2 =	vcmask $0xB08;
	s10 =	sadd.s32 s1, s0;
	s0 =	sadd.s32 s19, s26;
	[dreg:$0x18] =	wrdreg s18  }
0x1d: {  	vm4 =	vcmask $0xF0C;
	v1 =	vsel vm0, $0x0, v1;
	v2 =	vsel vm0, $0x0, v2;
	s7 =	smov.u32 s26;
	s26 =	sadd.s32 $0x3B80, s13;
	[dreg:$0x8] =	wrdreg s0  }
0x1e: {  	vm5 =	vcmask $0x1310;
	s5 =	simm.s32 $0xC4;
	v1 =	vsel vm1, $0x90, v1;
	v2 =	vsel vm1, $0x90, v2;
	s19 =	sadd.s32 $0x7F80, s13;
	[dreg:$0x10] =	wrdreg s26  }
0x1f: {  	vm6 =	vcmask $0x1714;
	v1 =	vsel vm2, $0x120, v1;
	v2 =	vsel vm2, $0x120, v2;
	s5 =	simm.s32 @!p0 $0xC2;
	s20 =	sadd.s32 $0x8800, s13;
	[dreg:$0x19] =	wrdreg s19  }
0x20: {  	vm7 =	vcmask $0x1B18;
	v1 =	vsel vm4, $0x1B0, v1;
	v2 =	vsel vm4, $0x1B0, v2;
	s21 =	sadd.s32 $0x9080, s13;
	s22 =	sadd.s32 $0x9900, s13;
	[dreg:$0x1a] =	wrdreg s20  }
0x21: {  	vm8 =	vcmask $0x1F1C;
	v1 =	vsel vm5, $0x240, v1;
	v2 =	vsel vm5, $0x240, v2;
	s23 =	sadd.s32 $0xA180, s13;
	s24 =	sadd.s32 $0xAA00, s13;
	[dreg:$0x1b] =	wrdreg s21  }
0x22: {  	vm9 =	vcmask $0x2320;
	v1 =	vsel vm6, $0x2D0, v1;
	v2 =	vsel vm6, $0x2D0, v2;
	s25 =	sadd.s32 $0xB280, s13;
	s1 =	simm.s32 $0x8;
	[dreg:$0x1c] =	wrdreg s22  }
0x23: {  	vm10 =	vcmask $0x2724;
	v1 =	vsel vm7, $0x360, v1;
	v2 =	vsel vm7, $0x360, v2;
	s17 =	sadd.s32 $0x30D400, s8;
	s15 =	simm.s32 $0x2400;
	[dreg:$0x1d] =	wrdreg s23  }
0x24: {  	vm11 =	vcmask $0x2B28;
	v1 =	vsel vm8, $0x3F0, v1;
	v2 =	vsel vm8, $0x3F0, v2;
	s16 =	simm.s32 $0x4;
	s11 =	simm.s32 $0x6C00;
	[dreg:$0x1e] =	wrdreg s24  }
0x25: {  	vm12 =	vcmask $0x2F2C;
	v1 =	vsel vm9, $0x1208, v1;
	v2 =	vsel vm9, $0x1200, v2;
	s0 =	sadd.s32 s2, s30;
	[dreg:$0x1f] =	wrdreg s25;
	s26 =	sadd.s32 $0xBB00, s13  }
0x26: {  	vm13 =	vcmask $0x3330;
	v1 =	vsel vm10, $0x1298, v1;
	v2 =	vsel vm10, $0x1290, v2;
	s30 =	smax.u32 s12, $0x1;
	s1 =	simm.s32 @!p0 $0x6;
	s18 =	sadd.s32 $0x30D400, s10  }
.Ltmp0:
0x27: {  	vm14 =	vcmask $0x3734;
	s19 =	sadd.s32 $0xFFFFFFFF, s5;
	v1 =	vsel vm11, $0x1328, v1;
	v2 =	vsel vm11, $0x1320, v2;
	[dreg:$0x13] =	wrdreg s0;
	(pc) =	sbr.rel .LBB2_1-.Ltmp0, $4  }
0x28: {  	v3 =	vlaneseq.u32;
	s20 =	sadd.s32 $0xFFFFFFFE, s5;
	s21 =	sadd.s32 $0xFFFFFFFD, s5;
	[smem:$0x7FA] =	sst s26;
	v1 =	vsel vm12, $0x13B8, v1;
	v2 =	vsel vm12, $0x13B0, v2  }
0x29: {  	vm15 =	vcmask $0x3B38;
	s22 =	simm.s32 $0x80;
	s0 =	simm.s32 $0x7;
	[smem:$0x7FB] =	sst s30;
	v1 =	vsel vm13, $0x1448, v1;
	v2 =	vsel vm13, $0x1440, v2  }
0x2a: {  	v3 =	vshrl.u32 v3, $0x3;
	s12 =	simm.s32 $0x2;
	[smem:$0x7FD] =	sst s1;
	s0 =	simm.s32 @!p0 $0x5;
	v1 =	vsel vm14, $0x14D8, v1;
	v4 =	vsel vm14, $0x14D0, v2  }
0x2b: {  	s2 =	simm.s32 $0x4800;
	s1 =	simm.s32 $0x0;
	[smem:$0x7FC] =	sst s0;
	v2 =	vmul.u32 $0x8, v3;
	v1 =	vsel vm15, $0x1568, v1;
	v3 =	vsel vm15, $0x1560, v4  }
.LBB2_53:
0x2c: {  	s0 =	sld [smem:$0x7FC];
	_ =	sdelay $0x2  }
0x2d: {  	_ =	swait.ge [sflag:s0], $0x2000  }
0x2e: {  	s24 =	sld [smem:$0x7FD]  }
0x2f: {  	[sflag:s0] =	ssyncset.done $0x0  }
0x30: {  	[sflag:s0] =	ssyncadd.s32 $0xFFFFE000  }
0x31: {  	_ =	swait.ge [sflag:s24], $0x2000  }
0x32: {  	[sflag:s24] =	ssyncset.done $0x0  }
0x33: {  	[sflag:s24] =	ssyncadd.s32 $0xFFFFE000  }
0x34: {  	s25 =	stileid.u32;
	[bflag:$0x0] =	sbarrier.arrive $0xFFFF  }
0x35: {  	s0 =	sshll.u32 s25, $0x6;
	s6 =	rddreg [dreg:$0x9]  }
0x36: {  	s0 =	sor.u32 $0x1C09, s0;
	s9 =	rddreg [dreg:$0x13];
	s1 =	sshrl.u32 s6, $0x3  }
0x37: {  	[hbm:s9], [sflag:s0] =	dma.local [spmem:s1], $0x1870  }
0x38: {  	_ =	swait.ge [sflag:s28], $0x1870  }
0x39: {  	s26 =	sld [smem:$0x7F9]  }
0x3a: {  	s30 =	sld [smem:$0x7FB];
	_ =	sdelay $0x1  }
0x3b: {  	s1 =	sadd.s32 $0x1, s26  }
0x3c: {  	p0 =	sne.s32 s1, s30  }
.Ltmp1:
0x3d: {  	_ = 	snop;
	(pc) =	sbr.rel @!p0 .LBB2_54-.Ltmp1, $3  }
0x3e: {  	_ =	sdelay $0x1  }
0x3f: {  	[sflag:s28] =	ssyncset.done $0x0  }
0x40: {  	[sflag:s28] =	ssyncadd.s32 $0xFFFFE790  }
.LBB2_1:
0x41: {  	s13 =	simm.s32 $0x10  }
0x42: {  	s23 =	sadd.s32 $0x0, s8;
	s14 =	simm.s32 $0x90;
	s0 =	simm.s32 $0x0  }
.LBB2_2:
0x43: {  	[tilespmem:s0], [sflag:$0x1] =	stream.linear.gather [hbm4b:s23+s4], $0x80, $0x38;
	[tilespmem:$0x1E400] =	vst v63  }
0x44: {  	s9 =	smov.u32 s13;
	s0 =	smov.u32 s14;
	p0 =	sne.s32 s13, $0x1F0  }
.Ltmp2:
0x45: {  	s13 =	sadd.s32 $0x10, s13;
	(pc) =	sbr.rel @p0 .LBB2_2-.Ltmp2, $2  }
0x46: {  	_ =	sdelay $0x2  }
0x47: {  	s14 =	sadd.s32 $0x90, s14;
	s23 =	sadd.s32 s9, s8  }
0x48: {  	[tilespmem:s0], [sflag:$0x1] =	stream.linear.gather [hbm4b:s23+s4], $0x80, $0x38;
	[tilespmem:$0x1E400] =	vst v63  }
0x49: {  	[smem:$0x7F9] =	sst s1;
	s13 =	simm.s32 $0x1208  }
0x4a: {  	s14 =	simm.s32 $0x10;
	s0 =	sadd.s32 $0x0, s17;
	s23 =	simm.s32 $0x1298  }
.LBB2_4:
0x4b: {  	[tilespmem:s13], [sflag:$0x1] =	stream.linear.gather [hbm4b:s0+s4], $0x80, $0x38;
	[tilespmem:$0x1E400] =	vst v63  }
0x4c: {  	s0 =	smov.u32 s14;
	s13 =	smov.u32 s23;
	p0 =	sne.s32 s14, $0x1F0  }
.Ltmp3:
0x4d: {  	s14 =	sadd.s32 $0x10, s14;
	(pc) =	sbr.rel @p0 .LBB2_4-.Ltmp3, $2  }
0x4e: {  	_ =	sdelay $0x2  }
0x4f: {  	s23 =	sadd.s32 $0x90, s23;
	s0 =	sadd.s32 s0, s17  }
0x50: {  	[tilespmem:s13], [sflag:$0x1] =	stream.linear.gather [hbm4b:s0+s4], $0x80, $0x38;
	[tilespmem:$0x1E400] =	vst v63  }
0x51: {  	s30 =	rddreg [dreg:$0x7]  }
0x52: {  	s1 =	simm.s32 $0x100;
	s9 =	simm.s32 $0x11000;
	s13 =	simm.s32 $0x2400  }
0x53: {  	s14 =	simm.s32 $0x10;
	s0 =	sadd.s32 $0x0, s10;
	s23 =	simm.s32 $0x2490  }
0x54: {  	[tilespmem:s9], [sflag:$0x1] =	stream.strided.gather [hbm4b:s30+s22], $0x200, s1, s22, $0x38;
	[tilespmem:$0x1E400] =	vst v63  }
.LBB2_6:
0x55: {  	[tilespmem:s13], [sflag:$0x2] =	stream.linear.gather [hbm4b:s0+s4], $0x80, $0x38;
	[tilespmem:$0x1E400] =	vst v63  }
0x56: {  	s0 =	smov.u32 s14;
	s13 =	smov.u32 s23;
	p0 =	sne.s32 s14, $0x1F0  }
.Ltmp4:
0x57: {  	s14 =	sadd.s32 $0x10, s14;
	(pc) =	sbr.rel @p0 .LBB2_6-.Ltmp4, $2  }
0x58: {  	_ =	sdelay $0x2  }
0x59: {  	s23 =	sadd.s32 $0x90, s23;
	s0 =	sadd.s32 s0, s10  }
0x5a: {  	[tilespmem:s13], [sflag:$0x2] =	stream.linear.gather [hbm4b:s0+s4], $0x80, $0x38;
	[tilespmem:$0x1E400] =	vst v63  }
0x5b: {  	s13 =	simm.s32 $0x3608  }
0x5c: {  	s14 =	simm.s32 $0x10;
	s0 =	sadd.s32 $0x0, s18;
	s23 =	simm.s32 $0x3698  }
.LBB2_8:
0x5d: {  	[tilespmem:s13], [sflag:$0x2] =	stream.linear.gather [hbm4b:s0+s4], $0x80, $0x38;
	[tilespmem:$0x1E400] =	vst v63  }
0x5e: {  	s0 =	smov.u32 s14;
	s13 =	smov.u32 s23;
	p0 =	sne.s32 s14, $0x1F0  }
.Ltmp5:
0x5f: {  	s14 =	sadd.s32 $0x10, s14;
	(pc) =	sbr.rel @p0 .LBB2_8-.Ltmp5, $2  }
0x60: {  	_ =	sdelay $0x2  }
0x61: {  	s23 =	sadd.s32 $0x90, s23;
	s0 =	sadd.s32 s0, s18  }
0x62: {  	[tilespmem:s13], [sflag:$0x2] =	stream.linear.gather [hbm4b:s0+s4], $0x80, $0x38;
	[tilespmem:$0x1E400] =	vst v63  }
0x63: {  	s30 =	rddreg [dreg:$0x8]  }
0x64: {  	s1 =	simm.s32 $0x100;
	s9 =	simm.s32 $0x11200;
	s13 =	simm.s32 $0x11820  }
0x65: {  	[tilespmem:s9], [sflag:$0x2] =	stream.strided.gather [hbm4b:s30+s22], $0x200, s1, s22, $0x38;
	[tilespmem:$0x1E400] =	vst v63  }
0x66: {  	[tilespmem:s13+$0xFFFFFFE0] =	vst v0  }
0x67: {  	[tilespmem:s13+$0x10] =	vst v0  }
0x68: {  	s14 =	simm.s32 $0x0;
	[tilespmem:s13+$0x0] =	vst v0  }
.LBB2_10:
0x69: {  	s14 =	sadd.s32 $0x4, s14  }
0x6a: {  	[tilespmem:s13+$0xFFFFFFF0] =	vst v0;
	s13 =	sadd.s32 $0x40, s13;
	p0 =	slt.u32 s14, $0x84  }
.Ltmp6:
0x6b: {  	[tilespmem:s13+$0xFFFFFFE0] =	vst v0;
	(pc) =	sbr.rel @p0 .LBB2_10-.Ltmp6, $3  }
0x6c: {  	_ =	sdelay $0x1  }
0x6d: {  	[tilespmem:s13+$0x10] =	vst v0  }
0x6e: {  	[tilespmem:s13+$0x0] =	vst v0  }
0x6f: {  	[tilespmem:s13+$0xFFFFFFF0] =	vst v0;
	s1 =	simm.s32 $0x11800  }
0x70: {  	[spmem:s6] =	stream.linear.scatter [tilespmem:s1], [sflag:$0x9], $0x880, $0x38;
	[tilespmem:$0x1E400] =	vst v63  }
0x71: {  	_ =	swait.ge [sflag:s28], $0x880  }
0x72: {  	[sflag:s28] =	ssyncset.done $0x0  }
0x73: {  	s0 =	rddreg [dreg:$0xa];
	[sflag:s28] =	ssyncadd.s32 $0xFFFFF780  }
0x74: {  	[spmem:s0] =	stream.linear.scatter [tilespmem:s1], [sflag:$0x9], $0x880, $0x38;
	[tilespmem:$0x1E400] =	vst v63  }
0x75: {  	_ =	swait.ge [sflag:s28], $0x880  }
0x76: {  	[sflag:s28] =	ssyncset.done $0x0  }
0x77: {  	s25 =	rddreg [dreg:$0xb];
	[sflag:s28] =	ssyncadd.s32 $0xFFFFF780  }
0x78: {  	[spmem:s25] =	stream.linear.scatter [tilespmem:s1], [sflag:$0x9], $0x880, $0x38;
	[tilespmem:$0x1E400] =	vst v63  }
0x79: {  	_ =	swait.ge [sflag:s28], $0x880  }
0x7a: {  	[sflag:s28] =	ssyncset.done $0x0  }
0x7b: {  	s26 =	rddreg [dreg:$0xc];
	[sflag:s28] =	ssyncadd.s32 $0xFFFFF780  }
0x7c: {  	[spmem:s26] =	stream.linear.scatter [tilespmem:s1], [sflag:$0x9], $0x880, $0x38;
	[tilespmem:$0x1E400] =	vst v63  }
0x7d: {  	_ =	swait.ge [sflag:s28], $0x880  }
0x7e: {  	[sflag:s28] =	ssyncset.done $0x0  }
0x7f: {  	s30 =	rddreg [dreg:$0xd];
	[sflag:s28] =	ssyncadd.s32 $0xFFFFF780  }
0x80: {  	[spmem:s30] =	stream.linear.scatter [tilespmem:s1], [sflag:$0x9], $0x880, $0x38;
	[tilespmem:$0x1E400] =	vst v63  }
0x81: {  	_ =	swait.ge [sflag:s28], $0x880  }
0x82: {  	[sflag:s28] =	ssyncset.done $0x0  }
0x83: {  	s6 =	rddreg [dreg:$0xe];
	[sflag:s28] =	ssyncadd.s32 $0xFFFFF780  }
0x84: {  	[spmem:s6] =	stream.linear.scatter [tilespmem:s1], [sflag:$0x9], $0x880, $0x38;
	[tilespmem:$0x1E400] =	vst v63  }
0x85: {  	_ =	swait.ge [sflag:s28], $0x880  }
0x86: {  	[sflag:s28] =	ssyncset.done $0x0  }
0x87: {  	s9 =	rddreg [dreg:$0xf];
	[sflag:s28] =	ssyncadd.s32 $0xFFFFF780  }
0x88: {  	[spmem:s9] =	stream.linear.scatter [tilespmem:s1], [sflag:$0x9], $0x880, $0x38;
	[tilespmem:$0x1E400] =	vst v63  }
0x89: {  	_ =	swait.ge [sflag:s28], $0x880  }
0x8a: {  	[sflag:s28] =	ssyncset.done $0x0  }
0x8b: {  	s13 =	rddreg [dreg:$0x10];
	[sflag:s28] =	ssyncadd.s32 $0xFFFFF780  }
0x8c: {  	[spmem:s13] =	stream.linear.scatter [tilespmem:s1], [sflag:$0x9], $0x880, $0x38;
	[tilespmem:$0x1E400] =	vst v63  }
0x8d: {  	_ =	swait.ge [sflag:s28], $0x880  }
0x8e: {  	[sflag:s28] =	ssyncset.done $0x0  }
0x8f: {  	s14 =	rddreg [dreg:$0x11];
	[sflag:s28] =	ssyncadd.s32 $0xFFFFF780  }
0x90: {  	[spmem:s14] =	stream.linear.scatter [tilespmem:s1], [sflag:$0x9], $0x880, $0x38;
	[tilespmem:$0x1E400] =	vst v63  }
0x91: {  	_ =	swait.ge [sflag:s28], $0x880  }
0x92: {  	[sflag:s28] =	ssyncset.done $0x0  }
0x93: {  	s23 =	rddreg [dreg:$0x12];
	[sflag:s28] =	ssyncadd.s32 $0xFFFFF780  }
0x94: {  	[spmem:s23] =	stream.linear.scatter [tilespmem:s1], [sflag:$0x9], $0x880, $0x38;
	[tilespmem:$0x1E400] =	vst v63  }
0x95: {  	_ =	swait.ge [sflag:s28], $0x880  }
0x96: {  	[sflag:s28] =	ssyncset.done $0x0  }
0x97: {  	s24 =	rddreg [dreg:$0x14];
	[sflag:s28] =	ssyncadd.s32 $0xFFFFF780  }
0x98: {  	[spmem:s24] =	stream.linear.scatter [tilespmem:s1], [sflag:$0x9], $0x880, $0x38;
	[tilespmem:$0x1E400] =	vst v63  }
0x99: {  	_ =	swait.ge [sflag:s28], $0x880  }
0x9a: {  	[sflag:s28] =	ssyncset.done $0x0  }
0x9b: {  	s25 =	rddreg [dreg:$0x15];
	[sflag:s28] =	ssyncadd.s32 $0xFFFFF780  }
0x9c: {  	[spmem:s25] =	stream.linear.scatter [tilespmem:s1], [sflag:$0x9], $0x880, $0x38;
	[tilespmem:$0x1E400] =	vst v63  }
0x9d: {  	_ =	swait.ge [sflag:s28], $0x880  }
0x9e: {  	[sflag:s28] =	ssyncset.done $0x0  }
0x9f: {  	s26 =	rddreg [dreg:$0x16];
	[sflag:s28] =	ssyncadd.s32 $0xFFFFF780  }
0xa0: {  	[spmem:s26] =	stream.linear.scatter [tilespmem:s1], [sflag:$0x9], $0x880, $0x38;
	[tilespmem:$0x1E400] =	vst v63  }
0xa1: {  	_ =	swait.ge [sflag:s28], $0x880  }
0xa2: {  	[sflag:s28] =	ssyncset.done $0x0  }
0xa3: {  	s30 =	rddreg [dreg:$0x17];
	[sflag:s28] =	ssyncadd.s32 $0xFFFFF780  }
0xa4: {  	[spmem:s30] =	stream.linear.scatter [tilespmem:s1], [sflag:$0x9], $0x880, $0x38;
	[tilespmem:$0x1E400] =	vst v63  }
0xa5: {  	_ =	swait.ge [sflag:s28], $0x880  }
0xa6: {  	[sflag:s28] =	ssyncset.done $0x0  }
0xa7: {  	s6 =	rddreg [dreg:$0x18];
	[sflag:s28] =	ssyncadd.s32 $0xFFFFF780  }
0xa8: {  	[spmem:s6] =	stream.linear.scatter [tilespmem:s1], [sflag:$0x9], $0x880, $0x38;
	[tilespmem:$0x1E400] =	vst v63  }
0xa9: {  	_ =	swait.ge [sflag:s28], $0x880  }
0xaa: {  	[sflag:s28] =	ssyncset.done $0x0  }
0xab: {  	s9 =	rddreg [dreg:$0x19];
	[sflag:s28] =	ssyncadd.s32 $0xFFFFF780  }
0xac: {  	[spmem:s9] =	stream.linear.scatter [tilespmem:s1], [sflag:$0x9], $0x880, $0x38;
	[tilespmem:$0x1E400] =	vst v63  }
0xad: {  	_ =	swait.ge [sflag:s28], $0x880  }
0xae: {  	[sflag:s28] =	ssyncset.done $0x0  }
0xaf: {  	s13 =	rddreg [dreg:$0x1a];
	[sflag:s28] =	ssyncadd.s32 $0xFFFFF780  }
0xb0: {  	[spmem:s13] =	stream.linear.scatter [tilespmem:s1], [sflag:$0x9], $0x880, $0x38;
	[tilespmem:$0x1E400] =	vst v63  }
0xb1: {  	_ =	swait.ge [sflag:s28], $0x880  }
0xb2: {  	[sflag:s28] =	ssyncset.done $0x0  }
0xb3: {  	s14 =	rddreg [dreg:$0x1b];
	[sflag:s28] =	ssyncadd.s32 $0xFFFFF780  }
0xb4: {  	[spmem:s14] =	stream.linear.scatter [tilespmem:s1], [sflag:$0x9], $0x880, $0x38;
	[tilespmem:$0x1E400] =	vst v63  }
0xb5: {  	_ =	swait.ge [sflag:s28], $0x880  }
0xb6: {  	[sflag:s28] =	ssyncset.done $0x0  }
0xb7: {  	s23 =	rddreg [dreg:$0x1c];
	[sflag:s28] =	ssyncadd.s32 $0xFFFFF780  }
0xb8: {  	[spmem:s23] =	stream.linear.scatter [tilespmem:s1], [sflag:$0x9], $0x880, $0x38;
	[tilespmem:$0x1E400] =	vst v63  }
0xb9: {  	_ =	swait.ge [sflag:s28], $0x880  }
0xba: {  	[sflag:s28] =	ssyncset.done $0x0  }
0xbb: {  	s24 =	rddreg [dreg:$0x1d];
	[sflag:s28] =	ssyncadd.s32 $0xFFFFF780  }
0xbc: {  	[spmem:s24] =	stream.linear.scatter [tilespmem:s1], [sflag:$0x9], $0x880, $0x38;
	[tilespmem:$0x1E400] =	vst v63  }
0xbd: {  	_ =	swait.ge [sflag:s28], $0x880  }
0xbe: {  	[sflag:s28] =	ssyncset.done $0x0  }
0xbf: {  	s25 =	rddreg [dreg:$0x1e];
	[sflag:s28] =	ssyncadd.s32 $0xFFFFF780  }
0xc0: {  	[spmem:s25] =	stream.linear.scatter [tilespmem:s1], [sflag:$0x9], $0x880, $0x38;
	[tilespmem:$0x1E400] =	vst v63  }
0xc1: {  	_ =	swait.ge [sflag:s28], $0x880  }
0xc2: {  	[sflag:s28] =	ssyncset.done $0x0  }
0xc3: {  	s26 =	rddreg [dreg:$0x1f];
	[sflag:s28] =	ssyncadd.s32 $0xFFFFF780  }
0xc4: {  	[spmem:s26] =	stream.linear.scatter [tilespmem:s1], [sflag:$0x9], $0x880, $0x38;
	[tilespmem:$0x1E400] =	vst v63  }
0xc5: {  	_ =	swait.ge [sflag:s28], $0x880  }
0xc6: {  	s30 =	sld [smem:$0x7FA]  }
0xc7: {  	[sflag:s28] =	ssyncset.done $0x0  }
0xc8: {  	[sflag:s28] =	ssyncadd.s32 $0xFFFFF780  }
0xc9: {  	[spmem:s30] =	stream.linear.scatter [tilespmem:s1], [sflag:$0x9], $0x880, $0x38;
	[tilespmem:$0x1E400] =	vst v63  }
.Ltmp7:
0xca: {  	_ =	swait.ge [sflag:s28], $0x880;
	(pc) =	sbr.rel .LBB2_12-.Ltmp7, $4  }
0xcb: {  	[sflag:s28] =	ssyncset.done $0x0  }
0xcc: {  	[sflag:s28] =	ssyncadd.s32 $0xFFFFF780  }
0xcd: {  	[bflag:$0x0] =	sbarrier.arrive $0xFFFF  }
0xce: {  	s13 =	simm.s32 $0x0  }
.LBB2_52:
0xcf: {  	s13 =	sadd.s32 $0x1, s13  }
0xd0: {  	p0 =	sne.s32 s13, $0x31  }
.Ltmp8:
0xd1: {  	_ = 	snop;
	(pc) =	sbr.rel @!p0 .LBB2_53-.Ltmp8, $1  }
0xd2: {  	_ =	sdelay $0x3  }
.LBB2_12:
0xd3: {  	s26 =	sshll.u32 s13, $0x2  }
0xd4: {  	p0 =	sge.u32 s26, s5  }
.Ltmp9:
0xd5: {  	_ = 	snop;
	(pc) =	sbr.rel @p0 .LBB2_22-.Ltmp9, $1  }
0xd6: {  	_ =	sdelay $0x3  }
0xd7: {  	_ =	swait.ge [sflag:s29], $0x2000  }
0xd8: {  	[sflag:s29] =	ssyncset.done $0x0  }
0xd9: {  	s0 =	sor.u32 $0x2, s26;
	[sflag:s29] =	ssyncadd.s32 $0xFFFFE000  }
0xda: {  	p1 =	sge.u32 s0, s5;
	_ =	swait.ge [sflag:s29], $0x200  }
.Ltmp10:
0xdb: {  	p0 =	seq.s32 s13, $0x0;
	[sflag:s29] =	ssyncset.done $0x0;
	(pc) =	sbr.rel @p1 .LBB2_19-.Ltmp10, $4  }
0xdc: {  	s9 =	simm.s32 @!p0 $0x7;
	[sflag:s29] =	ssyncadd.s32 $0xFFFFFE00  }
0xdd: {  	_ =	swait.ge @!p0 [sflag:s9], $0x2000  }
0xde: {  	[sflag:s9] =	ssyncset.done @!p0 $0x0  }
0xdf: {  	[sflag:s9] =	ssyncadd.s32 @!p0 $0xFFFFE000  }
0xe0: {  	s0 =	sshll.u32 s0, $0x2;
	s1 =	rddreg [dreg:$0x6]  }
0xe1: {  	s14 =	sadd.s32 s1, s0  }
0xe2: {  	s24 =	sshll.u32 s14, $0x7  }
0xe3: {  	s25 =	rddreg [dreg:$0x0];
	s23 =	sand.u32 $0x1FFFFC00, s24  }
0xe4: {  	s0 =	simm.s32 $0x4890;
	s30 =	sadd.s32 s25, s23  }
0xe5: {  	s25 =	simm.s32 $0x4800;
	s23 =	simm.s32 $0x10;
	s9 =	sadd.s32 $0x0, s30  }
.LBB2_15:
0xe6: {  	[tilespmem:s25], [sflag:$0x3] =	stream.linear.gather [hbm4b:s9+s4], $0x80, $0x38;
	[tilespmem:$0x1E400] =	vst v63  }
0xe7: {  	s9 =	smov.u32 s23;
	s25 =	smov.u32 s0;
	p0 =	sne.s32 s23, $0x1F0  }
.Ltmp11:
0xe8: {  	s23 =	sadd.s32 $0x10, s23;
	(pc) =	sbr.rel @p0 .LBB2_15-.Ltmp11, $2  }
0xe9: {  	_ =	sdelay $0x2  }
0xea: {  	s0 =	sadd.s32 $0x90, s0;
	s9 =	sadd.s32 s9, s30  }
0xeb: {  	[tilespmem:s25], [sflag:$0x3] =	stream.linear.gather [hbm4b:s9+s4], $0x80, $0x38;
	[tilespmem:$0x1E400] =	vst v63  }
0xec: {  	s0 =	sand.u32 $0x1FFFFF80, s24;
	s1 =	rddreg [dreg:$0x0]  }
0xed: {  	s0 =	sadd.s32 s1, s0  }
0xee: {  	s25 =	simm.s32 $0x5A08;
	s24 =	sadd.s32 $0x30D400, s0  }
0xef: {  	s23 =	simm.s32 $0x10;
	s0 =	simm.s32 $0x5A98;
	s9 =	sadd.s32 $0x0, s24  }
.LBB2_17:
0xf0: {  	[tilespmem:s25], [sflag:$0x3] =	stream.linear.gather [hbm4b:s9+s4], $0x80, $0x38;
	[tilespmem:$0x1E400] =	vst v63  }
0xf1: {  	s9 =	smov.u32 s23;
	s25 =	smov.u32 s0;
	p0 =	sne.s32 s23, $0x1F0  }
.Ltmp12:
0xf2: {  	s23 =	sadd.s32 $0x10, s23;
	(pc) =	sbr.rel @p0 .LBB2_17-.Ltmp12, $2  }
0xf3: {  	_ =	sdelay $0x2  }
0xf4: {  	s0 =	sadd.s32 $0x90, s0;
	s9 =	sadd.s32 s9, s24  }
0xf5: {  	[tilespmem:s25], [sflag:$0x3] =	stream.linear.gather [hbm4b:s9+s4], $0x80, $0x38;
	[tilespmem:$0x1E400] =	vst v63  }
0xf6: {  	s0 =	sshll.u32 s14, $0x5  }
0xf7: {  	s0 =	sand.u32 $0x1FFFFF00, s0  }
0xf8: {  	s1 =	simm.s32 $0x100;
	s6 =	simm.s32 $0x11400;
	s0 =	sadd.s32 s0, s7  }
0xf9: {  	[tilespmem:s6], [sflag:$0x3] =	stream.strided.gather [hbm4b:s0+s22], $0x200, s1, s22, $0x38;
	[tilespmem:$0x1E400] =	vst v63  }
.LBB2_19:
0xfa: {  	s9 =	simm.s32 $0x0;
	s14 =	simm.s32 $0x1  }
0xfb: {  	s23 =	simm.s32 $0x2;
	s24 =	simm.s32 $0x3;
	s25 =	simm.s32 $0x7  }
0xfc: {  	s1 =	simm.s32 $0x5;
	s9 =	sand.u32 $0x18, s9;
	s23 =	sand.u32 $0x7A, s23  }
0xfd: {  	s6 =	simm.s32 $0x4;
	s25 =	sand.u32 $0x7F, s25;
	v4 =	vmov s9;
	s9 =	sand.u32 $0x79, s14;
	v5 =	vadd.s32 s23, v2  }
0xfe: {  	s14 =	sand.u32 $0x7D, s1;
	v6 =	vadd.s32 s25, v2;
	s1 =	sand.u32 $0x7B, s24;
	s23 =	sand.u32 $0x7C, s6;
	v4 =	vmul.u32 $0x90, v4;
	v7 =	vadd.s32 s9, v2  }
0xff: {  	v8 =	vadd.s32 s14, v2;
	v10 =	vadd.s32 s1, v2;
	v11 =	vadd.s32 s23, v2  }
0x100: {  	s0 =	simm.s32 $0x0;
	v5 =	vand.u32 $0xF8, v5;
	v6 =	vand.u32 $0xF8, v6;
	v9 =	vbroadcast v4, $0x0  }
0x101: {  	s0 =	sand.u32 $0x78, s0;
	s6 =	simm.s32 $0x6;
	v10 =	vand.u32 $0xF8, v10;
	v11 =	vand.u32 $0xF8, v11;
	v8 =	vand.u32 $0xF8, v8  }
0x102: {  	v7 =	vand.u32 $0xF8, v7;
	v4 =	vor.u32 s0, v4;
	s0 =	sand.u32 $0x7E, s6;
	v9 =	vadd.s32 v3, v9  }
0x103: {  	s9 =	simm.s32 $0xA;
	v12 =	vadd.s32 s0, v2;
	v4 =	vbroadcast v4, $0x0;
	v5 =	vadd.s32 v5, v9  }
0x104: {  	s14 =	simm.s32 $0x0;
	s23 =	simm.s32 $0x9;
	s0 =	sand.u32 $0x7A, s9;
	v12 =	vand.u32 $0xF8, v12;
	v10 =	vadd.s32 v10, v9;
	v5 =	vor.u32 $0x2, v5  }
0x105: {  	s9 =	sand.u32 $0x18, s14;
	s14 =	sand.u32 $0x79, s23;
	v13 =	vadd.s32 s0, v2;
	v7 =	vadd.s32 v7, v9;
	v10 =	vor.u32 $0x3, v10  }
0x106: {  	v15 =	vadd.s32 s14, v2;
	v8 =	vadd.s32 v8, v9;
	v7 =	vor.u32 $0x1, v7  }
0x107: {  	s24 =	simm.s32 $0xF;
	v11 =	vadd.s32 v11, v9;
	v6 =	vadd.s32 v6, v9;
	v8 =	vor.u32 $0x5, v8  }
0x108: {  	s25 =	simm.s32 $0xB;
	s0 =	sand.u32 $0x7F, s24;
	v9 =	vadd.s32 v12, v9;
	v14 =	vor.u32 $0x4, v11;
	v11 =	vmov s9  }
0x109: {  	s1 =	simm.s32 $0xD;
	s14 =	sand.u32 $0x7B, s25;
	v18 =	vadd.s32 s0, v2;
	v6 =	vor.u32 $0x7, v6;
	v12 =	vmul.u32 $0x90, v11;
	v20 =	vld.idx.msk [tilespmem:v5+s4+$0x0], $0xffff  }
0x10a: {  	s30 =	simm.s32 $0x8;
	s6 =	simm.s32 $0xC;
	v19 =	vadd.s32 v1, v4;
	s9 =	sand.u32 $0x7D, s1;
	v22 =	vor.u32 $0x6, v9;
	v9 =	vadd.s32 s14, v2;
	v21 =	vld.idx.msk [tilespmem:v10+s4+$0x0], $0xffff  }
0x10b: {  	s23 =	sand.u32 $0x7C, s6;
	s24 =	sand.u32 $0x78, s30;
	v18 =	vand.u32 $0xF8, v18;
	v16 =	vadd.s32 s9, v2;
	v4 =	vbroadcast v12, $0x0;
	v11 =	vld.idx.msk [tilespmem:v7+s4+$0x0], $0xffff  }
0x10c: {  	v10 =	vadd.s32 s23, v2;
	v5 =	vor.u32 s24, v12;
	v7 =	vand.u32 $0xF8, v9;
	v8 =	vld.idx.msk [tilespmem:v8+s4+$0x0], $0xffff  }
0x10d: {  	s25 =	simm.s32 $0xE;
	v4 =	vadd.s32 v3, v4;
	v9 =	vld.idx.msk [tilespmem:v14+s4+$0x0], $0xffff;
	v12 =	vand.u32 $0xF8, v10;
	v10 =	vand.u32 $0xF8, v13  }
0x10e: {  	s0 =	sand.u32 $0x7E, s25;
	v23 =	vand.u32 $0xF8, v16;
	v16 =	vand.u32 $0xF8, v15;
	s24 =	simm.s32 $0x9040;
	v14 =	vadd.s32 v10, v4;
	v10 =	vld.idx.msk [tilespmem:v6+s4+$0x0], $0xffff  }
0x10f: {  	v17 =	vadd.s32 v7, v4;
	v15 =	vadd.s32 v23, v4;
	v7 =	vadd.s32 s0, v2;
	v6 =	vld.idx.msk [tilespmem:v19+s4+$0x0], $0xffff;
	[tilespmem:s24+$0xFFFFFFE0] =	vst v20  }
0x110: {  	s14 =	simm.s32 $0x90C0;
	v13 =	vadd.s32 v12, v4;
	v12 =	vor.u32 $0x2, v14;
	v14 =	vand.u32 $0xF8, v7;
	v7 =	vld.idx.msk [tilespmem:v22+s4+$0x0], $0xffff;
	[tilespmem:s24+$0xFFFFFFF0] =	vst v21  }
.LBB2_20:
0x111: {  	s0 =	sadd.s32 $0x9, s30  }
0x112: {  	s9 =	sadd.s32 $0xA, s30;
	v16 =	vadd.s32 v16, v4;
	v17 =	vor.u32 $0x3, v17;
	v18 =	vadd.s32 v18, v4;
	[tilespmem:s24+$0xFFFFFFD0] =	vst v11;
	s23 =	smov.u32 s30;
	s30 =	sadd.s32 $0x8, s30  }
0x113: {  	v15 =	vor.u32 $0x5, v15;
	s25 =	sshrl.u32 s30, $0x4;
	s9 =	sand.u32 $0x7A, s9;
	s1 =	sadd.s32 $0xB, s23;
	v11 =	vor.u32 $0x1, v16;
	v18 =	vor.u32 $0x7, v18;
	[tilespmem:s24+$0x10] =	vst v8  }
0x114: {  	v5 =	vbroadcast v5, $0x0;
	v13 =	vor.u32 $0x4, v13;
	s0 =	sand.u32 $0x79, s0;
	s25 =	sand.u32 $0x18, s25;
	v16 =	vadd.s32 s9, v2;
	s9 =	sadd.s32 $0xF, s23;
	[tilespmem:s24+$0x0] =	vst v9  }
0x115: {  	v4 =	vadd.s32 v14, v4;
	s6 =	sadd.s32 $0xE, s23;
	v8 =	vmov s25;
	s25 =	sadd.s32 $0xD, s23;
	s9 =	sand.u32 $0x7F, s9;
	[tilespmem:s24+$0x30] =	vst v10  }
0x116: {  	s6 =	sand.u32 $0x7E, s6;
	v14 =	vadd.s32 v1, v5;
	s23 =	sadd.s32 $0xC, s23;
	v8 =	vmul.u32 $0x90, v8;
	s25 =	sand.u32 $0x7D, s25;
	v19 =	vadd.s32 s9, v2;
	v12 =	vld.idx.msk [tilespmem:v12+s4+$0x0], $0xffff;
	[tilespmem:s24+$0xFFFFFFC0] =	vst v6  }
0x117: {  	p0 =	slt.u32 s30, $0x1F8;
	v21 =	vor.u32 $0x6, v4;
	v6 =	vadd.s32 s0, v2;
	s0 =	sand.u32 $0x7B, s1;
	s1 =	sand.u32 $0x7C, s23;
	v9 =	vadd.s32 s25, v2;
	v20 =	vld.idx.msk [tilespmem:v17+s4+$0x0], $0xffff;
	[tilespmem:s24+$0x20] =	vst v7  }
0x118: {  	s9 =	sand.u32 $0x78, s30;
	v7 =	vadd.s32 s0, v2;
	v10 =	vadd.s32 s1, v2;
	s24 =	smov.u32 s14;
	v4 =	vbroadcast v8, $0x0;
	v11 =	vld.idx.msk [tilespmem:v11+s4+$0x0], $0xffff  }
.Ltmp13:
0x119: {  	v5 =	vor.u32 s9, v8;
	v7 =	vand.u32 $0xF8, v7;
	v22 =	vand.u32 $0xF8, v10;
	v8 =	vld.idx.msk [tilespmem:v15+s4+$0x0], $0xffff;
	(pc) =	sbr.rel @p0 .LBB2_20-.Ltmp13, $4  }
0x11a: {  	v10 =	vand.u32 $0xF8, v16;
	v15 =	vand.u32 $0xF8, v9;
	v4 =	vadd.s32 v3, v4;
	v9 =	vld.idx.msk [tilespmem:v13+s4+$0x0], $0xffff  }
0x11b: {  	v16 =	vand.u32 $0xF8, v6;
	v23 =	vadd.s32 v10, v4;
	v17 =	vadd.s32 v7, v4;
	v10 =	vld.idx.msk [tilespmem:v18+s4+$0x0], $0xffff  }
0x11c: {  	v13 =	vadd.s32 v22, v4;
	v15 =	vadd.s32 v15, v4;
	v7 =	vadd.s32 s6, v2;
	v6 =	vld.idx.msk [tilespmem:v14+s4+$0x0], $0xffff;
	[tilespmem:s14+$0xFFFFFFE0] =	vst v12  }
0x11d: {  	v18 =	vand.u32 $0xF8, v19;
	v12 =	vor.u32 $0x2, v23;
	v14 =	vand.u32 $0xF8, v7;
	s14 =	sadd.s32 $0x80, s14;
	[tilespmem:s24+$0xFFFFFFF0] =	vst v20;
	v7 =	vld.idx.msk [tilespmem:v21+s4+$0x0], $0xffff  }
0x11e: {  	v17 =	vor.u32 $0x3, v17  }
0x11f: {  	v15 =	vor.u32 $0x5, v15  }
0x120: {  	v16 =	vadd.s32 v16, v4;
	v56 =	vor.u32 $0x4, v13  }
0x121: {  	v18 =	vadd.s32 v18, v4;
	[tilespmem:s24+$0xFFFFFFD0] =	vst v11;
	v16 =	vor.u32 $0x1, v16  }
0x122: {  	v5 =	vbroadcast v5, $0x0;
	[tilespmem:s24+$0x10] =	vst v8;
	v58 =	vld.idx.msk [tilespmem:v12+s4+$0x0], $0xffff;
	v4 =	vadd.s32 v14, v4;
	v57 =	vor.u32 $0x7, v18  }
0x123: {  	[tilespmem:s24+$0x0] =	vst v9;
	v4 =	vor.u32 $0x6, v4;
	v59 =	vld.idx.msk [tilespmem:v17+s4+$0x0], $0xffff  }
0x124: {  	v5 =	vadd.s32 v1, v5;
	[tilespmem:s24+$0x30] =	vst v10;
	v61 =	vld.idx.msk [tilespmem:v15+s4+$0x0], $0xffff  }
0x125: {  	[tilespmem:s24+$0xFFFFFFC0] =	vst v6;
	v62 =	vld.idx.msk [tilespmem:v56+s4+$0x0], $0xffff  }
0x126: {  	[tilespmem:s24+$0x20] =	vst v7;
	v60 =	vld.idx.msk [tilespmem:v16+s4+$0x0], $0xffff  }
0x127: {  	[tilespmem:s14+$0xFFFFFFE0] =	vst v58;
	v63 =	vld.idx.msk [tilespmem:v57+s4+$0x0], $0xffff  }
0x128: {  	v4 =	vld.idx.msk [tilespmem:v4+s4+$0x0], $0xffff;
	[tilespmem:s14+$0xFFFFFFF0] =	vst v59  }
0x129: {  	v5 =	vld.idx.msk [tilespmem:v5+s4+$0x0], $0xffff;
	[tilespmem:s14+$0x10] =	vst v61  }
0x12a: {  	[tilespmem:s14+$0x0] =	vst v62  }
0x12b: {  	[tilespmem:s14+$0xFFFFFFD0] =	vst v60  }
0x12c: {  	[tilespmem:s14+$0x30] =	vst v63  }
0x12d: {  	[tilespmem:s14+$0x20] =	vst v4  }
0x12e: {  	s0 =	simm.s32 $0x11000;
	s1 =	simm.s32 $0x9000;
	[tilespmem:s14+$0xFFFFFFC0] =	vst v5  }
0x12f: {  	[spmem:s3] =	stream.indirect.scatter.add.f32 [tilespmem:s1], [sflag:$0x5], $0x10, s0, s22, $0xb8;
	[tilespmem:$0x1E400] =	vst v63  }
0x130: {  	s9 =	simm.s32 $0x11080;
	s14 =	simm.s32 $0x9800  }
0x131: {  	[spmem:s3] =	stream.indirect.scatter.add.f32 [tilespmem:s14], [sflag:$0x5], $0x10, s9, s22, $0xb8;
	[tilespmem:$0x1E400] =	vst v63  }
0x132: {  	s23 =	simm.s32 $0x11100;
	s24 =	simm.s32 $0xA000  }
0x133: {  	[spmem:s3] =	stream.indirect.scatter.add.f32 [tilespmem:s24], [sflag:$0x5], $0x10, s23, s22, $0xb8;
	[tilespmem:$0x1E400] =	vst v63  }
0x134: {  	s25 =	simm.s32 $0x11180;
	s30 =	simm.s32 $0xA800  }
0x135: {  	[spmem:s3] =	stream.indirect.scatter.add.f32 [tilespmem:s30], [sflag:$0x5], $0x10, s25, s22, $0xb8;
	[tilespmem:$0x1E400] =	vst v63  }
.LBB2_22:
0x136: {  	p0 =	sge.u32 s26, s19  }
.Ltmp14:
0x137: {  	_ = 	snop;
	(pc) =	sbr.rel @p0 .LBB2_32-.Ltmp14, $1  }
0x138: {  	_ =	sdelay $0x3  }
0x139: {  	_ =	swait.ge [sflag:s12], $0x2000  }
0x13a: {  	[sflag:s12] =	ssyncset.done $0x0  }
0x13b: {  	s0 =	sor.u32 $0x3, s26;
	[sflag:s12] =	ssyncadd.s32 $0xFFFFE000  }
0x13c: {  	p1 =	sge.u32 s0, s5;
	_ =	swait.ge [sflag:s12], $0x200  }
.Ltmp15:
0x13d: {  	p0 =	seq.s32 s13, $0x0;
	[sflag:s12] =	ssyncset.done $0x0;
	(pc) =	sbr.rel @p1 .LBB2_29-.Ltmp15, $4  }
0x13e: {  	s1 =	simm.s32 @!p0 $0x8;
	[sflag:s12] =	ssyncadd.s32 $0xFFFFFE00  }
0x13f: {  	_ =	swait.ge @!p0 [sflag:s1], $0x2000  }
0x140: {  	[sflag:s1] =	ssyncset.done @!p0 $0x0  }
0x141: {  	[sflag:s1] =	ssyncadd.s32 @!p0 $0xFFFFE000  }
0x142: {  	s0 =	sshll.u32 s0, $0x2;
	s1 =	rddreg [dreg:$0x6]  }
0x143: {  	s14 =	sadd.s32 s1, s0  }
0x144: {  	s24 =	sshll.u32 s14, $0x7  }
0x145: {  	s25 =	rddreg [dreg:$0x0];
	s23 =	sand.u32 $0x1FFFFE00, s24  }
0x146: {  	s0 =	simm.s32 $0x6C90;
	s30 =	sadd.s32 s25, s23  }
0x147: {  	s25 =	simm.s32 $0x6C00;
	s23 =	simm.s32 $0x10;
	s9 =	sadd.s32 $0x0, s30  }
.LBB2_25:
0x148: {  	[tilespmem:s25], [sflag:$0x4] =	stream.linear.gather [hbm4b:s9+s4], $0x80, $0x38;
	[tilespmem:$0x1E400] =	vst v63  }
0x149: {  	s1 =	smov.u32 s23;
	s25 =	smov.u32 s0;
	p0 =	sne.s32 s23, $0x1F0  }
.Ltmp16:
0x14a: {  	s23 =	sadd.s32 $0x10, s23;
	(pc) =	sbr.rel @p0 .LBB2_25-.Ltmp16, $2  }
0x14b: {  	_ =	sdelay $0x2  }
0x14c: {  	s0 =	sadd.s32 $0x90, s0;
	s9 =	sadd.s32 s1, s30  }
0x14d: {  	[tilespmem:s25], [sflag:$0x4] =	stream.linear.gather [hbm4b:s9+s4], $0x80, $0x38;
	[tilespmem:$0x1E400] =	vst v63  }
0x14e: {  	s0 =	sand.u32 $0x1FFFFF80, s24;
	s1 =	rddreg [dreg:$0x0]  }
0x14f: {  	s0 =	sadd.s32 s1, s0  }
0x150: {  	s25 =	simm.s32 $0x7E08;
	s24 =	sadd.s32 $0x30D400, s0  }
0x151: {  	s23 =	simm.s32 $0x10;
	s0 =	simm.s32 $0x7E98;
	s9 =	sadd.s32 $0x0, s24  }
.LBB2_27:
0x152: {  	[tilespmem:s25], [sflag:$0x4] =	stream.linear.gather [hbm4b:s9+s4], $0x80, $0x38;
	[tilespmem:$0x1E400] =	vst v63  }
0x153: {  	s1 =	smov.u32 s23;
	s25 =	smov.u32 s0;
	p0 =	sne.s32 s23, $0x1F0  }
.Ltmp17:
0x154: {  	s23 =	sadd.s32 $0x10, s23;
	(pc) =	sbr.rel @p0 .LBB2_27-.Ltmp17, $2  }
0x155: {  	_ =	sdelay $0x2  }
0x156: {  	s0 =	sadd.s32 $0x90, s0;
	s9 =	sadd.s32 s1, s24  }
0x157: {  	[tilespmem:s25], [sflag:$0x4] =	stream.linear.gather [hbm4b:s9+s4], $0x80, $0x38;
	[tilespmem:$0x1E400] =	vst v63  }
0x158: {  	s0 =	sshll.u32 s14, $0x5  }
0x159: {  	s0 =	sand.u32 $0x1FFFFF80, s0  }
0x15a: {  	s1 =	simm.s32 $0x100;
	s6 =	simm.s32 $0x11600;
	s0 =	sadd.s32 s0, s7  }
0x15b: {  	[tilespmem:s6], [sflag:$0x4] =	stream.strided.gather [hbm4b:s0+s22], $0x200, s1, s22, $0x38;
	[tilespmem:$0x1E400] =	vst v63  }
.LBB2_29:
0x15c: {  	s1 =	simm.s32 $0x0;
	s6 =	simm.s32 $0x1  }
0x15d: {  	s9 =	simm.s32 $0x2;
	s14 =	simm.s32 $0x3;
	s23 =	simm.s32 $0x7  }
0x15e: {  	s24 =	simm.s32 $0x5;
	s1 =	sand.u32 $0x18, s1;
	s9 =	sand.u32 $0x7A, s9  }
0x15f: {  	s25 =	simm.s32 $0x4;
	s23 =	sand.u32 $0x7F, s23;
	v4 =	vmov s1;
	s1 =	sand.u32 $0x79, s6;
	v5 =	vadd.s32 s9, v2  }
0x160: {  	s6 =	sand.u32 $0x7D, s24;
	v6 =	vadd.s32 s23, v2;
	s24 =	sand.u32 $0x7B, s14;
	s9 =	sand.u32 $0x7C, s25;
	v4 =	vmul.u32 $0x90, v4;
	v7 =	vadd.s32 s1, v2  }
0x161: {  	v8 =	vadd.s32 s6, v2;
	v10 =	vadd.s32 s24, v2;
	v11 =	vadd.s32 s9, v2  }
0x162: {  	s0 =	simm.s32 $0x0;
	v5 =	vand.u32 $0xF8, v5;
	v6 =	vand.u32 $0xF8, v6;
	v9 =	vbroadcast v4, $0x0  }
0x163: {  	s0 =	sand.u32 $0x78, s0;
	s25 =	simm.s32 $0x6;
	v10 =	vand.u32 $0xF8, v10;
	v11 =	vand.u32 $0xF8, v11;
	v8 =	vand.u32 $0xF8, v8  }
0x164: {  	v7 =	vand.u32 $0xF8, v7;
	v4 =	vor.u32 s0, v4;
	s0 =	sand.u32 $0x7E, s25;
	v9 =	vadd.s32 v3, v9  }
0x165: {  	s1 =	simm.s32 $0xA;
	v12 =	vadd.s32 s0, v2;
	v4 =	vbroadcast v4, $0x0;
	v5 =	vadd.s32 v5, v9  }
0x166: {  	s6 =	simm.s32 $0x0;
	s9 =	simm.s32 $0x9;
	s0 =	sand.u32 $0x7A, s1;
	v12 =	vand.u32 $0xF8, v12;
	v10 =	vadd.s32 v10, v9;
	v5 =	vor.u32 $0x2, v5  }
0x167: {  	s1 =	sand.u32 $0x18, s6;
	s6 =	sand.u32 $0x79, s9;
	v13 =	vadd.s32 s0, v2;
	v7 =	vadd.s32 v7, v9;
	v10 =	vor.u32 $0x3, v10  }
0x168: {  	v15 =	vadd.s32 s6, v2;
	v8 =	vadd.s32 v8, v9;
	v7 =	vor.u32 $0x1, v7  }
0x169: {  	s14 =	simm.s32 $0xF;
	v11 =	vadd.s32 v11, v9;
	v6 =	vadd.s32 v6, v9;
	v8 =	vor.u32 $0x5, v8  }
0x16a: {  	s23 =	simm.s32 $0xB;
	s0 =	sand.u32 $0x7F, s14;
	v9 =	vadd.s32 v12, v9;
	v14 =	vor.u32 $0x4, v11;
	v11 =	vmov s1  }
0x16b: {  	s24 =	simm.s32 $0xD;
	s9 =	sand.u32 $0x7B, s23;
	v18 =	vadd.s32 s0, v2;
	v6 =	vor.u32 $0x7, v6;
	v12 =	vmul.u32 $0x90, v11;
	v20 =	vld.idx.msk [tilespmem:v5+s15+$0x0], $0xffff  }
0x16c: {  	s30 =	simm.s32 $0x8;
	s25 =	simm.s32 $0xC;
	v19 =	vadd.s32 v1, v4;
	s1 =	sand.u32 $0x7D, s24;
	v22 =	vor.u32 $0x6, v9;
	v9 =	vadd.s32 s9, v2;
	v21 =	vld.idx.msk [tilespmem:v10+s15+$0x0], $0xffff  }
0x16d: {  	s23 =	sand.u32 $0x7C, s25;
	s24 =	sand.u32 $0x78, s30;
	v18 =	vand.u32 $0xF8, v18;
	v16 =	vadd.s32 s1, v2;
	v4 =	vbroadcast v12, $0x0;
	v11 =	vld.idx.msk [tilespmem:v7+s15+$0x0], $0xffff  }
0x16e: {  	v10 =	vadd.s32 s23, v2;
	v5 =	vor.u32 s24, v12;
	v7 =	vand.u32 $0xF8, v9;
	v8 =	vld.idx.msk [tilespmem:v8+s15+$0x0], $0xffff  }
0x16f: {  	s25 =	simm.s32 $0xE;
	v4 =	vadd.s32 v3, v4;
	v9 =	vld.idx.msk [tilespmem:v14+s15+$0x0], $0xffff;
	v12 =	vand.u32 $0xF8, v10;
	v10 =	vand.u32 $0xF8, v13  }
0x170: {  	s0 =	sand.u32 $0x7E, s25;
	v23 =	vand.u32 $0xF8, v16;
	v16 =	vand.u32 $0xF8, v15;
	s24 =	simm.s32 $0xB040;
	v14 =	vadd.s32 v10, v4;
	v10 =	vld.idx.msk [tilespmem:v6+s15+$0x0], $0xffff  }
0x171: {  	v17 =	vadd.s32 v7, v4;
	v15 =	vadd.s32 v23, v4;
	v7 =	vadd.s32 s0, v2;
	v6 =	vld.idx.msk [tilespmem:v19+s15+$0x0], $0xffff;
	[tilespmem:s24+$0xFFFFFFE0] =	vst v20  }
0x172: {  	s14 =	simm.s32 $0xB0C0;
	v13 =	vadd.s32 v12, v4;
	v12 =	vor.u32 $0x2, v14;
	v14 =	vand.u32 $0xF8, v7;
	v7 =	vld.idx.msk [tilespmem:v22+s15+$0x0], $0xffff;
	[tilespmem:s24+$0xFFFFFFF0] =	vst v21  }
.LBB2_30:
0x173: {  	s0 =	sadd.s32 $0x9, s30  }
0x174: {  	s1 =	sadd.s32 $0xA, s30;
	v16 =	vadd.s32 v16, v4;
	v17 =	vor.u32 $0x3, v17;
	v18 =	vadd.s32 v18, v4;
	[tilespmem:s24+$0xFFFFFFD0] =	vst v11;
	s6 =	smov.u32 s30;
	s30 =	sadd.s32 $0x8, s30  }
0x175: {  	v15 =	vor.u32 $0x5, v15;
	s9 =	sshrl.u32 s30, $0x4;
	s1 =	sand.u32 $0x7A, s1;
	s23 =	sadd.s32 $0xB, s6;
	v11 =	vor.u32 $0x1, v16;
	v18 =	vor.u32 $0x7, v18;
	[tilespmem:s24+$0x10] =	vst v8  }
0x176: {  	v5 =	vbroadcast v5, $0x0;
	v13 =	vor.u32 $0x4, v13;
	s0 =	sand.u32 $0x79, s0;
	s9 =	sand.u32 $0x18, s9;
	v16 =	vadd.s32 s1, v2;
	s1 =	sadd.s32 $0xF, s6;
	[tilespmem:s24+$0x0] =	vst v9  }
0x177: {  	v4 =	vadd.s32 v14, v4;
	s25 =	sadd.s32 $0xE, s6;
	v8 =	vmov s9;
	s9 =	sadd.s32 $0xD, s6;
	s1 =	sand.u32 $0x7F, s1;
	[tilespmem:s24+$0x30] =	vst v10  }
0x178: {  	s25 =	sand.u32 $0x7E, s25;
	v14 =	vadd.s32 v1, v5;
	s6 =	sadd.s32 $0xC, s6;
	v8 =	vmul.u32 $0x90, v8;
	s9 =	sand.u32 $0x7D, s9;
	v19 =	vadd.s32 s1, v2;
	v12 =	vld.idx.msk [tilespmem:v12+s15+$0x0], $0xffff;
	[tilespmem:s24+$0xFFFFFFC0] =	vst v6  }
0x179: {  	p0 =	slt.u32 s30, $0x1F8;
	v21 =	vor.u32 $0x6, v4;
	v6 =	vadd.s32 s0, v2;
	s0 =	sand.u32 $0x7B, s23;
	s1 =	sand.u32 $0x7C, s6;
	v9 =	vadd.s32 s9, v2;
	v20 =	vld.idx.msk [tilespmem:v17+s15+$0x0], $0xffff;
	[tilespmem:s24+$0x20] =	vst v7  }
0x17a: {  	s6 =	sand.u32 $0x78, s30;
	v7 =	vadd.s32 s0, v2;
	v10 =	vadd.s32 s1, v2;
	s24 =	smov.u32 s14;
	v4 =	vbroadcast v8, $0x0;
	v11 =	vld.idx.msk [tilespmem:v11+s15+$0x0], $0xffff  }
.Ltmp18:
0x17b: {  	v5 =	vor.u32 s6, v8;
	v7 =	vand.u32 $0xF8, v7;
	v22 =	vand.u32 $0xF8, v10;
	v8 =	vld.idx.msk [tilespmem:v15+s15+$0x0], $0xffff;
	(pc) =	sbr.rel @p0 .LBB2_30-.Ltmp18, $4  }
0x17c: {  	v10 =	vand.u32 $0xF8, v16;
	v15 =	vand.u32 $0xF8, v9;
	v4 =	vadd.s32 v3, v4;
	v9 =	vld.idx.msk [tilespmem:v13+s15+$0x0], $0xffff  }
0x17d: {  	v16 =	vand.u32 $0xF8, v6;
	v23 =	vadd.s32 v10, v4;
	v17 =	vadd.s32 v7, v4;
	v10 =	vld.idx.msk [tilespmem:v18+s15+$0x0], $0xffff  }
0x17e: {  	v13 =	vadd.s32 v22, v4;
	v15 =	vadd.s32 v15, v4;
	v7 =	vadd.s32 s25, v2;
	v6 =	vld.idx.msk [tilespmem:v14+s15+$0x0], $0xffff;
	[tilespmem:s14+$0xFFFFFFE0] =	vst v12  }
0x17f: {  	v18 =	vand.u32 $0xF8, v19;
	v12 =	vor.u32 $0x2, v23;
	v14 =	vand.u32 $0xF8, v7;
	s14 =	sadd.s32 $0x80, s14;
	[tilespmem:s24+$0xFFFFFFF0] =	vst v20;
	v7 =	vld.idx.msk [tilespmem:v21+s15+$0x0], $0xffff  }
0x180: {  	v17 =	vor.u32 $0x3, v17  }
0x181: {  	v15 =	vor.u32 $0x5, v15  }
0x182: {  	v16 =	vadd.s32 v16, v4;
	v56 =	vor.u32 $0x4, v13  }
0x183: {  	v18 =	vadd.s32 v18, v4;
	[tilespmem:s24+$0xFFFFFFD0] =	vst v11;
	v16 =	vor.u32 $0x1, v16  }
0x184: {  	v5 =	vbroadcast v5, $0x0;
	[tilespmem:s24+$0x10] =	vst v8;
	v58 =	vld.idx.msk [tilespmem:v12+s15+$0x0], $0xffff;
	v4 =	vadd.s32 v14, v4;
	v57 =	vor.u32 $0x7, v18  }
0x185: {  	[tilespmem:s24+$0x0] =	vst v9;
	v4 =	vor.u32 $0x6, v4;
	v59 =	vld.idx.msk [tilespmem:v17+s15+$0x0], $0xffff  }
0x186: {  	v5 =	vadd.s32 v1, v5;
	[tilespmem:s24+$0x30] =	vst v10;
	v61 =	vld.idx.msk [tilespmem:v15+s15+$0x0], $0xffff  }
0x187: {  	[tilespmem:s24+$0xFFFFFFC0] =	vst v6;
	v62 =	vld.idx.msk [tilespmem:v56+s15+$0x0], $0xffff  }
0x188: {  	[tilespmem:s24+$0x20] =	vst v7;
	v60 =	vld.idx.msk [tilespmem:v16+s15+$0x0], $0xffff  }
0x189: {  	[tilespmem:s14+$0xFFFFFFE0] =	vst v58;
	v63 =	vld.idx.msk [tilespmem:v57+s15+$0x0], $0xffff  }
0x18a: {  	v4 =	vld.idx.msk [tilespmem:v4+s15+$0x0], $0xffff;
	[tilespmem:s14+$0xFFFFFFF0] =	vst v59  }
0x18b: {  	v5 =	vld.idx.msk [tilespmem:v5+s15+$0x0], $0xffff;
	[tilespmem:s14+$0x10] =	vst v61  }
0x18c: {  	[tilespmem:s14+$0x0] =	vst v62  }
0x18d: {  	[tilespmem:s14+$0xFFFFFFD0] =	vst v60  }
0x18e: {  	[tilespmem:s14+$0x30] =	vst v63  }
0x18f: {  	[tilespmem:s14+$0x20] =	vst v4  }
0x190: {  	s0 =	simm.s32 $0x11200;
	s1 =	simm.s32 $0xB000;
	[tilespmem:s14+$0xFFFFFFC0] =	vst v5  }
0x191: {  	[spmem:s3] =	stream.indirect.scatter.add.f32 [tilespmem:s1], [sflag:$0x6], $0x10, s0, s22, $0xb8;
	[tilespmem:$0x1E400] =	vst v63  }
0x192: {  	s9 =	simm.s32 $0x11280;
	s14 =	simm.s32 $0xB800  }
0x193: {  	[spmem:s3] =	stream.indirect.scatter.add.f32 [tilespmem:s14], [sflag:$0x6], $0x10, s9, s22, $0xb8;
	[tilespmem:$0x1E400] =	vst v63  }
0x194: {  	s23 =	simm.s32 $0x11300;
	s24 =	simm.s32 $0xC000  }
0x195: {  	[spmem:s3] =	stream.indirect.scatter.add.f32 [tilespmem:s24], [sflag:$0x6], $0x10, s23, s22, $0xb8;
	[tilespmem:$0x1E400] =	vst v63  }
0x196: {  	s25 =	simm.s32 $0x11380;
	s30 =	simm.s32 $0xC800  }
0x197: {  	[spmem:s3] =	stream.indirect.scatter.add.f32 [tilespmem:s30], [sflag:$0x6], $0x10, s25, s22, $0xb8;
	[tilespmem:$0x1E400] =	vst v63  }
.LBB2_32:
0x198: {  	p0 =	sge.u32 s26, s20  }
.Ltmp19:
0x199: {  	_ = 	snop;
	(pc) =	sbr.rel @p0 .LBB2_42-.Ltmp19, $1  }
0x19a: {  	_ =	sdelay $0x3  }
0x19b: {  	_ =	swait.ge [sflag:s31], $0x2000  }
0x19c: {  	[sflag:s31] =	ssyncset.done $0x0  }
0x19d: {  	s0 =	sadd.s32 $0x4, s26;
	[sflag:s31] =	ssyncadd.s32 $0xFFFFE000  }
0x19e: {  	p0 =	sge.u32 s0, s5;
	_ =	swait.ge [sflag:s31], $0x200  }
.Ltmp20:
0x19f: {  	[sflag:s31] =	ssyncset.done $0x0;
	(pc) =	sbr.rel @p0 .LBB2_39-.Ltmp20, $4  }
0x1a0: {  	s1 =	simm.s32 $0x5;
	[sflag:s31] =	ssyncadd.s32 $0xFFFFFE00  }
0x1a1: {  	_ =	swait.ge [sflag:s1], $0x2000  }
0x1a2: {  	[sflag:s1] =	ssyncset.done $0x0  }
0x1a3: {  	[sflag:s1] =	ssyncadd.s32 $0xFFFFE000  }
0x1a4: {  	s0 =	sshll.u32 s0, $0x2;
	s1 =	rddreg [dreg:$0x6]  }
0x1a5: {  	s14 =	sadd.s32 s1, s0  }
0x1a6: {  	s24 =	sshll.u32 s14, $0x7  }
0x1a7: {  	s25 =	rddreg [dreg:$0x0];
	s23 =	sand.u32 $0x1FFFFC00, s24  }
0x1a8: {  	s0 =	simm.s32 $0x90;
	s30 =	sadd.s32 s25, s23  }
0x1a9: {  	s25 =	simm.s32 $0x0;
	s23 =	simm.s32 $0x10;
	s9 =	sadd.s32 $0x0, s30  }
.LBB2_35:
0x1aa: {  	[tilespmem:s25], [sflag:$0x1] =	stream.linear.gather [hbm4b:s9+s4], $0x80, $0x38;
	[tilespmem:$0x1E400] =	vst v63  }
0x1ab: {  	s1 =	smov.u32 s23;
	s25 =	smov.u32 s0;
	p0 =	sne.s32 s23, $0x1F0  }
.Ltmp21:
0x1ac: {  	s23 =	sadd.s32 $0x10, s23;
	(pc) =	sbr.rel @p0 .LBB2_35-.Ltmp21, $2  }
0x1ad: {  	_ =	sdelay $0x2  }
0x1ae: {  	s0 =	sadd.s32 $0x90, s0;
	s9 =	sadd.s32 s1, s30  }
0x1af: {  	[tilespmem:s25], [sflag:$0x1] =	stream.linear.gather [hbm4b:s9+s4], $0x80, $0x38;
	[tilespmem:$0x1E400] =	vst v63  }
0x1b0: {  	s0 =	sand.u32 $0x1FFFFF80, s24;
	s1 =	rddreg [dreg:$0x0]  }
0x1b1: {  	s0 =	sadd.s32 s1, s0  }
0x1b2: {  	s25 =	simm.s32 $0x1208;
	s24 =	sadd.s32 $0x30D400, s0  }
0x1b3: {  	s23 =	simm.s32 $0x10;
	s0 =	simm.s32 $0x1298;
	s9 =	sadd.s32 $0x0, s24  }
.LBB2_37:
0x1b4: {  	[tilespmem:s25], [sflag:$0x1] =	stream.linear.gather [hbm4b:s9+s4], $0x80, $0x38;
	[tilespmem:$0x1E400] =	vst v63  }
0x1b5: {  	s1 =	smov.u32 s23;
	s25 =	smov.u32 s0;
	p0 =	sne.s32 s23, $0x1F0  }
.Ltmp22:
0x1b6: {  	s23 =	sadd.s32 $0x10, s23;
	(pc) =	sbr.rel @p0 .LBB2_37-.Ltmp22, $2  }
0x1b7: {  	_ =	sdelay $0x2  }
0x1b8: {  	s0 =	sadd.s32 $0x90, s0;
	s9 =	sadd.s32 s1, s24  }
0x1b9: {  	[tilespmem:s25], [sflag:$0x1] =	stream.linear.gather [hbm4b:s9+s4], $0x80, $0x38;
	[tilespmem:$0x1E400] =	vst v63  }
0x1ba: {  	s0 =	sshll.u32 s14, $0x5  }
0x1bb: {  	s0 =	sand.u32 $0x1FFFFF00, s0  }
0x1bc: {  	s1 =	simm.s32 $0x100;
	s6 =	simm.s32 $0x11000;
	s0 =	sadd.s32 s0, s7  }
0x1bd: {  	[tilespmem:s6], [sflag:$0x1] =	stream.strided.gather [hbm4b:s0+s22], $0x200, s1, s22, $0x38;
	[tilespmem:$0x1E400] =	vst v63  }
.LBB2_39:
0x1be: {  	s1 =	simm.s32 $0x0;
	s6 =	simm.s32 $0x1  }
0x1bf: {  	s9 =	simm.s32 $0x2;
	s14 =	simm.s32 $0x3;
	s23 =	simm.s32 $0x7  }
0x1c0: {  	s24 =	simm.s32 $0x5;
	s1 =	sand.u32 $0x18, s1;
	s9 =	sand.u32 $0x7A, s9  }
0x1c1: {  	s25 =	simm.s32 $0x4;
	s23 =	sand.u32 $0x7F, s23;
	v4 =	vmov s1;
	s1 =	sand.u32 $0x79, s6;
	v5 =	vadd.s32 s9, v2  }
0x1c2: {  	s6 =	sand.u32 $0x7D, s24;
	v6 =	vadd.s32 s23, v2;
	s24 =	sand.u32 $0x7B, s14;
	s9 =	sand.u32 $0x7C, s25;
	v4 =	vmul.u32 $0x90, v4;
	v7 =	vadd.s32 s1, v2  }
0x1c3: {  	v8 =	vadd.s32 s6, v2;
	v10 =	vadd.s32 s24, v2;
	v11 =	vadd.s32 s9, v2  }
0x1c4: {  	s0 =	simm.s32 $0x0;
	v5 =	vand.u32 $0xF8, v5;
	v6 =	vand.u32 $0xF8, v6;
	v9 =	vbroadcast v4, $0x0  }
0x1c5: {  	s0 =	sand.u32 $0x78, s0;
	s25 =	simm.s32 $0x6;
	v10 =	vand.u32 $0xF8, v10;
	v11 =	vand.u32 $0xF8, v11;
	v8 =	vand.u32 $0xF8, v8  }
0x1c6: {  	v7 =	vand.u32 $0xF8, v7;
	v4 =	vor.u32 s0, v4;
	s0 =	sand.u32 $0x7E, s25;
	v9 =	vadd.s32 v3, v9  }
0x1c7: {  	s1 =	simm.s32 $0xA;
	v12 =	vadd.s32 s0, v2;
	v4 =	vbroadcast v4, $0x0;
	v5 =	vadd.s32 v5, v9  }
0x1c8: {  	s6 =	simm.s32 $0x0;
	s9 =	simm.s32 $0x9;
	s0 =	sand.u32 $0x7A, s1;
	v12 =	vand.u32 $0xF8, v12;
	v10 =	vadd.s32 v10, v9;
	v5 =	vor.u32 $0x2, v5  }
0x1c9: {  	s1 =	sand.u32 $0x18, s6;
	s6 =	sand.u32 $0x79, s9;
	v13 =	vadd.s32 s0, v2;
	v7 =	vadd.s32 v7, v9;
	v10 =	vor.u32 $0x3, v10  }
0x1ca: {  	v15 =	vadd.s32 s6, v2;
	v8 =	vadd.s32 v8, v9;
	v7 =	vor.u32 $0x1, v7  }
0x1cb: {  	s14 =	simm.s32 $0xF;
	v11 =	vadd.s32 v11, v9;
	v6 =	vadd.s32 v6, v9;
	v8 =	vor.u32 $0x5, v8  }
0x1cc: {  	s23 =	simm.s32 $0xB;
	s0 =	sand.u32 $0x7F, s14;
	v9 =	vadd.s32 v12, v9;
	v14 =	vor.u32 $0x4, v11;
	v11 =	vmov s1  }
0x1cd: {  	s24 =	simm.s32 $0xD;
	s9 =	sand.u32 $0x7B, s23;
	v18 =	vadd.s32 s0, v2;
	v6 =	vor.u32 $0x7, v6;
	v12 =	vmul.u32 $0x90, v11;
	v20 =	vld.idx.msk [tilespmem:v5+s2+$0x0], $0xffff  }
0x1ce: {  	s30 =	simm.s32 $0x8;
	s25 =	simm.s32 $0xC;
	v19 =	vadd.s32 v1, v4;
	s1 =	sand.u32 $0x7D, s24;
	v22 =	vor.u32 $0x6, v9;
	v9 =	vadd.s32 s9, v2;
	v21 =	vld.idx.msk [tilespmem:v10+s2+$0x0], $0xffff  }
0x1cf: {  	s23 =	sand.u32 $0x7C, s25;
	s24 =	sand.u32 $0x78, s30;
	v18 =	vand.u32 $0xF8, v18;
	v16 =	vadd.s32 s1, v2;
	v4 =	vbroadcast v12, $0x0;
	v11 =	vld.idx.msk [tilespmem:v7+s2+$0x0], $0xffff  }
0x1d0: {  	v10 =	vadd.s32 s23, v2;
	v5 =	vor.u32 s24, v12;
	v7 =	vand.u32 $0xF8, v9;
	v8 =	vld.idx.msk [tilespmem:v8+s2+$0x0], $0xffff  }
0x1d1: {  	s25 =	simm.s32 $0xE;
	v4 =	vadd.s32 v3, v4;
	v9 =	vld.idx.msk [tilespmem:v14+s2+$0x0], $0xffff;
	v12 =	vand.u32 $0xF8, v10;
	v10 =	vand.u32 $0xF8, v13  }
0x1d2: {  	s0 =	sand.u32 $0x7E, s25;
	v23 =	vand.u32 $0xF8, v16;
	v16 =	vand.u32 $0xF8, v15;
	s24 =	simm.s32 $0xD040;
	v14 =	vadd.s32 v10, v4;
	v10 =	vld.idx.msk [tilespmem:v6+s2+$0x0], $0xffff  }
0x1d3: {  	v17 =	vadd.s32 v7, v4;
	v15 =	vadd.s32 v23, v4;
	v7 =	vadd.s32 s0, v2;
	v6 =	vld.idx.msk [tilespmem:v19+s2+$0x0], $0xffff;
	[tilespmem:s24+$0xFFFFFFE0] =	vst v20  }
0x1d4: {  	s14 =	simm.s32 $0xD0C0;
	v13 =	vadd.s32 v12, v4;
	v12 =	vor.u32 $0x2, v14;
	v14 =	vand.u32 $0xF8, v7;
	v7 =	vld.idx.msk [tilespmem:v22+s2+$0x0], $0xffff;
	[tilespmem:s24+$0xFFFFFFF0] =	vst v21  }
.LBB2_40:
0x1d5: {  	s0 =	sadd.s32 $0x9, s30  }
0x1d6: {  	s1 =	sadd.s32 $0xA, s30;
	v16 =	vadd.s32 v16, v4;
	v17 =	vor.u32 $0x3, v17;
	v18 =	vadd.s32 v18, v4;
	[tilespmem:s24+$0xFFFFFFD0] =	vst v11;
	s6 =	smov.u32 s30;
	s30 =	sadd.s32 $0x8, s30  }
0x1d7: {  	v15 =	vor.u32 $0x5, v15;
	s9 =	sshrl.u32 s30, $0x4;
	s1 =	sand.u32 $0x7A, s1;
	s23 =	sadd.s32 $0xB, s6;
	v11 =	vor.u32 $0x1, v16;
	v18 =	vor.u32 $0x7, v18;
	[tilespmem:s24+$0x10] =	vst v8  }
0x1d8: {  	v5 =	vbroadcast v5, $0x0;
	v13 =	vor.u32 $0x4, v13;
	s0 =	sand.u32 $0x79, s0;
	s9 =	sand.u32 $0x18, s9;
	v16 =	vadd.s32 s1, v2;
	s1 =	sadd.s32 $0xF, s6;
	[tilespmem:s24+$0x0] =	vst v9  }
0x1d9: {  	v4 =	vadd.s32 v14, v4;
	s25 =	sadd.s32 $0xE, s6;
	v8 =	vmov s9;
	s9 =	sadd.s32 $0xD, s6;
	s1 =	sand.u32 $0x7F, s1;
	[tilespmem:s24+$0x30] =	vst v10  }
0x1da: {  	s25 =	sand.u32 $0x7E, s25;
	v14 =	vadd.s32 v1, v5;
	s6 =	sadd.s32 $0xC, s6;
	v8 =	vmul.u32 $0x90, v8;
	s9 =	sand.u32 $0x7D, s9;
	v19 =	vadd.s32 s1, v2;
	v12 =	vld.idx.msk [tilespmem:v12+s2+$0x0], $0xffff;
	[tilespmem:s24+$0xFFFFFFC0] =	vst v6  }
0x1db: {  	p0 =	slt.u32 s30, $0x1F8;
	v21 =	vor.u32 $0x6, v4;
	v6 =	vadd.s32 s0, v2;
	s0 =	sand.u32 $0x7B, s23;
	s1 =	sand.u32 $0x7C, s6;
	v9 =	vadd.s32 s9, v2;
	v20 =	vld.idx.msk [tilespmem:v17+s2+$0x0], $0xffff;
	[tilespmem:s24+$0x20] =	vst v7  }
0x1dc: {  	s6 =	sand.u32 $0x78, s30;
	v7 =	vadd.s32 s0, v2;
	v10 =	vadd.s32 s1, v2;
	s24 =	smov.u32 s14;
	v4 =	vbroadcast v8, $0x0;
	v11 =	vld.idx.msk [tilespmem:v11+s2+$0x0], $0xffff  }
.Ltmp23:
0x1dd: {  	v5 =	vor.u32 s6, v8;
	v7 =	vand.u32 $0xF8, v7;
	v22 =	vand.u32 $0xF8, v10;
	v8 =	vld.idx.msk [tilespmem:v15+s2+$0x0], $0xffff;
	(pc) =	sbr.rel @p0 .LBB2_40-.Ltmp23, $4  }
0x1de: {  	v10 =	vand.u32 $0xF8, v16;
	v15 =	vand.u32 $0xF8, v9;
	v4 =	vadd.s32 v3, v4;
	v9 =	vld.idx.msk [tilespmem:v13+s2+$0x0], $0xffff  }
0x1df: {  	v16 =	vand.u32 $0xF8, v6;
	v23 =	vadd.s32 v10, v4;
	v17 =	vadd.s32 v7, v4;
	v10 =	vld.idx.msk [tilespmem:v18+s2+$0x0], $0xffff  }
0x1e0: {  	v13 =	vadd.s32 v22, v4;
	v15 =	vadd.s32 v15, v4;
	v7 =	vadd.s32 s25, v2;
	v6 =	vld.idx.msk [tilespmem:v14+s2+$0x0], $0xffff;
	[tilespmem:s14+$0xFFFFFFE0] =	vst v12  }
0x1e1: {  	v18 =	vand.u32 $0xF8, v19;
	v12 =	vor.u32 $0x2, v23;
	v14 =	vand.u32 $0xF8, v7;
	s14 =	sadd.s32 $0x80, s14;
	[tilespmem:s24+$0xFFFFFFF0] =	vst v20;
	v7 =	vld.idx.msk [tilespmem:v21+s2+$0x0], $0xffff  }
0x1e2: {  	v17 =	vor.u32 $0x3, v17  }
0x1e3: {  	v15 =	vor.u32 $0x5, v15  }
0x1e4: {  	v16 =	vadd.s32 v16, v4;
	v56 =	vor.u32 $0x4, v13  }
0x1e5: {  	v18 =	vadd.s32 v18, v4;
	[tilespmem:s24+$0xFFFFFFD0] =	vst v11;
	v16 =	vor.u32 $0x1, v16  }
0x1e6: {  	v5 =	vbroadcast v5, $0x0;
	[tilespmem:s24+$0x10] =	vst v8;
	v58 =	vld.idx.msk [tilespmem:v12+s2+$0x0], $0xffff;
	v4 =	vadd.s32 v14, v4;
	v57 =	vor.u32 $0x7, v18  }
0x1e7: {  	[tilespmem:s24+$0x0] =	vst v9;
	v4 =	vor.u32 $0x6, v4;
	v59 =	vld.idx.msk [tilespmem:v17+s2+$0x0], $0xffff  }
0x1e8: {  	v5 =	vadd.s32 v1, v5;
	[tilespmem:s24+$0x30] =	vst v10;
	v61 =	vld.idx.msk [tilespmem:v15+s2+$0x0], $0xffff  }
0x1e9: {  	[tilespmem:s24+$0xFFFFFFC0] =	vst v6;
	v62 =	vld.idx.msk [tilespmem:v56+s2+$0x0], $0xffff  }
0x1ea: {  	[tilespmem:s24+$0x20] =	vst v7;
	v60 =	vld.idx.msk [tilespmem:v16+s2+$0x0], $0xffff  }
0x1eb: {  	[tilespmem:s14+$0xFFFFFFE0] =	vst v58;
	v63 =	vld.idx.msk [tilespmem:v57+s2+$0x0], $0xffff  }
0x1ec: {  	v4 =	vld.idx.msk [tilespmem:v4+s2+$0x0], $0xffff;
	[tilespmem:s14+$0xFFFFFFF0] =	vst v59  }
0x1ed: {  	v5 =	vld.idx.msk [tilespmem:v5+s2+$0x0], $0xffff;
	[tilespmem:s14+$0x10] =	vst v61  }
0x1ee: {  	[tilespmem:s14+$0x0] =	vst v62  }
0x1ef: {  	[tilespmem:s14+$0xFFFFFFD0] =	vst v60  }
0x1f0: {  	[tilespmem:s14+$0x30] =	vst v63  }
0x1f1: {  	[tilespmem:s14+$0x20] =	vst v4  }
0x1f2: {  	s0 =	simm.s32 $0x11400;
	s1 =	simm.s32 $0xD000;
	[tilespmem:s14+$0xFFFFFFC0] =	vst v5  }
0x1f3: {  	[spmem:s3] =	stream.indirect.scatter.add.f32 [tilespmem:s1], [sflag:$0x7], $0x10, s0, s22, $0xb8;
	[tilespmem:$0x1E400] =	vst v63  }
0x1f4: {  	s9 =	simm.s32 $0x11480;
	s14 =	simm.s32 $0xD800  }
0x1f5: {  	[spmem:s3] =	stream.indirect.scatter.add.f32 [tilespmem:s14], [sflag:$0x7], $0x10, s9, s22, $0xb8;
	[tilespmem:$0x1E400] =	vst v63  }
0x1f6: {  	s23 =	simm.s32 $0x11500;
	s24 =	simm.s32 $0xE000  }
0x1f7: {  	[spmem:s3] =	stream.indirect.scatter.add.f32 [tilespmem:s24], [sflag:$0x7], $0x10, s23, s22, $0xb8;
	[tilespmem:$0x1E400] =	vst v63  }
0x1f8: {  	s25 =	simm.s32 $0x11580;
	s30 =	simm.s32 $0xE800  }
0x1f9: {  	[spmem:s3] =	stream.indirect.scatter.add.f32 [tilespmem:s30], [sflag:$0x7], $0x10, s25, s22, $0xb8;
	[tilespmem:$0x1E400] =	vst v63  }
.LBB2_42:
0x1fa: {  	p0 =	sge.u32 s26, s21  }
.Ltmp24:
0x1fb: {  	_ = 	snop;
	(pc) =	sbr.rel @p0 .LBB2_52-.Ltmp24, $1  }
0x1fc: {  	_ =	sdelay $0x3  }
0x1fd: {  	_ =	swait.ge [sflag:s16], $0x2000  }
0x1fe: {  	[sflag:s16] =	ssyncset.done $0x0  }
0x1ff: {  	s0 =	sadd.s32 $0x5, s26;
	[sflag:s16] =	ssyncadd.s32 $0xFFFFE000  }
0x200: {  	p0 =	sge.u32 s0, s5;
	_ =	swait.ge [sflag:s16], $0x200  }
.Ltmp25:
0x201: {  	[sflag:s16] =	ssyncset.done $0x0;
	(pc) =	sbr.rel @p0 .LBB2_49-.Ltmp25, $4  }
0x202: {  	s1 =	simm.s32 $0x6;
	[sflag:s16] =	ssyncadd.s32 $0xFFFFFE00  }
0x203: {  	_ =	swait.ge [sflag:s1], $0x2000  }
0x204: {  	[sflag:s1] =	ssyncset.done $0x0  }
0x205: {  	[sflag:s1] =	ssyncadd.s32 $0xFFFFE000  }
0x206: {  	s0 =	sshll.u32 s0, $0x2;
	s1 =	rddreg [dreg:$0x6]  }
0x207: {  	s14 =	sadd.s32 s1, s0  }
0x208: {  	s24 =	sshll.u32 s14, $0x7  }
0x209: {  	s30 =	rddreg [dreg:$0x0];
	s26 =	sand.u32 $0x1FFFFE00, s24  }
0x20a: {  	s25 =	simm.s32 $0x2400;
	s26 =	sadd.s32 s30, s26  }
0x20b: {  	s23 =	simm.s32 $0x10;
	s0 =	simm.s32 $0x2490;
	s9 =	sadd.s32 $0x0, s26  }
.LBB2_45:
0x20c: {  	[tilespmem:s25], [sflag:$0x2] =	stream.linear.gather [hbm4b:s9+s4], $0x80, $0x38;
	[tilespmem:$0x1E400] =	vst v63  }
0x20d: {  	s1 =	smov.u32 s23;
	s25 =	smov.u32 s0;
	p0 =	sne.s32 s23, $0x1F0  }
.Ltmp26:
0x20e: {  	s23 =	sadd.s32 $0x10, s23;
	(pc) =	sbr.rel @p0 .LBB2_45-.Ltmp26, $2  }
0x20f: {  	_ =	sdelay $0x2  }
0x210: {  	s0 =	sadd.s32 $0x90, s0;
	s9 =	sadd.s32 s1, s26  }
0x211: {  	[tilespmem:s25], [sflag:$0x2] =	stream.linear.gather [hbm4b:s9+s4], $0x80, $0x38;
	[tilespmem:$0x1E400] =	vst v63  }
0x212: {  	s0 =	sand.u32 $0x1FFFFF80, s24;
	s1 =	rddreg [dreg:$0x0]  }
0x213: {  	s0 =	sadd.s32 s1, s0  }
0x214: {  	s25 =	simm.s32 $0x3608;
	s24 =	sadd.s32 $0x30D400, s0  }
0x215: {  	s23 =	simm.s32 $0x10;
	s0 =	simm.s32 $0x3698;
	s9 =	sadd.s32 $0x0, s24  }
.LBB2_47:
0x216: {  	[tilespmem:s25], [sflag:$0x2] =	stream.linear.gather [hbm4b:s9+s4], $0x80, $0x38;
	[tilespmem:$0x1E400] =	vst v63  }
0x217: {  	s1 =	smov.u32 s23;
	s25 =	smov.u32 s0;
	p0 =	sne.s32 s23, $0x1F0  }
.Ltmp27:
0x218: {  	s23 =	sadd.s32 $0x10, s23;
	(pc) =	sbr.rel @p0 .LBB2_47-.Ltmp27, $2  }
0x219: {  	_ =	sdelay $0x2  }
0x21a: {  	s0 =	sadd.s32 $0x90, s0;
	s9 =	sadd.s32 s1, s24  }
0x21b: {  	[tilespmem:s25], [sflag:$0x2] =	stream.linear.gather [hbm4b:s9+s4], $0x80, $0x38;
	[tilespmem:$0x1E400] =	vst v63  }
0x21c: {  	s0 =	sshll.u32 s14, $0x5  }
0x21d: {  	s0 =	sand.u32 $0x1FFFFF80, s0  }
0x21e: {  	s1 =	simm.s32 $0x100;
	s6 =	simm.s32 $0x11200;
	s0 =	sadd.s32 s0, s7  }
0x21f: {  	[tilespmem:s6], [sflag:$0x2] =	stream.strided.gather [hbm4b:s0+s22], $0x200, s1, s22, $0x38;
	[tilespmem:$0x1E400] =	vst v63  }
.LBB2_49:
0x220: {  	s1 =	simm.s32 $0x0;
	s6 =	simm.s32 $0x1  }
0x221: {  	s9 =	simm.s32 $0x2;
	s14 =	simm.s32 $0x3;
	s23 =	simm.s32 $0x7  }
0x222: {  	s25 =	simm.s32 $0x5;
	s1 =	sand.u32 $0x18, s1;
	s9 =	sand.u32 $0x7A, s9  }
0x223: {  	s26 =	simm.s32 $0x4;
	s24 =	sand.u32 $0x79, s6;
	s23 =	sand.u32 $0x7F, s23;
	v4 =	vmov s1;
	v5 =	vadd.s32 s9, v2  }
0x224: {  	s6 =	sand.u32 $0x7D, s25;
	s30 =	sand.u32 $0x7B, s14;
	v6 =	vadd.s32 s23, v2;
	v7 =	vadd.s32 s24, v2;
	s9 =	sand.u32 $0x7C, s26;
	v4 =	vmul.u32 $0x90, v4  }
0x225: {  	v8 =	vadd.s32 s6, v2;
	v10 =	vadd.s32 s30, v2;
	v11 =	vadd.s32 s9, v2  }
0x226: {  	s0 =	simm.s32 $0x0;
	v10 =	vand.u32 $0xF8, v10;
	v5 =	vand.u32 $0xF8, v5;
	v9 =	vbroadcast v4, $0x0  }
0x227: {  	s0 =	sand.u32 $0x78, s0;
	s6 =	simm.s32 $0x6;
	v8 =	vand.u32 $0xF8, v8;
	v7 =	vand.u32 $0xF8, v7;
	v6 =	vand.u32 $0xF8, v6  }
0x228: {  	s23 =	simm.s32 $0x9;
	v11 =	vand.u32 $0xF8, v11;
	v4 =	vor.u32 s0, v4;
	s0 =	sand.u32 $0x7E, s6;
	v9 =	vadd.s32 v3, v9  }
0x229: {  	s6 =	sand.u32 $0x79, s23;
	v12 =	vadd.s32 s0, v2;
	v4 =	vbroadcast v4, $0x0;
	v5 =	vadd.s32 v5, v9  }
0x22a: {  	s9 =	simm.s32 $0xA;
	v15 =	vadd.s32 s6, v2;
	v10 =	vadd.s32 v10, v9;
	v5 =	vor.u32 $0x2, v5  }
0x22b: {  	s0 =	sand.u32 $0x7A, s9;
	v12 =	vand.u32 $0xF8, v12;
	v7 =	vadd.s32 v7, v9;
	v10 =	vor.u32 $0x3, v10  }
0x22c: {  	s14 =	simm.s32 $0x0;
	v13 =	vadd.s32 s0, v2;
	v8 =	vadd.s32 v8, v9;
	v7 =	vor.u32 $0x1, v7  }
0x22d: {  	s1 =	sand.u32 $0x18, s14;
	s24 =	simm.s32 $0xF;
	v11 =	vadd.s32 v11, v9;
	v6 =	vadd.s32 v6, v9;
	v8 =	vor.u32 $0x5, v8  }
0x22e: {  	s25 =	simm.s32 $0xB;
	s0 =	sand.u32 $0x7F, s24;
	v9 =	vadd.s32 v12, v9;
	v14 =	vor.u32 $0x4, v11;
	v11 =	vmov s1  }
0x22f: {  	s26 =	simm.s32 $0xD;
	s23 =	sand.u32 $0x7B, s25;
	v18 =	vadd.s32 s0, v2;
	v6 =	vor.u32 $0x7, v6;
	v12 =	vmul.u32 $0x90, v11;
	v20 =	vld.idx.msk [tilespmem:v5+s11+$0x0], $0xffff  }
0x230: {  	s30 =	simm.s32 $0xC;
	v19 =	vadd.s32 v1, v4;
	s1 =	sand.u32 $0x7D, s26;
	s26 =	simm.s32 $0x8;
	v22 =	vor.u32 $0x6, v9;
	v9 =	vadd.s32 s23, v2;
	v21 =	vld.idx.msk [tilespmem:v10+s11+$0x0], $0xffff  }
0x231: {  	s24 =	sand.u32 $0x7C, s30;
	v18 =	vand.u32 $0xF8, v18;
	v16 =	vadd.s32 s1, v2;
	s25 =	sand.u32 $0x78, s26;
	v4 =	vbroadcast v12, $0x0;
	v11 =	vld.idx.msk [tilespmem:v7+s11+$0x0], $0xffff  }
0x232: {  	v10 =	vadd.s32 s24, v2;
	v5 =	vor.u32 s25, v12;
	v7 =	vand.u32 $0xF8, v9;
	v8 =	vld.idx.msk [tilespmem:v8+s11+$0x0], $0xffff  }
0x233: {  	s30 =	simm.s32 $0xE;
	v4 =	vadd.s32 v3, v4;
	v9 =	vld.idx.msk [tilespmem:v14+s11+$0x0], $0xffff;
	v12 =	vand.u32 $0xF8, v10;
	v10 =	vand.u32 $0xF8, v13  }
0x234: {  	s0 =	sand.u32 $0x7E, s30;
	v23 =	vand.u32 $0xF8, v16;
	v16 =	vand.u32 $0xF8, v15;
	s24 =	simm.s32 $0xF040;
	v14 =	vadd.s32 v10, v4;
	v10 =	vld.idx.msk [tilespmem:v6+s11+$0x0], $0xffff  }
0x235: {  	v17 =	vadd.s32 v7, v4;
	v15 =	vadd.s32 v23, v4;
	v7 =	vadd.s32 s0, v2;
	v6 =	vld.idx.msk [tilespmem:v19+s11+$0x0], $0xffff;
	[tilespmem:s24+$0xFFFFFFE0] =	vst v20  }
0x236: {  	s14 =	simm.s32 $0xF0C0;
	v13 =	vadd.s32 v12, v4;
	v12 =	vor.u32 $0x2, v14;
	v14 =	vand.u32 $0xF8, v7;
	v7 =	vld.idx.msk [tilespmem:v22+s11+$0x0], $0xffff;
	[tilespmem:s24+$0xFFFFFFF0] =	vst v21  }
.LBB2_50:
0x237: {  	s0 =	sadd.s32 $0x9, s26  }
0x238: {  	s1 =	sadd.s32 $0xA, s26;
	v16 =	vadd.s32 v16, v4;
	v17 =	vor.u32 $0x3, v17;
	v18 =	vadd.s32 v18, v4;
	[tilespmem:s24+$0xFFFFFFD0] =	vst v11;
	s6 =	smov.u32 s26;
	s26 =	sadd.s32 $0x8, s26  }
0x239: {  	v15 =	vor.u32 $0x5, v15;
	s9 =	sshrl.u32 s26, $0x4;
	s1 =	sand.u32 $0x7A, s1;
	s23 =	sadd.s32 $0xB, s6;
	v11 =	vor.u32 $0x1, v16;
	v18 =	vor.u32 $0x7, v18;
	[tilespmem:s24+$0x10] =	vst v8  }
0x23a: {  	v5 =	vbroadcast v5, $0x0;
	v13 =	vor.u32 $0x4, v13;
	s0 =	sand.u32 $0x79, s0;
	s9 =	sand.u32 $0x18, s9;
	v16 =	vadd.s32 s1, v2;
	s1 =	sadd.s32 $0xF, s6;
	[tilespmem:s24+$0x0] =	vst v9  }
0x23b: {  	v4 =	vadd.s32 v14, v4;
	s25 =	sadd.s32 $0xE, s6;
	v8 =	vmov s9;
	s9 =	sadd.s32 $0xD, s6;
	s1 =	sand.u32 $0x7F, s1;
	[tilespmem:s24+$0x30] =	vst v10  }
0x23c: {  	s25 =	sand.u32 $0x7E, s25;
	v14 =	vadd.s32 v1, v5;
	s6 =	sadd.s32 $0xC, s6;
	v8 =	vmul.u32 $0x90, v8;
	s9 =	sand.u32 $0x7D, s9;
	v19 =	vadd.s32 s1, v2;
	v12 =	vld.idx.msk [tilespmem:v12+s11+$0x0], $0xffff;
	[tilespmem:s24+$0xFFFFFFC0] =	vst v6  }
0x23d: {  	p0 =	slt.u32 s26, $0x1F8;
	v21 =	vor.u32 $0x6, v4;
	v6 =	vadd.s32 s0, v2;
	s0 =	sand.u32 $0x7B, s23;
	s1 =	sand.u32 $0x7C, s6;
	v9 =	vadd.s32 s9, v2;
	v20 =	vld.idx.msk [tilespmem:v17+s11+$0x0], $0xffff;
	[tilespmem:s24+$0x20] =	vst v7  }
0x23e: {  	s6 =	sand.u32 $0x78, s26;
	v7 =	vadd.s32 s0, v2;
	v10 =	vadd.s32 s1, v2;
	s24 =	smov.u32 s14;
	v4 =	vbroadcast v8, $0x0;
	v11 =	vld.idx.msk [tilespmem:v11+s11+$0x0], $0xffff  }
.Ltmp28:
0x23f: {  	v5 =	vor.u32 s6, v8;
	v7 =	vand.u32 $0xF8, v7;
	v22 =	vand.u32 $0xF8, v10;
	v8 =	vld.idx.msk [tilespmem:v15+s11+$0x0], $0xffff;
	(pc) =	sbr.rel @p0 .LBB2_50-.Ltmp28, $4  }
0x240: {  	v10 =	vand.u32 $0xF8, v16;
	v15 =	vand.u32 $0xF8, v9;
	v4 =	vadd.s32 v3, v4;
	v9 =	vld.idx.msk [tilespmem:v13+s11+$0x0], $0xffff  }
0x241: {  	v16 =	vand.u32 $0xF8, v6;
	v23 =	vadd.s32 v10, v4;
	v17 =	vadd.s32 v7, v4;
	v10 =	vld.idx.msk [tilespmem:v18+s11+$0x0], $0xffff  }
0x242: {  	v13 =	vadd.s32 v22, v4;
	v15 =	vadd.s32 v15, v4;
	v7 =	vadd.s32 s25, v2;
	v6 =	vld.idx.msk [tilespmem:v14+s11+$0x0], $0xffff;
	[tilespmem:s14+$0xFFFFFFE0] =	vst v12  }
0x243: {  	v18 =	vand.u32 $0xF8, v19;
	v12 =	vor.u32 $0x2, v23;
	v14 =	vand.u32 $0xF8, v7;
	s14 =	sadd.s32 $0x80, s14;
	[tilespmem:s24+$0xFFFFFFF0] =	vst v20;
	v7 =	vld.idx.msk [tilespmem:v21+s11+$0x0], $0xffff  }
0x244: {  	v17 =	vor.u32 $0x3, v17  }
0x245: {  	v15 =	vor.u32 $0x5, v15  }
0x246: {  	v16 =	vadd.s32 v16, v4;
	v56 =	vor.u32 $0x4, v13  }
0x247: {  	v18 =	vadd.s32 v18, v4;
	[tilespmem:s24+$0xFFFFFFD0] =	vst v11;
	v16 =	vor.u32 $0x1, v16  }
0x248: {  	v5 =	vbroadcast v5, $0x0;
	[tilespmem:s24+$0x10] =	vst v8;
	v58 =	vld.idx.msk [tilespmem:v12+s11+$0x0], $0xffff;
	v4 =	vadd.s32 v14, v4;
	v57 =	vor.u32 $0x7, v18  }
0x249: {  	[tilespmem:s24+$0x0] =	vst v9;
	v4 =	vor.u32 $0x6, v4;
	v59 =	vld.idx.msk [tilespmem:v17+s11+$0x0], $0xffff  }
0x24a: {  	v5 =	vadd.s32 v1, v5;
	[tilespmem:s24+$0x30] =	vst v10;
	v61 =	vld.idx.msk [tilespmem:v15+s11+$0x0], $0xffff  }
0x24b: {  	[tilespmem:s24+$0xFFFFFFC0] =	vst v6;
	v62 =	vld.idx.msk [tilespmem:v56+s11+$0x0], $0xffff  }
0x24c: {  	[tilespmem:s24+$0x20] =	vst v7;
	v60 =	vld.idx.msk [tilespmem:v16+s11+$0x0], $0xffff  }
0x24d: {  	[tilespmem:s14+$0xFFFFFFE0] =	vst v58;
	v63 =	vld.idx.msk [tilespmem:v57+s11+$0x0], $0xffff  }
0x24e: {  	v4 =	vld.idx.msk [tilespmem:v4+s11+$0x0], $0xffff;
	[tilespmem:s14+$0xFFFFFFF0] =	vst v59  }
0x24f: {  	v5 =	vld.idx.msk [tilespmem:v5+s11+$0x0], $0xffff;
	[tilespmem:s14+$0x10] =	vst v61  }
0x250: {  	[tilespmem:s14+$0x0] =	vst v62  }
0x251: {  	[tilespmem:s14+$0xFFFFFFD0] =	vst v60  }
0x252: {  	[tilespmem:s14+$0x30] =	vst v63  }
0x253: {  	[tilespmem:s14+$0x20] =	vst v4  }
0x254: {  	s0 =	simm.s32 $0x11600;
	s1 =	simm.s32 $0xF000;
	[tilespmem:s14+$0xFFFFFFC0] =	vst v5  }
0x255: {  	[spmem:s3] =	stream.indirect.scatter.add.f32 [tilespmem:s1], [sflag:$0x8], $0x10, s0, s22, $0xb8;
	[tilespmem:$0x1E400] =	vst v63  }
0x256: {  	s23 =	simm.s32 $0xF800;
	s14 =	simm.s32 $0x11680  }
0x257: {  	[spmem:s3] =	stream.indirect.scatter.add.f32 [tilespmem:s23], [sflag:$0x8], $0x10, s14, s22, $0xb8;
	[tilespmem:$0x1E400] =	vst v63  }
.Ltmp29:
0x258: {  	_ = 	snop;
	(pc) =	sbr.rel .LBB2_52-.Ltmp29, $4  }
0x259: {  	s25 =	simm.s32 $0x10000;
	s24 =	simm.s32 $0x11700  }
0x25a: {  	[spmem:s3] =	stream.indirect.scatter.add.f32 [tilespmem:s25], [sflag:$0x8], $0x10, s24, s22, $0xb8;
	[tilespmem:$0x1E400] =	vst v63  }
0x25b: {  	s26 =	simm.s32 $0x11780;
	s30 =	simm.s32 $0x10800  }
0x25c: {  	[spmem:s3] =	stream.indirect.scatter.add.f32 [tilespmem:s30], [sflag:$0x8], $0x10, s26, s22, $0xb8;
	[tilespmem:$0x1E400] =	vst v63  }
.LBB2_54:
0x25d: {  	_ =	sfence.sel $0x180000  }
0x25e: {  	[bflag:$0x0] =	sbarrier.arrive $0xFFFF  }
0x25f: {  	_ =	strace $0x90000047  }
0x260: {  	s0 =	stileid.u32;
	[bflag:$0x2] =	sbarrier.arrive $0xFFFF  }
0x261: {  	p0 =	sne.s32 s0, $0x0;
	s0 =	rddreg [dreg:$0x5]  }
0x262: {  	s0 =	sadd.s32 @!p0 $0x100000, s0  }
0x263: {  	[sflag:s0] =	ssyncadd.tile.s32 @!p0 $0x1;
	_ =	shalt  }
.Lfunc_end2:
_tile_overlayer_lowered:
.L_overlay_start_2:
0x264: {  	(tag) =	ssettag $0x2  }
0x265: {  	s0 =	rddreg [dreg:$0x0];
	s2 =	stileid.u32  }
0x266: {  	s1 =	rddreg [dreg:$0x1];
	p0 =	sne.s32 s2, $0x0  }
0x267: {  	s3 =	rddreg [dreg:$0x2];
	[bflag:$0x3] =	sbarrier.arrive $0xFFFF;
	s2 =	simm.s32 @!p0 $0x1C09  }
0x268: {  	[timem:s3], [sflag:s2] =	dma.local @!p0 [hbm:s0], s1  }
0x269: {  	s0 =	simm.s32 @!p0 $0x9  }
0x26a: {  	_ =	swait.ge @!p0 [sflag:s0], s1  }
0x26b: {  	s1 =	ssub.s32 @!p0 $0x0, s1;
	[sflag:s0] =	ssyncset.done @!p0 $0x0  }
0x26c: {  	[sflag:s0] =	ssyncadd.s32 @!p0 s1  }
0x26d: {  	[bflag:$0x3] =	sbarrier.arrive $0xFFFF  }
0x26e: {  	_ =	shalt  }

</sc_bundles>
